<compile_context>
chip_gen: v7x
topology: tpu7x:2x2x1
jax: 0.10.2.dev20260603
libtpu: 0.0.44.dev20260713+nightly
codegen_flags: <defaults>
</compile_context>

<pallas_src>
import functools

import jax
import jax.numpy as jnp
from jax import lax
from jax.experimental import pallas as pl
from jax.experimental.pallas import tpu as pltpu
from jax.experimental.pallas import tpu_sc as plsc

_N = 10000
_E = 320000
_D_IN = 128
_D_HID = 128
_D_OUT = 16

_NC = 2
_NS = 16
_NBUF = 4

_PER_TILE = _E // (_NC * _NS)
_K1 = 50
_STEPS1 = _PER_TILE // _K1
_K2 = 125
_STEPS2 = _PER_TILE // _K2
_NP = 10240
_ROWS = _NP // _NS

_BLK = 2000
_GRID = _N // _BLK


def _zero_fill(buf, nrow, ncol):
    zv = jnp.zeros((16,), jnp.float32)

    def row(i, carry):
        for j in range(ncol // 16):
            buf[i, pl.ds(16 * j, 16)] = zv
        return carry

    lax.fori_loop(0, nrow, row, 0)


def _zero_shared(buf, zsrc, r0, nrows, kz):
    nfull = nrows // kz
    rem = nrows - nfull * kz
    for q in range(nfull):
        pltpu.sync_copy(zsrc, buf.at[pl.ds(r0 + q * kz, kz)])
    if rem:
        pltpu.sync_copy(zsrc.at[pl.ds(0, rem)], buf.at[pl.ds(r0 + nfull * kz, rem)])


def _sc_segment_sum_count(table, src, dst):
    width = table.shape[1]
    mesh = plsc.VectorSubcoreMesh(core_axis_name="c", subcore_axis_name="s")

    @functools.partial(
        pl.kernel,
        out_type=[
            jax.ShapeDtypeStruct((_NC, _NP, width), jnp.float32),
            jax.ShapeDtypeStruct((_NC, _NP, 16), jnp.float32),
        ],
        mesh=mesh,
        compiler_params=pltpu.CompilerParams(use_tc_tiling_on_sc=False),
        scratch_types=[
            pltpu.VMEM((_STEPS1, _K1), jnp.int32),
            [pltpu.VMEM((_K1,), jnp.int32) for _ in range(_NBUF)],
            [pltpu.VMEM((_K1, width), jnp.float32) for _ in range(_NBUF)],
            pltpu.VMEM((_K1, 16), jnp.float32),
            pltpu.VMEM_SHARED((_NP, width), jnp.float32),
            pltpu.VMEM_SHARED((_NP, 16), jnp.float32),
            [pltpu.SemaphoreType.DMA for _ in range(_NBUF)],
            [pltpu.SemaphoreType.DMA for _ in range(_NBUF)],
            [pltpu.SemaphoreType.DMA for _ in range(_NBUF)],
            [pltpu.SemaphoreType.DMA for _ in range(_NBUF)],
        ],
    )
    def body(table_h, src_h, dst_h, zc_h, ones_h,
             acc_out_h, cnt_out_h,
             didx, sib, rb, ones_v, acc_sh, cnt_sh,
             semg, semi, sems, semc):
        cid = lax.axis_index("c")
        sid = lax.axis_index("s")
        wid = cid * _NS + sid
        r0 = sid * _ROWS
        pltpu.sync_copy(dst_h.at[wid], didx)
        for b in range(_NBUF):
            pltpu.async_copy(src_h.at[wid, b], sib[b], semi[b])
        pltpu.sync_copy(zc_h, cnt_sh.at[pl.ds(r0, _ROWS)])
        pltpu.sync_copy(ones_h, ones_v)
        _zero_fill(rb[0], _K1, width)
        _zero_shared(acc_sh, rb[0], r0, _ROWS, _K1)
        plsc.subcore_barrier()
        for b in range(_NBUF):
            pltpu.make_async_copy(src_h.at[wid, b], sib[b], semi[b]).wait()
            pltpu.async_copy(table_h.at[sib[b]], rb[b], semg[b])

        def quad(q, carry):
            c0 = _NBUF * q
            for b in range(_NBUF):
                pltpu.make_async_copy(table_h.at[sib[b]], rb[b], semg[b]).wait()
                pltpu.async_copy(rb[b], acc_sh.at[didx.at[c0 + b]], sems[b],
                                 add=True)
                pltpu.async_copy(ones_v, cnt_sh.at[didx.at[c0 + b]], semc[b],
                                 add=True)

                @pl.when(c0 + b + _NBUF < _STEPS1)
                def _():
                    pltpu.async_copy(src_h.at[wid, c0 + b + _NBUF], sib[b],
                                     semi[b])

            for b in range(_NBUF):
                pltpu.make_async_copy(rb[b], acc_sh.at[didx.at[c0 + b]],
                                      sems[b]).wait()
                pltpu.make_async_copy(ones_v, cnt_sh.at[didx.at[c0 + b]],
                                      semc[b]).wait()

                @pl.when(c0 + b + _NBUF < _STEPS1)
                def _():
                    pltpu.make_async_copy(src_h.at[wid, c0 + b + _NBUF],
                                          sib[b], semi[b]).wait()
                    pltpu.async_copy(table_h.at[sib[b]], rb[b], semg[b])

            return carry

        lax.fori_loop(0, _STEPS1 // _NBUF, quad, 0)
        plsc.subcore_barrier()
        pltpu.sync_copy(acc_sh.at[pl.ds(r0, _ROWS)],
                        acc_out_h.at[cid, pl.ds(r0, _ROWS)])
        pltpu.sync_copy(cnt_sh.at[pl.ds(r0, _ROWS)],
                        cnt_out_h.at[cid, pl.ds(r0, _ROWS)])

    zc = jnp.zeros((_ROWS, 16), jnp.float32)
    ones = jnp.ones((_K1, 16), jnp.float32)
    return body(table, src, dst, zc, ones)


def _sc_segment_sum(table, src, dst):
    width = table.shape[1]
    mesh = plsc.VectorSubcoreMesh(core_axis_name="c", subcore_axis_name="s")

    @functools.partial(
        pl.kernel,
        out_type=jax.ShapeDtypeStruct((_NC, _NP, width), jnp.float32),
        mesh=mesh,
        compiler_params=pltpu.CompilerParams(use_tc_tiling_on_sc=False),
        scratch_types=[
            pltpu.VMEM((_STEPS2, _K2), jnp.int32),
            pltpu.VMEM((_STEPS2, _K2), jnp.int32),
            [pltpu.VMEM((_K2, width), jnp.float32) for _ in range(_NBUF)],
            pltpu.VMEM_SHARED((_NP, width), jnp.float32),
            [pltpu.SemaphoreType.DMA for _ in range(_NBUF)],
            [pltpu.SemaphoreType.DMA for _ in range(_NBUF)],
        ],
    )
    def body(table_h, src_h, dst_h, acc_out_h,
             sidx, didx, rb, acc_sh, semg, sems):
        cid = lax.axis_index("c")
        sid = lax.axis_index("s")
        wid = cid * _NS + sid
        r0 = sid * _ROWS
        pltpu.sync_copy(src_h.at[wid], sidx)
        pltpu.sync_copy(dst_h.at[wid], didx)
        _zero_fill(rb[0], _K2, width)
        _zero_shared(acc_sh, rb[0], r0, _ROWS, _K2)
        plsc.subcore_barrier()
        for b in range(_NBUF):
            pltpu.async_copy(table_h.at[sidx.at[b]], rb[b], semg[b])

        def quad(q, carry):
            c0 = _NBUF * q
            for b in range(_NBUF):
                pltpu.make_async_copy(table_h.at[sidx.at[c0 + b]], rb[b],
                                      semg[b]).wait()
                pltpu.async_copy(rb[b], acc_sh.at[didx.at[c0 + b]], sems[b],
                                 add=True)
            for b in range(_NBUF):
                pltpu.make_async_copy(rb[b], acc_sh.at[didx.at[c0 + b]],
                                      sems[b]).wait()

                @pl.when(c0 + b + _NBUF < _STEPS2)
                def _():
                    pltpu.async_copy(table_h.at[sidx.at[c0 + b + _NBUF]],
                                     rb[b], semg[b])

            return carry

        lax.fori_loop(0, _STEPS2 // _NBUF, quad, 0)
        plsc.subcore_barrier()
        pltpu.sync_copy(acc_sh.at[pl.ds(r0, _ROWS)],
                        acc_out_h.at[cid, pl.ds(r0, _ROWS)])

    return body(table, src, dst)


def _tc_middle(p1, c1, x, W1_l, W1_r, b1, W2_l, W2_r, b2):
    def body(p_ref, c_ref, x_ref, w1l_ref, w1r_ref, b1_ref,
             wl_ref, wr_ref, b2_ref, y2_ref, r2_ref):
        acc = p_ref[0] + p_ref[1]
        cnt = c_ref[0, :, 0:1] + c_ref[1, :, 0:1]
        mean = acc / jnp.maximum(cnt, 1.0)
        h = jnp.maximum(
            jnp.dot(mean, w1l_ref[...], preferred_element_type=jnp.float32)
            + jnp.dot(x_ref[...], w1r_ref[...],
                      preferred_element_type=jnp.float32)
            + b1_ref[...], 0.0)
        y2_ref[...] = jnp.dot(h, wl_ref[...],
                              preferred_element_type=jnp.float32)
        r2_ref[...] = jnp.dot(h, wr_ref[...],
                              preferred_element_type=jnp.float32) + b2_ref[...]

    return pl.pallas_call(
        body,
        grid=(_GRID,),
        in_specs=[
            pl.BlockSpec((_NC, _BLK, _D_IN), lambda i: (0, i, 0)),
            pl.BlockSpec((_NC, _BLK, 16), lambda i: (0, i, 0)),
            pl.BlockSpec((_BLK, _D_IN), lambda i: (i, 0)),
            pl.BlockSpec((_D_IN, _D_HID), lambda i: (0, 0)),
            pl.BlockSpec((_D_IN, _D_HID), lambda i: (0, 0)),
            pl.BlockSpec((1, _D_HID), lambda i: (0, 0)),
            pl.BlockSpec((_D_HID, _D_OUT), lambda i: (0, 0)),
            pl.BlockSpec((_D_HID, _D_OUT), lambda i: (0, 0)),
            pl.BlockSpec((1, _D_OUT), lambda i: (0, 0)),
        ],
        out_specs=[
            pl.BlockSpec((_BLK, _D_OUT), lambda i: (i, 0)),
            pl.BlockSpec((_BLK, _D_OUT), lambda i: (i, 0)),
        ],
        out_shape=[
            jax.ShapeDtypeStruct((_N, _D_OUT), jnp.float32),
            jax.ShapeDtypeStruct((_N, _D_OUT), jnp.float32),
        ],
    )(p1, c1, x, W1_l, W1_r, b1.reshape(1, _D_HID),
      W2_l, W2_r, b2.reshape(1, _D_OUT))


def _tc_final(p2, c1, r2):
    def body(p_ref, c_ref, r_ref, o_ref):
        acc = p_ref[0] + p_ref[1]
        cnt = c_ref[0, :, 0:1] + c_ref[1, :, 0:1]
        o_ref[...] = acc / jnp.maximum(cnt, 1.0) + r_ref[...]

    return pl.pallas_call(
        body,
        grid=(_GRID,),
        in_specs=[
            pl.BlockSpec((_NC, _BLK, _D_OUT), lambda i: (0, i, 0)),
            pl.BlockSpec((_NC, _BLK, 16), lambda i: (0, i, 0)),
            pl.BlockSpec((_BLK, _D_OUT), lambda i: (i, 0)),
        ],
        out_specs=pl.BlockSpec((_BLK, _D_OUT), lambda i: (i, 0)),
        out_shape=jax.ShapeDtypeStruct((_N, _D_OUT), jnp.float32),
    )(p2, c1, r2)


def kernel(x, last_update, edge_index, t, msg, W1_l, W1_r, b1, W2_l, W2_r, b2):
    src = edge_index[0]
    dst = edge_index[1]
    src1 = src.reshape(_NC * _NS, _STEPS1, _K1)
    dst1 = dst.reshape(_NC * _NS, _STEPS1, _K1)
    src2 = src.reshape(_NC * _NS, _STEPS2, _K2)
    dst2 = dst.reshape(_NC * _NS, _STEPS2, _K2)

    p1, c1 = _sc_segment_sum_count(x, src1, dst1)
    y2, r2 = _tc_middle(p1, c1, x, W1_l, W1_r, b1, W2_l, W2_r, b2)
    p2 = _sc_segment_sum(y2, src2, dst2)
    return _tc_final(p2, c1, r2)

# --- scband reference (transcript-rebuilt; emitter-appended) ---
"""Pipeline reference for scband-graph-sageembedding-20684562498292 (READ-ONLY COPY).

The authoritative reference and input builder live on the scoring server;
editing this copy changes nothing except your own understanding.
"""

import jax, jax.numpy as jnp
import numpy as np

N = 10000
E = 320000
D_IN = 128
D_HID = 128  # out_channels * 8 = 16 * 8
D_OUT = 16
MSG_DIM = 16

def setup_inputs(seed: int = 0) -> dict:
    key = jax.random.key(seed)
    ks = jax.random.split(key, 12)
    x = jax.random.normal(ks[0], (N, D_IN), dtype=jnp.float32)
    last_update = jax.random.uniform(ks[1], (N,), dtype=jnp.float32)
    edge_index = jax.random.randint(ks[2], (2, E), 0, N, dtype=jnp.int32)
    t = jax.random.uniform(ks[3], (E,), dtype=jnp.float32)
    msg = jax.random.normal(ks[4], (E, MSG_DIM), dtype=jnp.float32)
    # SAGEConv layer 1: lin_l (aggregated neighbors) and lin_r (root), bias in lin_l
    W1_l = jax.random.normal(ks[5], (D_IN, D_HID), dtype=jnp.float32) / np.sqrt(D_IN)
    W1_r = jax.random.normal(ks[6], (D_IN, D_HID), dtype=jnp.float32) / np.sqrt(D_IN)
    b1 = jnp.zeros((D_HID,), dtype=jnp.float32)
    # SAGEConv layer 2
    W2_l = jax.random.normal(ks[7], (D_HID, D_OUT), dtype=jnp.float32) / np.sqrt(D_HID)
    W2_r = jax.random.normal(ks[8], (D_HID, D_OUT), dtype=jnp.float32) / np.sqrt(D_HID)
    b2 = jnp.zeros((D_OUT,), dtype=jnp.float32)
    return {"x": x, "last_update": last_update, "edge_index": edge_index, "t": t,
            "msg": msg, "W1_l": W1_l, "W1_r": W1_r, "b1": b1,
            "W2_l": W2_l, "W2_r": W2_r, "b2": b2}

def _sage_conv(h, edge_index, W_l, W_r, b):
    # PyG SAGEConv(aggr='mean'): out = lin_l(mean_{j in N(i)} h_j) + lin_r(h_i)
    src = edge_index[0]
    dst = edge_index[1]
    msgs = jnp.take(h, src, axis=0)                      # gather  [E, d]
    agg = jax.ops.segment_sum(msgs, dst, num_segments=N)  # scatter-add [N, d]
    cnt = jax.ops.segment_sum(jnp.ones((edge_index.shape[1],), dtype=h.dtype), dst, num_segments=N)
    mean = agg / jnp.maximum(cnt, 1.0)[:, None]
    return mean @ W_l + h @ W_r + b

def reference(x, last_update, edge_index, t, msg, W1_l, W1_r, b1, W2_l, W2_r, b2):
    # last_update, t, msg are accepted but unused (matches original forward)
    h = jax.nn.relu(_sage_conv(x, edge_index, W1_l, W1_r, b1))
    out = _sage_conv(h, edge_index, W2_l, W2_r, b2)
    return out

if __name__ == "__main__":
    import jax
    _d = setup_inputs()
    print(jax.jit(kernel)(*tuple(_d.values())))

</pallas_src>

<mosaic_0001>
#map = affine_map<(d0, d1) -> (0, 0)>
#map1 = affine_map<(d0, d1) -> (0, 0, 0)>
module attributes {stable_mosaic.version = 14 : i64} {
  func.func @body(%arg0: i32, %arg1: i32, %arg2: memref<10000x16xf32, #tpu.memory_space<hbm>>, %arg3: memref<32x80x125xi32, #tpu.memory_space<hbm>>, %arg4: memref<32x80x125xi32, #tpu.memory_space<hbm>>, %arg5: memref<2x10240x16xf32, #tpu.memory_space<hbm>>, %arg6: memref<80x125xi32, #tpu.memory_space<vmem>>, %arg7: memref<80x125xi32, #tpu.memory_space<vmem>>, %arg8: memref<125x16xf32, #tpu.memory_space<vmem>>, %arg9: memref<125x16xf32, #tpu.memory_space<vmem>>, %arg10: memref<125x16xf32, #tpu.memory_space<vmem>>, %arg11: memref<125x16xf32, #tpu.memory_space<vmem>>, %arg12: memref<10240x16xf32, #tpu.memory_space<vmem_shared>>, %arg13: memref<!tpu.dma_semaphore, #tpu.memory_space<semaphore_mem>>, %arg14: memref<!tpu.dma_semaphore, #tpu.memory_space<semaphore_mem>>, %arg15: memref<!tpu.dma_semaphore, #tpu.memory_space<semaphore_mem>>, %arg16: memref<!tpu.dma_semaphore, #tpu.memory_space<semaphore_mem>>, %arg17: memref<!tpu.dma_semaphore, #tpu.memory_space<semaphore_mem>>, %arg18: memref<!tpu.dma_semaphore, #tpu.memory_space<semaphore_mem>>, %arg19: memref<!tpu.dma_semaphore, #tpu.memory_space<semaphore_mem>>, %arg20: memref<!tpu.dma_semaphore, #tpu.memory_space<semaphore_mem>>) attributes {dimension_semantics = [#tpu.dimension_semantics<core_parallel>, #tpu.dimension_semantics<subcore_parallel>], iteration_bounds = array<i64: 2, 16>, scalar_prefetch = 0 : i64, scratch_operands = 15 : i64, tpu.core_type = #tpu.core_type<sc_vector_subcore>, window_params = [{transform_indices = #map}, {transform_indices = #map1}, {transform_indices = #map1}, {transform_indices = #map1}]} {
    %mul3A = arith.constant 16 : i32
    %mul3A_0 = arith.muli %arg0, %mul3A : i32
    %add3A = arith.addi %mul3A_0, %arg1 : i32
    %mul3A_1 = arith.constant 640 : i32
    %mul3A_2 = arith.muli %arg1, %mul3A_1 : i32
    "tpu.region"() ({
      %run_scoped3A = tpu.sem_alloc : memref<!tpu.dma_semaphore, #tpu.memory_space<semaphore_mem>>
      %dma_start3A_55 = arith.constant 0 : i32
      %dma_start3A_56 = arith.constant 0 : i32
      %dma_start3A_57 = tpu.memref_slice %arg3[%add3A, %dma_start3A_55, %dma_start3A_56] : memref<32x80x125xi32, #tpu.memory_space<hbm>> -> memref<1x80x125xi32, #tpu.memory_space<hbm>>
      %dma_start3A_58 = tpu.memref_squeeze %dma_start3A_57 : memref<1x80x125xi32, #tpu.memory_space<hbm>> -> memref<80x125xi32, #tpu.memory_space<hbm>>
      %dma_start3A_59 = arith.constant 0 : i32
      %dma_start3A_60 = arith.constant 0 : i32
      %dma_start3A_61 = tpu.memref_slice %arg3[%add3A, %dma_start3A_59, %dma_start3A_60] : memref<32x80x125xi32, #tpu.memory_space<hbm>> -> memref<1x80x125xi32, #tpu.memory_space<hbm>>
      %dma_start3A_62 = tpu.memref_squeeze %dma_start3A_61 : memref<1x80x125xi32, #tpu.memory_space<hbm>> -> memref<80x125xi32, #tpu.memory_space<hbm>>
      tpu.enqueue_dma source(%dma_start3A_62 : memref<80x125xi32, #tpu.memory_space<hbm>>) target(%arg6 : memref<80x125xi32, #tpu.memory_space<vmem>>) target_semaphore(%run_scoped3A : memref<!tpu.dma_semaphore, #tpu.memory_space<semaphore_mem>>)
      %dma_wait3A = arith.constant 0 : i32
      %dma_wait3A_63 = arith.constant 0 : i32
      %dma_wait3A_64 = tpu.memref_slice %arg3[%add3A, %dma_wait3A, %dma_wait3A_63] : memref<32x80x125xi32, #tpu.memory_space<hbm>> -> memref<1x80x125xi32, #tpu.memory_space<hbm>>
      %dma_wait3A_65 = tpu.memref_squeeze %dma_wait3A_64 : memref<1x80x125xi32, #tpu.memory_space<hbm>> -> memref<80x125xi32, #tpu.memory_space<hbm>>
      %dma_wait3A_66 = arith.constant 0 : i32
      %dma_wait3A_67 = arith.constant 0 : i32
      %dma_wait3A_68 = tpu.memref_slice %arg3[%add3A, %dma_wait3A_66, %dma_wait3A_67] : memref<32x80x125xi32, #tpu.memory_space<hbm>> -> memref<1x80x125xi32, #tpu.memory_space<hbm>>
      %dma_wait3A_69 = tpu.memref_squeeze %dma_wait3A_68 : memref<1x80x125xi32, #tpu.memory_space<hbm>> -> memref<80x125xi32, #tpu.memory_space<hbm>>
      tpu.wait_dma2 semaphore(%run_scoped3A : memref<!tpu.dma_semaphore, #tpu.memory_space<semaphore_mem>>) src(%dma_wait3A_69 : memref<80x125xi32, #tpu.memory_space<hbm>>) dst(%arg6 : memref<80x125xi32, #tpu.memory_space<vmem>>)
      tpu.yield
    }) : () -> ()
    "tpu.region"() ({
      %run_scoped3A = tpu.sem_alloc : memref<!tpu.dma_semaphore, #tpu.memory_space<semaphore_mem>>
      %dma_start3A_55 = arith.constant 0 : i32
      %dma_start3A_56 = arith.constant 0 : i32
      %dma_start3A_57 = tpu.memref_slice %arg4[%add3A, %dma_start3A_55, %dma_start3A_56] : memref<32x80x125xi32, #tpu.memory_space<hbm>> -> memref<1x80x125xi32, #tpu.memory_space<hbm>>
      %dma_start3A_58 = tpu.memref_squeeze %dma_start3A_57 : memref<1x80x125xi32, #tpu.memory_space<hbm>> -> memref<80x125xi32, #tpu.memory_space<hbm>>
      %dma_start3A_59 = arith.constant 0 : i32
      %dma_start3A_60 = arith.constant 0 : i32
      %dma_start3A_61 = tpu.memref_slice %arg4[%add3A, %dma_start3A_59, %dma_start3A_60] : memref<32x80x125xi32, #tpu.memory_space<hbm>> -> memref<1x80x125xi32, #tpu.memory_space<hbm>>
      %dma_start3A_62 = tpu.memref_squeeze %dma_start3A_61 : memref<1x80x125xi32, #tpu.memory_space<hbm>> -> memref<80x125xi32, #tpu.memory_space<hbm>>
      tpu.enqueue_dma source(%dma_start3A_62 : memref<80x125xi32, #tpu.memory_space<hbm>>) target(%arg7 : memref<80x125xi32, #tpu.memory_space<vmem>>) target_semaphore(%run_scoped3A : memref<!tpu.dma_semaphore, #tpu.memory_space<semaphore_mem>>)
      %dma_wait3A = arith.constant 0 : i32
      %dma_wait3A_63 = arith.constant 0 : i32
      %dma_wait3A_64 = tpu.memref_slice %arg4[%add3A, %dma_wait3A, %dma_wait3A_63] : memref<32x80x125xi32, #tpu.memory_space<hbm>> -> memref<1x80x125xi32, #tpu.memory_space<hbm>>
      %dma_wait3A_65 = tpu.memref_squeeze %dma_wait3A_64 : memref<1x80x125xi32, #tpu.memory_space<hbm>> -> memref<80x125xi32, #tpu.memory_space<hbm>>
      %dma_wait3A_66 = arith.constant 0 : i32
      %dma_wait3A_67 = arith.constant 0 : i32
      %dma_wait3A_68 = tpu.memref_slice %arg4[%add3A, %dma_wait3A_66, %dma_wait3A_67] : memref<32x80x125xi32, #tpu.memory_space<hbm>> -> memref<1x80x125xi32, #tpu.memory_space<hbm>>
      %dma_wait3A_69 = tpu.memref_squeeze %dma_wait3A_68 : memref<1x80x125xi32, #tpu.memory_space<hbm>> -> memref<80x125xi32, #tpu.memory_space<hbm>>
      tpu.wait_dma2 semaphore(%run_scoped3A : memref<!tpu.dma_semaphore, #tpu.memory_space<semaphore_mem>>) src(%dma_wait3A_69 : memref<80x125xi32, #tpu.memory_space<hbm>>) dst(%arg7 : memref<80x125xi32, #tpu.memory_space<vmem>>)
      tpu.yield
    }) : () -> ()
    %broadcast_in_dim3A = arith.constant 0.000000e+00 : f32
    %broadcast_in_dim3A_3 = vector.broadcast %broadcast_in_dim3A : f32 to vector<16xf32>
    %scan3A = arith.constant 0 : i32
    %scan3A_4 = arith.constant 0 : i32
    %scan3A_5 = arith.constant 125 : i32
    %scan3A_6 = arith.addi %scan3A_4, %scan3A_5 : i32
    %scan3A_7 = arith.constant 1 : i32
    scf.for %scan3A_55 = %scan3A_4 to %scan3A_6 step %scan3A_7  : i32 {
      %swap3A = arith.index_cast %scan3A_55 : i32 to index
      %swap3A_56 = arith.constant 0 : index
      %swap3A_57 = tpu.vector_load %arg8[%swap3A, %swap3A_56] {strides = array<i32>} : memref<125x16xf32, #tpu.memory_space<vmem>>, vector<1x16xf32>,
      %swap3A_58 = vector.shape_cast %swap3A_57 : vector<1x16xf32> to vector<16xf32>
      %swap3A_59 = vector.shape_cast %broadcast_in_dim3A_3 : vector<16xf32> to vector<1x16xf32>
      tpu.vector_store %arg8[%swap3A, %swap3A_56], %swap3A_59 {strides = array<i32>} : memref<125x16xf32, #tpu.memory_space<vmem>>, vector<1x16xf32>,
    }
    %scan3A_8 = arith.constant 125 : i32
    %add3A_9 = arith.constant 0 : i32
    %add3A_10 = arith.addi %mul3A_2, %add3A_9 : i32
    "tpu.region"() ({
      %run_scoped3A = tpu.sem_alloc : memref<!tpu.dma_semaphore, #tpu.memory_space<semaphore_mem>>
      %dma_start3A_55 = arith.constant 0 : i32
      %dma_start3A_56 = tpu.memref_slice %arg12[%add3A_10, %dma_start3A_55] : memref<10240x16xf32, #tpu.memory_space<vmem_shared>> -> memref<125x16xf32, #tpu.memory_space<vmem_shared>>
      %dma_start3A_57 = arith.constant 0 : i32
      %dma_start3A_58 = tpu.memref_slice %arg12[%add3A_10, %dma_start3A_57] : memref<10240x16xf32, #tpu.memory_space<vmem_shared>> -> memref<125x16xf32, #tpu.memory_space<vmem_shared>>
      tpu.enqueue_dma source(%arg8 : memref<125x16xf32, #tpu.memory_space<vmem>>) target(%dma_start3A_58 : memref<125x16xf32, #tpu.memory_space<vmem_shared>>) target_semaphore(%run_scoped3A : memref<!tpu.dma_semaphore, #tpu.memory_space<semaphore_mem>>)
      %dma_wait3A = arith.constant 0 : i32
      %dma_wait3A_59 = tpu.memref_slice %arg12[%add3A_10, %dma_wait3A] : memref<10240x16xf32, #tpu.memory_space<vmem_shared>> -> memref<125x16xf32, #tpu.memory_space<vmem_shared>>
      %dma_wait3A_60 = arith.constant 0 : i32
      %dma_wait3A_61 = tpu.memref_slice %arg12[%add3A_10, %dma_wait3A_60] : memref<10240x16xf32, #tpu.memory_space<vmem_shared>> -> memref<125x16xf32, #tpu.memory_space<vmem_shared>>
      tpu.wait_dma2 semaphore(%run_scoped3A : memref<!tpu.dma_semaphore, #tpu.memory_space<semaphore_mem>>) src(%arg8 : memref<125x16xf32, #tpu.memory_space<vmem>>) dst(%dma_wait3A_61 : memref<125x16xf32, #tpu.memory_space<vmem_shared>>)
      tpu.yield
    }) : () -> ()
    %add3A_11 = arith.constant 125 : i32
    %add3A_12 = arith.addi %mul3A_2, %add3A_11 : i32
    "tpu.region"() ({
      %run_scoped3A = tpu.sem_alloc : memref<!tpu.dma_semaphore, #tpu.memory_space<semaphore_mem>>
      %dma_start3A_55 = arith.constant 0 : i32
      %dma_start3A_56 = tpu.memref_slice %arg12[%add3A_12, %dma_start3A_55] : memref<10240x16xf32, #tpu.memory_space<vmem_shared>> -> memref<125x16xf32, #tpu.memory_space<vmem_shared>>
      %dma_start3A_57 = arith.constant 0 : i32
      %dma_start3A_58 = tpu.memref_slice %arg12[%add3A_12, %dma_start3A_57] : memref<10240x16xf32, #tpu.memory_space<vmem_shared>> -> memref<125x16xf32, #tpu.memory_space<vmem_shared>>
      tpu.enqueue_dma source(%arg8 : memref<125x16xf32, #tpu.memory_space<vmem>>) target(%dma_start3A_58 : memref<125x16xf32, #tpu.memory_space<vmem_shared>>) target_semaphore(%run_scoped3A : memref<!tpu.dma_semaphore, #tpu.memory_space<semaphore_mem>>)
      %dma_wait3A = arith.constant 0 : i32
      %dma_wait3A_59 = tpu.memref_slice %arg12[%add3A_12, %dma_wait3A] : memref<10240x16xf32, #tpu.memory_space<vmem_shared>> -> memref<125x16xf32, #tpu.memory_space<vmem_shared>>
      %dma_wait3A_60 = arith.constant 0 : i32
      %dma_wait3A_61 = tpu.memref_slice %arg12[%add3A_12, %dma_wait3A_60] : memref<10240x16xf32, #tpu.memory_space<vmem_shared>> -> memref<125x16xf32, #tpu.memory_space<vmem_shared>>
      tpu.wait_dma2 semaphore(%run_scoped3A : memref<!tpu.dma_semaphore, #tpu.memory_space<semaphore_mem>>) src(%arg8 : memref<125x16xf32, #tpu.memory_space<vmem>>) dst(%dma_wait3A_61 : memref<125x16xf32, #tpu.memory_space<vmem_shared>>)
      tpu.yield
    }) : () -> ()
    %add3A_13 = arith.constant 250 : i32
    %add3A_14 = arith.addi %mul3A_2, %add3A_13 : i32
    "tpu.region"() ({
      %run_scoped3A = tpu.sem_alloc : memref<!tpu.dma_semaphore, #tpu.memory_space<semaphore_mem>>
      %dma_start3A_55 = arith.constant 0 : i32
      %dma_start3A_56 = tpu.memref_slice %arg12[%add3A_14, %dma_start3A_55] : memref<10240x16xf32, #tpu.memory_space<vmem_shared>> -> memref<125x16xf32, #tpu.memory_space<vmem_shared>>
      %dma_start3A_57 = arith.constant 0 : i32
      %dma_start3A_58 = tpu.memref_slice %arg12[%add3A_14, %dma_start3A_57] : memref<10240x16xf32, #tpu.memory_space<vmem_shared>> -> memref<125x16xf32, #tpu.memory_space<vmem_shared>>
      tpu.enqueue_dma source(%arg8 : memref<125x16xf32, #tpu.memory_space<vmem>>) target(%dma_start3A_58 : memref<125x16xf32, #tpu.memory_space<vmem_shared>>) target_semaphore(%run_scoped3A : memref<!tpu.dma_semaphore, #tpu.memory_space<semaphore_mem>>)
      %dma_wait3A = arith.constant 0 : i32
      %dma_wait3A_59 = tpu.memref_slice %arg12[%add3A_14, %dma_wait3A] : memref<10240x16xf32, #tpu.memory_space<vmem_shared>> -> memref<125x16xf32, #tpu.memory_space<vmem_shared>>
      %dma_wait3A_60 = arith.constant 0 : i32
      %dma_wait3A_61 = tpu.memref_slice %arg12[%add3A_14, %dma_wait3A_60] : memref<10240x16xf32, #tpu.memory_space<vmem_shared>> -> memref<125x16xf32, #tpu.memory_space<vmem_shared>>
      tpu.wait_dma2 semaphore(%run_scoped3A : memref<!tpu.dma_semaphore, #tpu.memory_space<semaphore_mem>>) src(%arg8 : memref<125x16xf32, #tpu.memory_space<vmem>>) dst(%dma_wait3A_61 : memref<125x16xf32, #tpu.memory_space<vmem_shared>>)
      tpu.yield
    }) : () -> ()
    %add3A_15 = arith.constant 375 : i32
    %add3A_16 = arith.addi %mul3A_2, %add3A_15 : i32
    "tpu.region"() ({
      %run_scoped3A = tpu.sem_alloc : memref<!tpu.dma_semaphore, #tpu.memory_space<semaphore_mem>>
      %dma_start3A_55 = arith.constant 0 : i32
      %dma_start3A_56 = tpu.memref_slice %arg12[%add3A_16, %dma_start3A_55] : memref<10240x16xf32, #tpu.memory_space<vmem_shared>> -> memref<125x16xf32, #tpu.memory_space<vmem_shared>>
      %dma_start3A_57 = arith.constant 0 : i32
      %dma_start3A_58 = tpu.memref_slice %arg12[%add3A_16, %dma_start3A_57] : memref<10240x16xf32, #tpu.memory_space<vmem_shared>> -> memref<125x16xf32, #tpu.memory_space<vmem_shared>>
      tpu.enqueue_dma source(%arg8 : memref<125x16xf32, #tpu.memory_space<vmem>>) target(%dma_start3A_58 : memref<125x16xf32, #tpu.memory_space<vmem_shared>>) target_semaphore(%run_scoped3A : memref<!tpu.dma_semaphore, #tpu.memory_space<semaphore_mem>>)
      %dma_wait3A = arith.constant 0 : i32
      %dma_wait3A_59 = tpu.memref_slice %arg12[%add3A_16, %dma_wait3A] : memref<10240x16xf32, #tpu.memory_space<vmem_shared>> -> memref<125x16xf32, #tpu.memory_space<vmem_shared>>
      %dma_wait3A_60 = arith.constant 0 : i32
      %dma_wait3A_61 = tpu.memref_slice %arg12[%add3A_16, %dma_wait3A_60] : memref<10240x16xf32, #tpu.memory_space<vmem_shared>> -> memref<125x16xf32, #tpu.memory_space<vmem_shared>>
      tpu.wait_dma2 semaphore(%run_scoped3A : memref<!tpu.dma_semaphore, #tpu.memory_space<semaphore_mem>>) src(%arg8 : memref<125x16xf32, #tpu.memory_space<vmem>>) dst(%dma_wait3A_61 : memref<125x16xf32, #tpu.memory_space<vmem_shared>>)
      tpu.yield
    }) : () -> ()
    %add3A_17 = arith.constant 500 : i32
    %add3A_18 = arith.addi %mul3A_2, %add3A_17 : i32
    "tpu.region"() ({
      %run_scoped3A = tpu.sem_alloc : memref<!tpu.dma_semaphore, #tpu.memory_space<semaphore_mem>>
      %dma_start3A_55 = arith.constant 0 : i32
      %dma_start3A_56 = tpu.memref_slice %arg12[%add3A_18, %dma_start3A_55] : memref<10240x16xf32, #tpu.memory_space<vmem_shared>> -> memref<125x16xf32, #tpu.memory_space<vmem_shared>>
      %dma_start3A_57 = arith.constant 0 : i32
      %dma_start3A_58 = tpu.memref_slice %arg12[%add3A_18, %dma_start3A_57] : memref<10240x16xf32, #tpu.memory_space<vmem_shared>> -> memref<125x16xf32, #tpu.memory_space<vmem_shared>>
      tpu.enqueue_dma source(%arg8 : memref<125x16xf32, #tpu.memory_space<vmem>>) target(%dma_start3A_58 : memref<125x16xf32, #tpu.memory_space<vmem_shared>>) target_semaphore(%run_scoped3A : memref<!tpu.dma_semaphore, #tpu.memory_space<semaphore_mem>>)
      %dma_wait3A = arith.constant 0 : i32
      %dma_wait3A_59 = tpu.memref_slice %arg12[%add3A_18, %dma_wait3A] : memref<10240x16xf32, #tpu.memory_space<vmem_shared>> -> memref<125x16xf32, #tpu.memory_space<vmem_shared>>
      %dma_wait3A_60 = arith.constant 0 : i32
      %dma_wait3A_61 = tpu.memref_slice %arg12[%add3A_18, %dma_wait3A_60] : memref<10240x16xf32, #tpu.memory_space<vmem_shared>> -> memref<125x16xf32, #tpu.memory_space<vmem_shared>>
      tpu.wait_dma2 semaphore(%run_scoped3A : memref<!tpu.dma_semaphore, #tpu.memory_space<semaphore_mem>>) src(%arg8 : memref<125x16xf32, #tpu.memory_space<vmem>>) dst(%dma_wait3A_61 : memref<125x16xf32, #tpu.memory_space<vmem_shared>>)
      tpu.yield
    }) : () -> ()
    %add3A_19 = arith.constant 625 : i32
    %add3A_20 = arith.addi %mul3A_2, %add3A_19 : i32
    "tpu.region"() ({
      %run_scoped3A = tpu.sem_alloc : memref<!tpu.dma_semaphore, #tpu.memory_space<semaphore_mem>>
      %dma_start3A_55 = arith.constant 0 : i32
      %dma_start3A_56 = arith.constant 0 : i32
      %dma_start3A_57 = tpu.memref_slice %arg8[%dma_start3A_55, %dma_start3A_56] : memref<125x16xf32, #tpu.memory_space<vmem>> -> memref<15x16xf32, #tpu.memory_space<vmem>>
      %dma_start3A_58 = arith.constant 0 : i32
      %dma_start3A_59 = tpu.memref_slice %arg12[%add3A_20, %dma_start3A_58] : memref<10240x16xf32, #tpu.memory_space<vmem_shared>> -> memref<15x16xf32, #tpu.memory_space<vmem_shared>>
      %dma_start3A_60 = arith.constant 0 : i32
      %dma_start3A_61 = tpu.memref_slice %arg12[%add3A_20, %dma_start3A_60] : memref<10240x16xf32, #tpu.memory_space<vmem_shared>> -> memref<15x16xf32, #tpu.memory_space<vmem_shared>>
      %dma_start3A_62 = arith.constant 0 : i32
      %dma_start3A_63 = arith.constant 0 : i32
      %dma_start3A_64 = tpu.memref_slice %arg8[%dma_start3A_62, %dma_start3A_63] : memref<125x16xf32, #tpu.memory_space<vmem>> -> memref<15x16xf32, #tpu.memory_space<vmem>>
      tpu.enqueue_dma source(%dma_start3A_64 : memref<15x16xf32, #tpu.memory_space<vmem>>) target(%dma_start3A_61 : memref<15x16xf32, #tpu.memory_space<vmem_shared>>) target_semaphore(%run_scoped3A : memref<!tpu.dma_semaphore, #tpu.memory_space<semaphore_mem>>)
      %dma_wait3A = arith.constant 0 : i32
      %dma_wait3A_65 = arith.constant 0 : i32
      %dma_wait3A_66 = tpu.memref_slice %arg8[%dma_wait3A, %dma_wait3A_65] : memref<125x16xf32, #tpu.memory_space<vmem>> -> memref<15x16xf32, #tpu.memory_space<vmem>>
      %dma_wait3A_67 = arith.constant 0 : i32
      %dma_wait3A_68 = tpu.memref_slice %arg12[%add3A_20, %dma_wait3A_67] : memref<10240x16xf32, #tpu.memory_space<vmem_shared>> -> memref<15x16xf32, #tpu.memory_space<vmem_shared>>
      %dma_wait3A_69 = arith.constant 0 : i32
      %dma_wait3A_70 = tpu.memref_slice %arg12[%add3A_20, %dma_wait3A_69] : memref<10240x16xf32, #tpu.memory_space<vmem_shared>> -> memref<15x16xf32, #tpu.memory_space<vmem_shared>>
      %dma_wait3A_71 = arith.constant 0 : i32
      %dma_wait3A_72 = arith.constant 0 : i32
      %dma_wait3A_73 = tpu.memref_slice %arg8[%dma_wait3A_71, %dma_wait3A_72] : memref<125x16xf32, #tpu.memory_space<vmem>> -> memref<15x16xf32, #tpu.memory_space<vmem>>
      tpu.wait_dma2 semaphore(%run_scoped3A : memref<!tpu.dma_semaphore, #tpu.memory_space<semaphore_mem>>) src(%dma_wait3A_73 : memref<15x16xf32, #tpu.memory_space<vmem>>) dst(%dma_wait3A_70 : memref<15x16xf32, #tpu.memory_space<vmem_shared>>)
      tpu.yield
    }) : () -> ()
    %barrier3A = arith.constant 0 : index
    tpu.barrier barrier_id(%barrier3A)
    %dma_start3A = arith.constant 0 : i32
    %dma_start3A_21 = arith.constant 0 : i32
    %dma_start3A_22 = tpu.memref_slice %arg6[%dma_start3A, %dma_start3A_21] : memref<80x125xi32, #tpu.memory_space<vmem>> -> memref<1x125xi32, #tpu.memory_space<vmem>>
    %dma_start3A_23 = tpu.memref_squeeze %dma_start3A_22 : memref<1x125xi32, #tpu.memory_space<vmem>> -> memref<125xi32, #tpu.memory_space<vmem>>
    %dma_start3A_24 = arith.constant 0 : i32
    %dma_start3A_25 = arith.constant 0 : i32
    %dma_start3A_26 = tpu.memref_slice %arg2[%dma_start3A_24, %dma_start3A_25] : memref<10000x16xf32, #tpu.memory_space<hbm>> -> memref<10000x16xf32, #tpu.memory_space<hbm>>
    tpu.enqueue_indirect_dma source(%dma_start3A_26 : memref<10000x16xf32, #tpu.memory_space<hbm>>) target(%arg8 : memref<125x16xf32, #tpu.memory_space<vmem>>) offsets(%dma_start3A_23 : memref<125xi32, #tpu.memory_space<vmem>>) semaphore(%arg13 : memref<!tpu.dma_semaphore, #tpu.memory_space<semaphore_mem>>)
    %dma_start3A_27 = arith.constant 1 : i32
    %dma_start3A_28 = arith.constant 0 : i32
    %dma_start3A_29 = tpu.memref_slice %arg6[%dma_start3A_27, %dma_start3A_28] : memref<80x125xi32, #tpu.memory_space<vmem>> -> memref<1x125xi32, #tpu.memory_space<vmem>>
    %dma_start3A_30 = tpu.memref_squeeze %dma_start3A_29 : memref<1x125xi32, #tpu.memory_space<vmem>> -> memref<125xi32, #tpu.memory_space<vmem>>
    %dma_start3A_31 = arith.constant 0 : i32
    %dma_start3A_32 = arith.constant 0 : i32
    %dma_start3A_33 = tpu.memref_slice %arg2[%dma_start3A_31, %dma_start3A_32] : memref<10000x16xf32, #tpu.memory_space<hbm>> -> memref<10000x16xf32, #tpu.memory_space<hbm>>
    tpu.enqueue_indirect_dma source(%dma_start3A_33 : memref<10000x16xf32, #tpu.memory_space<hbm>>) target(%arg9 : memref<125x16xf32, #tpu.memory_space<vmem>>) offsets(%dma_start3A_30 : memref<125xi32, #tpu.memory_space<vmem>>) semaphore(%arg14 : memref<!tpu.dma_semaphore, #tpu.memory_space<semaphore_mem>>)
    %dma_start3A_34 = arith.constant 2 : i32
    %dma_start3A_35 = arith.constant 0 : i32
    %dma_start3A_36 = tpu.memref_slice %arg6[%dma_start3A_34, %dma_start3A_35] : memref<80x125xi32, #tpu.memory_space<vmem>> -> memref<1x125xi32, #tpu.memory_space<vmem>>
    %dma_start3A_37 = tpu.memref_squeeze %dma_start3A_36 : memref<1x125xi32, #tpu.memory_space<vmem>> -> memref<125xi32, #tpu.memory_space<vmem>>
    %dma_start3A_38 = arith.constant 0 : i32
    %dma_start3A_39 = arith.constant 0 : i32
    %dma_start3A_40 = tpu.memref_slice %arg2[%dma_start3A_38, %dma_start3A_39] : memref<10000x16xf32, #tpu.memory_space<hbm>> -> memref<10000x16xf32, #tpu.memory_space<hbm>>
    tpu.enqueue_indirect_dma source(%dma_start3A_40 : memref<10000x16xf32, #tpu.memory_space<hbm>>) target(%arg10 : memref<125x16xf32, #tpu.memory_space<vmem>>) offsets(%dma_start3A_37 : memref<125xi32, #tpu.memory_space<vmem>>) semaphore(%arg15 : memref<!tpu.dma_semaphore, #tpu.memory_space<semaphore_mem>>)
    %dma_start3A_41 = arith.constant 3 : i32
    %dma_start3A_42 = arith.constant 0 : i32
    %dma_start3A_43 = tpu.memref_slice %arg6[%dma_start3A_41, %dma_start3A_42] : memref<80x125xi32, #tpu.memory_space<vmem>> -> memref<1x125xi32, #tpu.memory_space<vmem>>
    %dma_start3A_44 = tpu.memref_squeeze %dma_start3A_43 : memref<1x125xi32, #tpu.memory_space<vmem>> -> memref<125xi32, #tpu.memory_space<vmem>>
    %dma_start3A_45 = arith.constant 0 : i32
    %dma_start3A_46 = arith.constant 0 : i32
    %dma_start3A_47 = tpu.memref_slice %arg2[%dma_start3A_45, %dma_start3A_46] : memref<10000x16xf32, #tpu.memory_space<hbm>> -> memref<10000x16xf32, #tpu.memory_space<hbm>>
    tpu.enqueue_indirect_dma source(%dma_start3A_47 : memref<10000x16xf32, #tpu.memory_space<hbm>>) target(%arg11 : memref<125x16xf32, #tpu.memory_space<vmem>>) offsets(%dma_start3A_44 : memref<125xi32, #tpu.memory_space<vmem>>) semaphore(%arg16 : memref<!tpu.dma_semaphore, #tpu.memory_space<semaphore_mem>>)
    %scan3A_48 = arith.constant 0 : i32
    %scan3A_49 = arith.constant 0 : i32
    %scan3A_50 = arith.constant 20 : i32
    %scan3A_51 = arith.addi %scan3A_49, %scan3A_50 : i32
    %scan3A_52 = arith.constant 1 : i32
    scf.for %scan3A_55 = %scan3A_49 to %scan3A_51 step %scan3A_52  : i32 {
      %mul3A_56 = arith.constant 4 : i32
      %mul3A_57 = arith.muli %mul3A_56, %scan3A_55 : i32
      %add3A_58 = arith.constant 0 : i32
      %add3A_59 = arith.addi %mul3A_57, %add3A_58 : i32
      %dma_wait3A = arith.constant 0 : i32
      %dma_wait3A_60 = tpu.memref_slice %arg6[%add3A_59, %dma_wait3A] : memref<80x125xi32, #tpu.memory_space<vmem>> -> memref<1x125xi32, #tpu.memory_space<vmem>>
      %dma_wait3A_61 = tpu.memref_squeeze %dma_wait3A_60 : memref<1x125xi32, #tpu.memory_space<vmem>> -> memref<125xi32, #tpu.memory_space<vmem>>
      %dma_wait3A_62 = arith.constant 0 : i32
      %dma_wait3A_63 = arith.constant 0 : i32
      %dma_wait3A_64 = tpu.memref_slice %arg2[%dma_wait3A_62, %dma_wait3A_63] : memref<10000x16xf32, #tpu.memory_space<hbm>> -> memref<10000x16xf32, #tpu.memory_space<hbm>>
      tpu.wait_indirect_dma semaphore(%arg13 : memref<!tpu.dma_semaphore, #tpu.memory_space<semaphore_mem>>) src(%dma_wait3A_64 : memref<10000x16xf32, #tpu.memory_space<hbm>>) dst(%arg8 : memref<125x16xf32, #tpu.memory_space<vmem>>)
      %add3A_65 = arith.constant 0 : i32
      %add3A_66 = arith.addi %mul3A_57, %add3A_65 : i32
      %dma_start3A_67 = arith.constant 0 : i32
      %dma_start3A_68 = tpu.memref_slice %arg7[%add3A_66, %dma_start3A_67] : memref<80x125xi32, #tpu.memory_space<vmem>> -> memref<1x125xi32, #tpu.memory_space<vmem>>
      %dma_start3A_69 = tpu.memref_squeeze %dma_start3A_68 : memref<1x125xi32, #tpu.memory_space<vmem>> -> memref<125xi32, #tpu.memory_space<vmem>>
      %dma_start3A_70 = arith.constant 0 : i32
      %dma_start3A_71 = arith.constant 0 : i32
      %dma_start3A_72 = tpu.memref_slice %arg12[%dma_start3A_70, %dma_start3A_71] : memref<10240x16xf32, #tpu.memory_space<vmem_shared>> -> memref<10240x16xf32, #tpu.memory_space<vmem_shared>>
      tpu.enqueue_indirect_dma source(%arg8 : memref<125x16xf32, #tpu.memory_space<vmem>>) target(%dma_start3A_72 : memref<10240x16xf32, #tpu.memory_space<vmem_shared>>) offsets(%dma_start3A_69 : memref<125xi32, #tpu.memory_space<vmem>>) semaphore(%arg17 : memref<!tpu.dma_semaphore, #tpu.memory_space<semaphore_mem>>) {add = true}
      %add3A_73 = arith.constant 1 : i32
      %add3A_74 = arith.addi %mul3A_57, %add3A_73 : i32
      %dma_wait3A_75 = arith.constant 0 : i32
      %dma_wait3A_76 = tpu.memref_slice %arg6[%add3A_74, %dma_wait3A_75] : memref<80x125xi32, #tpu.memory_space<vmem>> -> memref<1x125xi32, #tpu.memory_space<vmem>>
      %dma_wait3A_77 = tpu.memref_squeeze %dma_wait3A_76 : memref<1x125xi32, #tpu.memory_space<vmem>> -> memref<125xi32, #tpu.memory_space<vmem>>
      %dma_wait3A_78 = arith.constant 0 : i32
      %dma_wait3A_79 = arith.constant 0 : i32
      %dma_wait3A_80 = tpu.memref_slice %arg2[%dma_wait3A_78, %dma_wait3A_79] : memref<10000x16xf32, #tpu.memory_space<hbm>> -> memref<10000x16xf32, #tpu.memory_space<hbm>>
      tpu.wait_indirect_dma semaphore(%arg14 : memref<!tpu.dma_semaphore, #tpu.memory_space<semaphore_mem>>) src(%dma_wait3A_80 : memref<10000x16xf32, #tpu.memory_space<hbm>>) dst(%arg9 : memref<125x16xf32, #tpu.memory_space<vmem>>)
      %add3A_81 = arith.constant 1 : i32
      %add3A_82 = arith.addi %mul3A_57, %add3A_81 : i32
      %dma_start3A_83 = arith.constant 0 : i32
      %dma_start3A_84 = tpu.memref_slice %arg7[%add3A_82, %dma_start3A_83] : memref<80x125xi32, #tpu.memory_space<vmem>> -> memref<1x125xi32, #tpu.memory_space<vmem>>
      %dma_start3A_85 = tpu.memref_squeeze %dma_start3A_84 : memref<1x125xi32, #tpu.memory_space<vmem>> -> memref<125xi32, #tpu.memory_space<vmem>>
      %dma_start3A_86 = arith.constant 0 : i32
      %dma_start3A_87 = arith.constant 0 : i32
      %dma_start3A_88 = tpu.memref_slice %arg12[%dma_start3A_86, %dma_start3A_87] : memref<10240x16xf32, #tpu.memory_space<vmem_shared>> -> memref<10240x16xf32, #tpu.memory_space<vmem_shared>>
      tpu.enqueue_indirect_dma source(%arg9 : memref<125x16xf32, #tpu.memory_space<vmem>>) target(%dma_start3A_88 : memref<10240x16xf32, #tpu.memory_space<vmem_shared>>) offsets(%dma_start3A_85 : memref<125xi32, #tpu.memory_space<vmem>>) semaphore(%arg18 : memref<!tpu.dma_semaphore, #tpu.memory_space<semaphore_mem>>) {add = true}
      %add3A_89 = arith.constant 2 : i32
      %add3A_90 = arith.addi %mul3A_57, %add3A_89 : i32
      %dma_wait3A_91 = arith.constant 0 : i32
      %dma_wait3A_92 = tpu.memref_slice %arg6[%add3A_90, %dma_wait3A_91] : memref<80x125xi32, #tpu.memory_space<vmem>> -> memref<1x125xi32, #tpu.memory_space<vmem>>
      %dma_wait3A_93 = tpu.memref_squeeze %dma_wait3A_92 : memref<1x125xi32, #tpu.memory_space<vmem>> -> memref<125xi32, #tpu.memory_space<vmem>>
      %dma_wait3A_94 = arith.constant 0 : i32
      %dma_wait3A_95 = arith.constant 0 : i32
      %dma_wait3A_96 = tpu.memref_slice %arg2[%dma_wait3A_94, %dma_wait3A_95] : memref<10000x16xf32, #tpu.memory_space<hbm>> -> memref<10000x16xf32, #tpu.memory_space<hbm>>
      tpu.wait_indirect_dma semaphore(%arg15 : memref<!tpu.dma_semaphore, #tpu.memory_space<semaphore_mem>>) src(%dma_wait3A_96 : memref<10000x16xf32, #tpu.memory_space<hbm>>) dst(%arg10 : memref<125x16xf32, #tpu.memory_space<vmem>>)
      %add3A_97 = arith.constant 2 : i32
      %add3A_98 = arith.addi %mul3A_57, %add3A_97 : i32
      %dma_start3A_99 = arith.constant 0 : i32
      %dma_start3A_100 = tpu.memref_slice %arg7[%add3A_98, %dma_start3A_99] : memref<80x125xi32, #tpu.memory_space<vmem>> -> memref<1x125xi32, #tpu.memory_space<vmem>>
      %dma_start3A_101 = tpu.memref_squeeze %dma_start3A_100 : memref<1x125xi32, #tpu.memory_space<vmem>> -> memref<125xi32, #tpu.memory_space<vmem>>
      %dma_start3A_102 = arith.constant 0 : i32
      %dma_start3A_103 = arith.constant 0 : i32
      %dma_start3A_104 = tpu.memref_slice %arg12[%dma_start3A_102, %dma_start3A_103] : memref<10240x16xf32, #tpu.memory_space<vmem_shared>> -> memref<10240x16xf32, #tpu.memory_space<vmem_shared>>
      tpu.enqueue_indirect_dma source(%arg10 : memref<125x16xf32, #tpu.memory_space<vmem>>) target(%dma_start3A_104 : memref<10240x16xf32, #tpu.memory_space<vmem_shared>>) offsets(%dma_start3A_101 : memref<125xi32, #tpu.memory_space<vmem>>) semaphore(%arg19 : memref<!tpu.dma_semaphore, #tpu.memory_space<semaphore_mem>>) {add = true}
      %add3A_105 = arith.constant 3 : i32
      %add3A_106 = arith.addi %mul3A_57, %add3A_105 : i32
      %dma_wait3A_107 = arith.constant 0 : i32
      %dma_wait3A_108 = tpu.memref_slice %arg6[%add3A_106, %dma_wait3A_107] : memref<80x125xi32, #tpu.memory_space<vmem>> -> memref<1x125xi32, #tpu.memory_space<vmem>>
      %dma_wait3A_109 = tpu.memref_squeeze %dma_wait3A_108 : memref<1x125xi32, #tpu.memory_space<vmem>> -> memref<125xi32, #tpu.memory_space<vmem>>
      %dma_wait3A_110 = arith.constant 0 : i32
      %dma_wait3A_111 = arith.constant 0 : i32
      %dma_wait3A_112 = tpu.memref_slice %arg2[%dma_wait3A_110, %dma_wait3A_111] : memref<10000x16xf32, #tpu.memory_space<hbm>> -> memref<10000x16xf32, #tpu.memory_space<hbm>>
      tpu.wait_indirect_dma semaphore(%arg16 : memref<!tpu.dma_semaphore, #tpu.memory_space<semaphore_mem>>) src(%dma_wait3A_112 : memref<10000x16xf32, #tpu.memory_space<hbm>>) dst(%arg11 : memref<125x16xf32, #tpu.memory_space<vmem>>)
      %add3A_113 = arith.constant 3 : i32
      %add3A_114 = arith.addi %mul3A_57, %add3A_113 : i32
      %dma_start3A_115 = arith.constant 0 : i32
      %dma_start3A_116 = tpu.memref_slice %arg7[%add3A_114, %dma_start3A_115] : memref<80x125xi32, #tpu.memory_space<vmem>> -> memref<1x125xi32, #tpu.memory_space<vmem>>
      %dma_start3A_117 = tpu.memref_squeeze %dma_start3A_116 : memref<1x125xi32, #tpu.memory_space<vmem>> -> memref<125xi32, #tpu.memory_space<vmem>>
      %dma_start3A_118 = arith.constant 0 : i32
      %dma_start3A_119 = arith.constant 0 : i32
      %dma_start3A_120 = tpu.memref_slice %arg12[%dma_start3A_118, %dma_start3A_119] : memref<10240x16xf32, #tpu.memory_space<vmem_shared>> -> memref<10240x16xf32, #tpu.memory_space<vmem_shared>>
      tpu.enqueue_indirect_dma source(%arg11 : memref<125x16xf32, #tpu.memory_space<vmem>>) target(%dma_start3A_120 : memref<10240x16xf32, #tpu.memory_space<vmem_shared>>) offsets(%dma_start3A_117 : memref<125xi32, #tpu.memory_space<vmem>>) semaphore(%arg20 : memref<!tpu.dma_semaphore, #tpu.memory_space<semaphore_mem>>) {add = true}
      %add3A_121 = arith.constant 0 : i32
      %add3A_122 = arith.addi %mul3A_57, %add3A_121 : i32
      %dma_wait3A_123 = arith.constant 0 : i32
      %dma_wait3A_124 = tpu.memref_slice %arg7[%add3A_122, %dma_wait3A_123] : memref<80x125xi32, #tpu.memory_space<vmem>> -> memref<1x125xi32, #tpu.memory_space<vmem>>
      %dma_wait3A_125 = tpu.memref_squeeze %dma_wait3A_124 : memref<1x125xi32, #tpu.memory_space<vmem>> -> memref<125xi32, #tpu.memory_space<vmem>>
      %dma_wait3A_126 = arith.constant 0 : i32
      %dma_wait3A_127 = arith.constant 0 : i32
      %dma_wait3A_128 = tpu.memref_slice %arg12[%dma_wait3A_126, %dma_wait3A_127] : memref<10240x16xf32, #tpu.memory_space<vmem_shared>> -> memref<10240x16xf32, #tpu.memory_space<vmem_shared>>
      tpu.wait_indirect_dma semaphore(%arg17 : memref<!tpu.dma_semaphore, #tpu.memory_space<semaphore_mem>>) src(%arg8 : memref<125x16xf32, #tpu.memory_space<vmem>>) dst(%dma_wait3A_128 : memref<10240x16xf32, #tpu.memory_space<vmem_shared>>)
      %add3A_129 = arith.constant 0 : i32
      %add3A_130 = arith.addi %mul3A_57, %add3A_129 : i32
      %add3A_131 = arith.constant 4 : i32
      %add3A_132 = arith.addi %add3A_130, %add3A_131 : i32
      %lt3A = arith.constant 80 : i32
      %lt3A_133 = arith.cmpi slt, %add3A_132, %lt3A : i32
      %convert_element_type3A = arith.extui %lt3A_133 : i1 to i32
      %cond3A = arith.constant 0 : i32
      %cond3A_134 = arith.cmpi ne, %convert_element_type3A, %cond3A : i32
      scf.if %cond3A_134 {
        %add3A_186 = arith.constant 0 : i32
        %add3A_187 = arith.addi %mul3A_57, %add3A_186 : i32
        %add3A_188 = arith.constant 4 : i32
        %add3A_189 = arith.addi %add3A_187, %add3A_188 : i32
        %dma_start3A_190 = arith.constant 0 : i32
        %dma_start3A_191 = tpu.memref_slice %arg6[%add3A_189, %dma_start3A_190] : memref<80x125xi32, #tpu.memory_space<vmem>> -> memref<1x125xi32, #tpu.memory_space<vmem>>
        %dma_start3A_192 = tpu.memref_squeeze %dma_start3A_191 : memref<1x125xi32, #tpu.memory_space<vmem>> -> memref<125xi32, #tpu.memory_space<vmem>>
        %dma_start3A_193 = arith.constant 0 : i32
        %dma_start3A_194 = arith.constant 0 : i32
        %dma_start3A_195 = tpu.memref_slice %arg2[%dma_start3A_193, %dma_start3A_194] : memref<10000x16xf32, #tpu.memory_space<hbm>> -> memref<10000x16xf32, #tpu.memory_space<hbm>>
        tpu.enqueue_indirect_dma source(%dma_start3A_195 : memref<10000x16xf32, #tpu.memory_space<hbm>>) target(%arg8 : memref<125x16xf32, #tpu.memory_space<vmem>>) offsets(%dma_start3A_192 : memref<125xi32, #tpu.memory_space<vmem>>) semaphore(%arg13 : memref<!tpu.dma_semaphore, #tpu.memory_space<semaphore_mem>>)
      } else {
      }
      %add3A_135 = arith.constant 1 : i32
      %add3A_136 = arith.addi %mul3A_57, %add3A_135 : i32
      %dma_wait3A_137 = arith.constant 0 : i32
      %dma_wait3A_138 = tpu.memref_slice %arg7[%add3A_136, %dma_wait3A_137] : memref<80x125xi32, #tpu.memory_space<vmem>> -> memref<1x125xi32, #tpu.memory_space<vmem>>
      %dma_wait3A_139 = tpu.memref_squeeze %dma_wait3A_138 : memref<1x125xi32, #tpu.memory_space<vmem>> -> memref<125xi32, #tpu.memory_space<vmem>>
      %dma_wait3A_140 = arith.constant 0 : i32
      %dma_wait3A_141 = arith.constant 0 : i32
      %dma_wait3A_142 = tpu.memref_slice %arg12[%dma_wait3A_140, %dma_wait3A_141] : memref<10240x16xf32, #tpu.memory_space<vmem_shared>> -> memref<10240x16xf32, #tpu.memory_space<vmem_shared>>
      tpu.wait_indirect_dma semaphore(%arg18 : memref<!tpu.dma_semaphore, #tpu.memory_space<semaphore_mem>>) src(%arg9 : memref<125x16xf32, #tpu.memory_space<vmem>>) dst(%dma_wait3A_142 : memref<10240x16xf32, #tpu.memory_space<vmem_shared>>)
      %add3A_143 = arith.constant 1 : i32
      %add3A_144 = arith.addi %mul3A_57, %add3A_143 : i32
      %add3A_145 = arith.constant 4 : i32
      %add3A_146 = arith.addi %add3A_144, %add3A_145 : i32
      %lt3A_147 = arith.constant 80 : i32
      %lt3A_148 = arith.cmpi slt, %add3A_146, %lt3A_147 : i32
      %convert_element_type3A_149 = arith.extui %lt3A_148 : i1 to i32
      %cond3A_150 = arith.constant 0 : i32
      %cond3A_151 = arith.cmpi ne, %convert_element_type3A_149, %cond3A_150 : i32
      scf.if %cond3A_151 {
        %add3A_186 = arith.constant 1 : i32
        %add3A_187 = arith.addi %mul3A_57, %add3A_186 : i32
        %add3A_188 = arith.constant 4 : i32
        %add3A_189 = arith.addi %add3A_187, %add3A_188 : i32
        %dma_start3A_190 = arith.constant 0 : i32
        %dma_start3A_191 = tpu.memref_slice %arg6[%add3A_189, %dma_start3A_190] : memref<80x125xi32, #tpu.memory_space<vmem>> -> memref<1x125xi32, #tpu.memory_space<vmem>>
        %dma_start3A_192 = tpu.memref_squeeze %dma_start3A_191 : memref<1x125xi32, #tpu.memory_space<vmem>> -> memref<125xi32, #tpu.memory_space<vmem>>
        %dma_start3A_193 = arith.constant 0 : i32
        %dma_start3A_194 = arith.constant 0 : i32
        %dma_start3A_195 = tpu.memref_slice %arg2[%dma_start3A_193, %dma_start3A_194] : memref<10000x16xf32, #tpu.memory_space<hbm>> -> memref<10000x16xf32, #tpu.memory_space<hbm>>
        tpu.enqueue_indirect_dma source(%dma_start3A_195 : memref<10000x16xf32, #tpu.memory_space<hbm>>) target(%arg9 : memref<125x16xf32, #tpu.memory_space<vmem>>) offsets(%dma_start3A_192 : memref<125xi32, #tpu.memory_space<vmem>>) semaphore(%arg14 : memref<!tpu.dma_semaphore, #tpu.memory_space<semaphore_mem>>)
      } else {
      }
      %add3A_152 = arith.constant 2 : i32
      %add3A_153 = arith.addi %mul3A_57, %add3A_152 : i32
      %dma_wait3A_154 = arith.constant 0 : i32
      %dma_wait3A_155 = tpu.memref_slice %arg7[%add3A_153, %dma_wait3A_154] : memref<80x125xi32, #tpu.memory_space<vmem>> -> memref<1x125xi32, #tpu.memory_space<vmem>>
      %dma_wait3A_156 = tpu.memref_squeeze %dma_wait3A_155 : memref<1x125xi32, #tpu.memory_space<vmem>> -> memref<125xi32, #tpu.memory_space<vmem>>
      %dma_wait3A_157 = arith.constant 0 : i32
      %dma_wait3A_158 = arith.constant 0 : i32
      %dma_wait3A_159 = tpu.memref_slice %arg12[%dma_wait3A_157, %dma_wait3A_158] : memref<10240x16xf32, #tpu.memory_space<vmem_shared>> -> memref<10240x16xf32, #tpu.memory_space<vmem_shared>>
      tpu.wait_indirect_dma semaphore(%arg19 : memref<!tpu.dma_semaphore, #tpu.memory_space<semaphore_mem>>) src(%arg10 : memref<125x16xf32, #tpu.memory_space<vmem>>) dst(%dma_wait3A_159 : memref<10240x16xf32, #tpu.memory_space<vmem_shared>>)
      %add3A_160 = arith.constant 2 : i32
      %add3A_161 = arith.addi %mul3A_57, %add3A_160 : i32
      %add3A_162 = arith.constant 4 : i32
      %add3A_163 = arith.addi %add3A_161, %add3A_162 : i32
      %lt3A_164 = arith.constant 80 : i32
      %lt3A_165 = arith.cmpi slt, %add3A_163, %lt3A_164 : i32
      %convert_element_type3A_166 = arith.extui %lt3A_165 : i1 to i32
      %cond3A_167 = arith.constant 0 : i32
      %cond3A_168 = arith.cmpi ne, %convert_element_type3A_166, %cond3A_167 : i32
      scf.if %cond3A_168 {
        %add3A_186 = arith.constant 2 : i32
        %add3A_187 = arith.addi %mul3A_57, %add3A_186 : i32
        %add3A_188 = arith.constant 4 : i32
        %add3A_189 = arith.addi %add3A_187, %add3A_188 : i32
        %dma_start3A_190 = arith.constant 0 : i32
        %dma_start3A_191 = tpu.memref_slice %arg6[%add3A_189, %dma_start3A_190] : memref<80x125xi32, #tpu.memory_space<vmem>> -> memref<1x125xi32, #tpu.memory_space<vmem>>
        %dma_start3A_192 = tpu.memref_squeeze %dma_start3A_191 : memref<1x125xi32, #tpu.memory_space<vmem>> -> memref<125xi32, #tpu.memory_space<vmem>>
        %dma_start3A_193 = arith.constant 0 : i32
        %dma_start3A_194 = arith.constant 0 : i32
        %dma_start3A_195 = tpu.memref_slice %arg2[%dma_start3A_193, %dma_start3A_194] : memref<10000x16xf32, #tpu.memory_space<hbm>> -> memref<10000x16xf32, #tpu.memory_space<hbm>>
        tpu.enqueue_indirect_dma source(%dma_start3A_195 : memref<10000x16xf32, #tpu.memory_space<hbm>>) target(%arg10 : memref<125x16xf32, #tpu.memory_space<vmem>>) offsets(%dma_start3A_192 : memref<125xi32, #tpu.memory_space<vmem>>) semaphore(%arg15 : memref<!tpu.dma_semaphore, #tpu.memory_space<semaphore_mem>>)
      } else {
      }
      %add3A_169 = arith.constant 3 : i32
      %add3A_170 = arith.addi %mul3A_57, %add3A_169 : i32
      %dma_wait3A_171 = arith.constant 0 : i32
      %dma_wait3A_172 = tpu.memref_slice %arg7[%add3A_170, %dma_wait3A_171] : memref<80x125xi32, #tpu.memory_space<vmem>> -> memref<1x125xi32, #tpu.memory_space<vmem>>
      %dma_wait3A_173 = tpu.memref_squeeze %dma_wait3A_172 : memref<1x125xi32, #tpu.memory_space<vmem>> -> memref<125xi32, #tpu.memory_space<vmem>>
      %dma_wait3A_174 = arith.constant 0 : i32
      %dma_wait3A_175 = arith.constant 0 : i32
      %dma_wait3A_176 = tpu.memref_slice %arg12[%dma_wait3A_174, %dma_wait3A_175] : memref<10240x16xf32, #tpu.memory_space<vmem_shared>> -> memref<10240x16xf32, #tpu.memory_space<vmem_shared>>
      tpu.wait_indirect_dma semaphore(%arg20 : memref<!tpu.dma_semaphore, #tpu.memory_space<semaphore_mem>>) src(%arg11 : memref<125x16xf32, #tpu.memory_space<vmem>>) dst(%dma_wait3A_176 : memref<10240x16xf32, #tpu.memory_space<vmem_shared>>)
      %add3A_177 = arith.constant 3 : i32
      %add3A_178 = arith.addi %mul3A_57, %add3A_177 : i32
      %add3A_179 = arith.constant 4 : i32
      %add3A_180 = arith.addi %add3A_178, %add3A_179 : i32
      %lt3A_181 = arith.constant 80 : i32
      %lt3A_182 = arith.cmpi slt, %add3A_180, %lt3A_181 : i32
      %convert_element_type3A_183 = arith.extui %lt3A_182 : i1 to i32
      %cond3A_184 = arith.constant 0 : i32
      %cond3A_185 = arith.cmpi ne, %convert_element_type3A_183, %cond3A_184 : i32
      scf.if %cond3A_185 {
        %add3A_186 = arith.constant 3 : i32
        %add3A_187 = arith.addi %mul3A_57, %add3A_186 : i32
        %add3A_188 = arith.constant 4 : i32
        %add3A_189 = arith.addi %add3A_187, %add3A_188 : i32
        %dma_start3A_190 = arith.constant 0 : i32
        %dma_start3A_191 = tpu.memref_slice %arg6[%add3A_189, %dma_start3A_190] : memref<80x125xi32, #tpu.memory_space<vmem>> -> memref<1x125xi32, #tpu.memory_space<vmem>>
        %dma_start3A_192 = tpu.memref_squeeze %dma_start3A_191 : memref<1x125xi32, #tpu.memory_space<vmem>> -> memref<125xi32, #tpu.memory_space<vmem>>
        %dma_start3A_193 = arith.constant 0 : i32
        %dma_start3A_194 = arith.constant 0 : i32
        %dma_start3A_195 = tpu.memref_slice %arg2[%dma_start3A_193, %dma_start3A_194] : memref<10000x16xf32, #tpu.memory_space<hbm>> -> memref<10000x16xf32, #tpu.memory_space<hbm>>
        tpu.enqueue_indirect_dma source(%dma_start3A_195 : memref<10000x16xf32, #tpu.memory_space<hbm>>) target(%arg11 : memref<125x16xf32, #tpu.memory_space<vmem>>) offsets(%dma_start3A_192 : memref<125xi32, #tpu.memory_space<vmem>>) semaphore(%arg16 : memref<!tpu.dma_semaphore, #tpu.memory_space<semaphore_mem>>)
      } else {
      }
    }
    %scan3A_53 = arith.constant 20 : i32
    %barrier3A_54 = arith.constant 0 : index
    tpu.barrier barrier_id(%barrier3A_54)
    "tpu.region"() ({
      %run_scoped3A = tpu.sem_alloc : memref<!tpu.dma_semaphore, #tpu.memory_space<semaphore_mem>>
      %dma_start3A_55 = arith.constant 0 : i32
      %dma_start3A_56 = tpu.memref_slice %arg5[%arg0, %mul3A_2, %dma_start3A_55] : memref<2x10240x16xf32, #tpu.memory_space<hbm>> -> memref<1x640x16xf32, #tpu.memory_space<hbm>>
      %dma_start3A_57 = tpu.memref_squeeze %dma_start3A_56 : memref<1x640x16xf32, #tpu.memory_space<hbm>> -> memref<640x16xf32, #tpu.memory_space<hbm>>
      %dma_start3A_58 = arith.constant 0 : i32
      %dma_start3A_59 = tpu.memref_slice %arg12[%mul3A_2, %dma_start3A_58] : memref<10240x16xf32, #tpu.memory_space<vmem_shared>> -> memref<640x16xf32, #tpu.memory_space<vmem_shared>>
      tpu.enqueue_dma source(%dma_start3A_59 : memref<640x16xf32, #tpu.memory_space<vmem_shared>>) target(%dma_start3A_57 : memref<640x16xf32, #tpu.memory_space<hbm>>) target_semaphore(%run_scoped3A : memref<!tpu.dma_semaphore, #tpu.memory_space<semaphore_mem>>)
      %dma_wait3A = arith.constant 0 : i32
      %dma_wait3A_60 = tpu.memref_slice %arg5[%arg0, %mul3A_2, %dma_wait3A] : memref<2x10240x16xf32, #tpu.memory_space<hbm>> -> memref<1x640x16xf32, #tpu.memory_space<hbm>>
      %dma_wait3A_61 = tpu.memref_squeeze %dma_wait3A_60 : memref<1x640x16xf32, #tpu.memory_space<hbm>> -> memref<640x16xf32, #tpu.memory_space<hbm>>
      %dma_wait3A_62 = arith.constant 0 : i32
      %dma_wait3A_63 = tpu.memref_slice %arg12[%mul3A_2, %dma_wait3A_62] : memref<10240x16xf32, #tpu.memory_space<vmem_shared>> -> memref<640x16xf32, #tpu.memory_space<vmem_shared>>
      tpu.wait_dma2 semaphore(%run_scoped3A : memref<!tpu.dma_semaphore, #tpu.memory_space<semaphore_mem>>) src(%dma_wait3A_63 : memref<640x16xf32, #tpu.memory_space<vmem_shared>>) dst(%dma_wait3A_61 : memref<640x16xf32, #tpu.memory_space<hbm>>)
      tpu.yield
    }) : () -> ()
    return
  }
}

#map = affine_map<(d0, d1) -> (0, 0)>
#map1 = affine_map<(d0, d1) -> (0, 0, 0)>
module attributes {stable_mosaic.version = 14 : i64} {
  func.func @body(%arg0: i32, %arg1: i32, %arg2: memref<10000x128xf32, #tpu.memory_space<hbm>>, %arg3: memref<32x200x50xi32, #tpu.memory_space<hbm>>, %arg4: memref<32x200x50xi32, #tpu.memory_space<hbm>>, %arg5: memref<640x16xf32, #tpu.memory_space<hbm>>, %arg6: memref<50x16xf32, #tpu.memory_space<hbm>>, %arg7: memref<2x10240x128xf32, #tpu.memory_space<hbm>>, %arg8: memref<2x10240x16xf32, #tpu.memory_space<hbm>>, %arg9: memref<200x50xi32, #tpu.memory_space<vmem>>, %arg10: memref<50xi32, #tpu.memory_space<vmem>>, %arg11: memref<50xi32, #tpu.memory_space<vmem>>, %arg12: memref<50xi32, #tpu.memory_space<vmem>>, %arg13: memref<50xi32, #tpu.memory_space<vmem>>, %arg14: memref<50x128xf32, #tpu.memory_space<vmem>>, %arg15: memref<50x128xf32, #tpu.memory_space<vmem>>, %arg16: memref<50x128xf32, #tpu.memory_space<vmem>>, %arg17: memref<50x128xf32, #tpu.memory_space<vmem>>, %arg18: memref<50x16xf32, #tpu.memory_space<vmem>>, %arg19: memref<10240x128xf32, #tpu.memory_space<vmem_shared>>, %arg20: memref<10240x16xf32, #tpu.memory_space<vmem_shared>>, %arg21: memref<!tpu.dma_semaphore, #tpu.memory_space<semaphore_mem>>, %arg22: memref<!tpu.dma_semaphore, #tpu.memory_space<semaphore_mem>>, %arg23: memref<!tpu.dma_semaphore, #tpu.memory_space<semaphore_mem>>, %arg24: memref<!tpu.dma_semaphore, #tpu.memory_space<semaphore_mem>>, %arg25: memref<!tpu.dma_semaphore, #tpu.memory_space<semaphore_mem>>, %arg26: memref<!tpu.dma_semaphore, #tpu.memory_space<semaphore_mem>>, %arg27: memref<!tpu.dma_semaphore, #tpu.memory_space<semaphore_mem>>, %arg28: memref<!tpu.dma_semaphore, #tpu.memory_space<semaphore_mem>>, %arg29: memref<!tpu.dma_semaphore, #tpu.memory_space<semaphore_mem>>, %arg30: memref<!tpu.dma_semaphore, #tpu.memory_space<semaphore_mem>>, %arg31: memref<!tpu.dma_semaphore, #tpu.memory_space<semaphore_mem>>, %arg32: memref<!tpu.dma_semaphore, #tpu.memory_space<semaphore_mem>>, %arg33: memref<!tpu.dma_semaphore, #tpu.memory_space<semaphore_mem>>, %arg34: memref<!tpu.dma_semaphore, #tpu.memory_space<semaphore_mem>>, %arg35: memref<!tpu.dma_semaphore, #tpu.memory_space<semaphore_mem>>, %arg36: memref<!tpu.dma_semaphore, #tpu.memory_space<semaphore_mem>>) attributes {dimension_semantics = [#tpu.dimension_semantics<core_parallel>, #tpu.dimension_semantics<subcore_parallel>], iteration_bounds = array<i64: 2, 16>, scalar_prefetch = 0 : i64, scratch_operands = 28 : i64, tpu.core_type = #tpu.core_type<sc_vector_subcore>, window_params = [{transform_indices = #map}, {transform_indices = #map1}, {transform_indices = #map1}, {transform_indices = #map}, {transform_indices = #map}, {transform_indices = #map1}, {transform_indices = #map1}]} {
    %mul3A = arith.constant 16 : i32
    %mul3A_0 = arith.muli %arg0, %mul3A : i32
    %add3A = arith.addi %mul3A_0, %arg1 : i32
    %mul3A_1 = arith.constant 640 : i32
    %mul3A_2 = arith.muli %arg1, %mul3A_1 : i32
    "tpu.region"() ({
      %run_scoped3A = tpu.sem_alloc : memref<!tpu.dma_semaphore, #tpu.memory_space<semaphore_mem>>
      %dma_start3A_108 = arith.constant 0 : i32
      %dma_start3A_109 = arith.constant 0 : i32
      %dma_start3A_110 = tpu.memref_slice %arg4[%add3A, %dma_start3A_108, %dma_start3A_109] : memref<32x200x50xi32, #tpu.memory_space<hbm>> -> memref<1x200x50xi32, #tpu.memory_space<hbm>>
      %dma_start3A_111 = tpu.memref_squeeze %dma_start3A_110 : memref<1x200x50xi32, #tpu.memory_space<hbm>> -> memref<200x50xi32, #tpu.memory_space<hbm>>
      %dma_start3A_112 = arith.constant 0 : i32
      %dma_start3A_113 = arith.constant 0 : i32
      %dma_start3A_114 = tpu.memref_slice %arg4[%add3A, %dma_start3A_112, %dma_start3A_113] : memref<32x200x50xi32, #tpu.memory_space<hbm>> -> memref<1x200x50xi32, #tpu.memory_space<hbm>>
      %dma_start3A_115 = tpu.memref_squeeze %dma_start3A_114 : memref<1x200x50xi32, #tpu.memory_space<hbm>> -> memref<200x50xi32, #tpu.memory_space<hbm>>
      tpu.enqueue_dma source(%dma_start3A_115 : memref<200x50xi32, #tpu.memory_space<hbm>>) target(%arg9 : memref<200x50xi32, #tpu.memory_space<vmem>>) target_semaphore(%run_scoped3A : memref<!tpu.dma_semaphore, #tpu.memory_space<semaphore_mem>>)
      %dma_wait3A_116 = arith.constant 0 : i32
      %dma_wait3A_117 = arith.constant 0 : i32
      %dma_wait3A_118 = tpu.memref_slice %arg4[%add3A, %dma_wait3A_116, %dma_wait3A_117] : memref<32x200x50xi32, #tpu.memory_space<hbm>> -> memref<1x200x50xi32, #tpu.memory_space<hbm>>
      %dma_wait3A_119 = tpu.memref_squeeze %dma_wait3A_118 : memref<1x200x50xi32, #tpu.memory_space<hbm>> -> memref<200x50xi32, #tpu.memory_space<hbm>>
      %dma_wait3A_120 = arith.constant 0 : i32
      %dma_wait3A_121 = arith.constant 0 : i32
      %dma_wait3A_122 = tpu.memref_slice %arg4[%add3A, %dma_wait3A_120, %dma_wait3A_121] : memref<32x200x50xi32, #tpu.memory_space<hbm>> -> memref<1x200x50xi32, #tpu.memory_space<hbm>>
      %dma_wait3A_123 = tpu.memref_squeeze %dma_wait3A_122 : memref<1x200x50xi32, #tpu.memory_space<hbm>> -> memref<200x50xi32, #tpu.memory_space<hbm>>
      tpu.wait_dma2 semaphore(%run_scoped3A : memref<!tpu.dma_semaphore, #tpu.memory_space<semaphore_mem>>) src(%dma_wait3A_123 : memref<200x50xi32, #tpu.memory_space<hbm>>) dst(%arg9 : memref<200x50xi32, #tpu.memory_space<vmem>>)
      tpu.yield
    }) : () -> ()
    %dma_start3A = arith.constant 0 : i32
    %dma_start3A_3 = arith.constant 0 : i32
    %dma_start3A_4 = tpu.memref_slice %arg3[%add3A, %dma_start3A, %dma_start3A_3] : memref<32x200x50xi32, #tpu.memory_space<hbm>> -> memref<1x1x50xi32, #tpu.memory_space<hbm>>
    %dma_start3A_5 = tpu.memref_squeeze %dma_start3A_4 : memref<1x1x50xi32, #tpu.memory_space<hbm>> -> memref<50xi32, #tpu.memory_space<hbm>>
    %dma_start3A_6 = arith.constant 0 : i32
    %dma_start3A_7 = tpu.memref_slice %arg3[%add3A, %dma_start3A, %dma_start3A_6] : memref<32x200x50xi32, #tpu.memory_space<hbm>> -> memref<1x1x50xi32, #tpu.memory_space<hbm>>
    %dma_start3A_8 = tpu.memref_squeeze %dma_start3A_7 : memref<1x1x50xi32, #tpu.memory_space<hbm>> -> memref<50xi32, #tpu.memory_space<hbm>>
    tpu.enqueue_dma source(%dma_start3A_8 : memref<50xi32, #tpu.memory_space<hbm>>) target(%arg10 : memref<50xi32, #tpu.memory_space<vmem>>) target_semaphore(%arg25 : memref<!tpu.dma_semaphore, #tpu.memory_space<semaphore_mem>>)
    %dma_start3A_9 = arith.constant 1 : i32
    %dma_start3A_10 = arith.constant 0 : i32
    %dma_start3A_11 = tpu.memref_slice %arg3[%add3A, %dma_start3A_9, %dma_start3A_10] : memref<32x200x50xi32, #tpu.memory_space<hbm>> -> memref<1x1x50xi32, #tpu.memory_space<hbm>>
    %dma_start3A_12 = tpu.memref_squeeze %dma_start3A_11 : memref<1x1x50xi32, #tpu.memory_space<hbm>> -> memref<50xi32, #tpu.memory_space<hbm>>
    %dma_start3A_13 = arith.constant 0 : i32
    %dma_start3A_14 = tpu.memref_slice %arg3[%add3A, %dma_start3A_9, %dma_start3A_13] : memref<32x200x50xi32, #tpu.memory_space<hbm>> -> memref<1x1x50xi32, #tpu.memory_space<hbm>>
    %dma_start3A_15 = tpu.memref_squeeze %dma_start3A_14 : memref<1x1x50xi32, #tpu.memory_space<hbm>> -> memref<50xi32, #tpu.memory_space<hbm>>
    tpu.enqueue_dma source(%dma_start3A_15 : memref<50xi32, #tpu.memory_space<hbm>>) target(%arg11 : memref<50xi32, #tpu.memory_space<vmem>>) target_semaphore(%arg26 : memref<!tpu.dma_semaphore, #tpu.memory_space<semaphore_mem>>)
    %dma_start3A_16 = arith.constant 2 : i32
    %dma_start3A_17 = arith.constant 0 : i32
    %dma_start3A_18 = tpu.memref_slice %arg3[%add3A, %dma_start3A_16, %dma_start3A_17] : memref<32x200x50xi32, #tpu.memory_space<hbm>> -> memref<1x1x50xi32, #tpu.memory_space<hbm>>
    %dma_start3A_19 = tpu.memref_squeeze %dma_start3A_18 : memref<1x1x50xi32, #tpu.memory_space<hbm>> -> memref<50xi32, #tpu.memory_space<hbm>>
    %dma_start3A_20 = arith.constant 0 : i32
    %dma_start3A_21 = tpu.memref_slice %arg3[%add3A, %dma_start3A_16, %dma_start3A_20] : memref<32x200x50xi32, #tpu.memory_space<hbm>> -> memref<1x1x50xi32, #tpu.memory_space<hbm>>
    %dma_start3A_22 = tpu.memref_squeeze %dma_start3A_21 : memref<1x1x50xi32, #tpu.memory_space<hbm>> -> memref<50xi32, #tpu.memory_space<hbm>>
    tpu.enqueue_dma source(%dma_start3A_22 : memref<50xi32, #tpu.memory_space<hbm>>) target(%arg12 : memref<50xi32, #tpu.memory_space<vmem>>) target_semaphore(%arg27 : memref<!tpu.dma_semaphore, #tpu.memory_space<semaphore_mem>>)
    %dma_start3A_23 = arith.constant 3 : i32
    %dma_start3A_24 = arith.constant 0 : i32
    %dma_start3A_25 = tpu.memref_slice %arg3[%add3A, %dma_start3A_23, %dma_start3A_24] : memref<32x200x50xi32, #tpu.memory_space<hbm>> -> memref<1x1x50xi32, #tpu.memory_space<hbm>>
    %dma_start3A_26 = tpu.memref_squeeze %dma_start3A_25 : memref<1x1x50xi32, #tpu.memory_space<hbm>> -> memref<50xi32, #tpu.memory_space<hbm>>
    %dma_start3A_27 = arith.constant 0 : i32
    %dma_start3A_28 = tpu.memref_slice %arg3[%add3A, %dma_start3A_23, %dma_start3A_27] : memref<32x200x50xi32, #tpu.memory_space<hbm>> -> memref<1x1x50xi32, #tpu.memory_space<hbm>>
    %dma_start3A_29 = tpu.memref_squeeze %dma_start3A_28 : memref<1x1x50xi32, #tpu.memory_space<hbm>> -> memref<50xi32, #tpu.memory_space<hbm>>
    tpu.enqueue_dma source(%dma_start3A_29 : memref<50xi32, #tpu.memory_space<hbm>>) target(%arg13 : memref<50xi32, #tpu.memory_space<vmem>>) target_semaphore(%arg28 : memref<!tpu.dma_semaphore, #tpu.memory_space<semaphore_mem>>)
    "tpu.region"() ({
      %run_scoped3A = tpu.sem_alloc : memref<!tpu.dma_semaphore, #tpu.memory_space<semaphore_mem>>
      %dma_start3A_108 = arith.constant 0 : i32
      %dma_start3A_109 = tpu.memref_slice %arg20[%mul3A_2, %dma_start3A_108] : memref<10240x16xf32, #tpu.memory_space<vmem_shared>> -> memref<640x16xf32, #tpu.memory_space<vmem_shared>>
      tpu.enqueue_dma source(%arg5 : memref<640x16xf32, #tpu.memory_space<hbm>>) target(%dma_start3A_109 : memref<640x16xf32, #tpu.memory_space<vmem_shared>>) target_semaphore(%run_scoped3A : memref<!tpu.dma_semaphore, #tpu.memory_space<semaphore_mem>>)
      %dma_wait3A_110 = arith.constant 0 : i32
      %dma_wait3A_111 = tpu.memref_slice %arg20[%mul3A_2, %dma_wait3A_110] : memref<10240x16xf32, #tpu.memory_space<vmem_shared>> -> memref<640x16xf32, #tpu.memory_space<vmem_shared>>
      tpu.wait_dma2 semaphore(%run_scoped3A : memref<!tpu.dma_semaphore, #tpu.memory_space<semaphore_mem>>) src(%arg5 : memref<640x16xf32, #tpu.memory_space<hbm>>) dst(%dma_wait3A_111 : memref<640x16xf32, #tpu.memory_space<vmem_shared>>)
      tpu.yield
    }) : () -> ()
    "tpu.region"() ({
      %run_scoped3A = tpu.sem_alloc : memref<!tpu.dma_semaphore, #tpu.memory_space<semaphore_mem>>
      tpu.enqueue_dma source(%arg6 : memref<50x16xf32, #tpu.memory_space<hbm>>) target(%arg18 : memref<50x16xf32, #tpu.memory_space<vmem>>) target_semaphore(%run_scoped3A : memref<!tpu.dma_semaphore, #tpu.memory_space<semaphore_mem>>)
      tpu.wait_dma2 semaphore(%run_scoped3A : memref<!tpu.dma_semaphore, #tpu.memory_space<semaphore_mem>>) src(%arg6 : memref<50x16xf32, #tpu.memory_space<hbm>>) dst(%arg18 : memref<50x16xf32, #tpu.memory_space<vmem>>)
      tpu.yield
    }) : () -> ()
    %broadcast_in_dim3A = arith.constant 0.000000e+00 : f32
    %broadcast_in_dim3A_30 = vector.broadcast %broadcast_in_dim3A : f32 to vector<16xf32>
    %scan3A = arith.constant 0 : i32
    %scan3A_31 = arith.constant 0 : i32
    %scan3A_32 = arith.constant 50 : i32
    %scan3A_33 = arith.addi %scan3A_31, %scan3A_32 : i32
    %scan3A_34 = arith.constant 1 : i32
    scf.for %scan3A_108 = %scan3A_31 to %scan3A_33 step %scan3A_34  : i32 {
      %swap3A = arith.index_cast %scan3A_108 : i32 to index
      %swap3A_109 = arith.constant 0 : index
      %swap3A_110 = tpu.vector_load %arg14[%swap3A, %swap3A_109] {strides = array<i32>} : memref<50x128xf32, #tpu.memory_space<vmem>>, vector<1x16xf32>,
      %swap3A_111 = vector.shape_cast %swap3A_110 : vector<1x16xf32> to vector<16xf32>
      %swap3A_112 = vector.shape_cast %broadcast_in_dim3A_30 : vector<16xf32> to vector<1x16xf32>
      tpu.vector_store %arg14[%swap3A, %swap3A_109], %swap3A_112 {strides = array<i32>} : memref<50x128xf32, #tpu.memory_space<vmem>>, vector<1x16xf32>,
      %swap3A_113 = arith.index_cast %scan3A_108 : i32 to index
      %swap3A_114 = arith.constant 16 : index
      %swap3A_115 = tpu.vector_load %arg14[%swap3A_113, %swap3A_114] {strides = array<i32>} : memref<50x128xf32, #tpu.memory_space<vmem>>, vector<1x16xf32>,
      %swap3A_116 = vector.shape_cast %swap3A_115 : vector<1x16xf32> to vector<16xf32>
      %swap3A_117 = vector.shape_cast %broadcast_in_dim3A_30 : vector<16xf32> to vector<1x16xf32>
      tpu.vector_store %arg14[%swap3A_113, %swap3A_114], %swap3A_117 {strides = array<i32>} : memref<50x128xf32, #tpu.memory_space<vmem>>, vector<1x16xf32>,
      %swap3A_118 = arith.index_cast %scan3A_108 : i32 to index
      %swap3A_119 = arith.constant 32 : index
      %swap3A_120 = tpu.vector_load %arg14[%swap3A_118, %swap3A_119] {strides = array<i32>} : memref<50x128xf32, #tpu.memory_space<vmem>>, vector<1x16xf32>,
      %swap3A_121 = vector.shape_cast %swap3A_120 : vector<1x16xf32> to vector<16xf32>
      %swap3A_122 = vector.shape_cast %broadcast_in_dim3A_30 : vector<16xf32> to vector<1x16xf32>
      tpu.vector_store %arg14[%swap3A_118, %swap3A_119], %swap3A_122 {strides = array<i32>} : memref<50x128xf32, #tpu.memory_space<vmem>>, vector<1x16xf32>,
      %swap3A_123 = arith.index_cast %scan3A_108 : i32 to index
      %swap3A_124 = arith.constant 48 : index
      %swap3A_125 = tpu.vector_load %arg14[%swap3A_123, %swap3A_124] {strides = array<i32>} : memref<50x128xf32, #tpu.memory_space<vmem>>, vector<1x16xf32>,
      %swap3A_126 = vector.shape_cast %swap3A_125 : vector<1x16xf32> to vector<16xf32>
      %swap3A_127 = vector.shape_cast %broadcast_in_dim3A_30 : vector<16xf32> to vector<1x16xf32>
      tpu.vector_store %arg14[%swap3A_123, %swap3A_124], %swap3A_127 {strides = array<i32>} : memref<50x128xf32, #tpu.memory_space<vmem>>, vector<1x16xf32>,
      %swap3A_128 = arith.index_cast %scan3A_108 : i32 to index
      %swap3A_129 = arith.constant 64 : index
      %swap3A_130 = tpu.vector_load %arg14[%swap3A_128, %swap3A_129] {strides = array<i32>} : memref<50x128xf32, #tpu.memory_space<vmem>>, vector<1x16xf32>,
      %swap3A_131 = vector.shape_cast %swap3A_130 : vector<1x16xf32> to vector<16xf32>
      %swap3A_132 = vector.shape_cast %broadcast_in_dim3A_30 : vector<16xf32> to vector<1x16xf32>
      tpu.vector_store %arg14[%swap3A_128, %swap3A_129], %swap3A_132 {strides = array<i32>} : memref<50x128xf32, #tpu.memory_space<vmem>>, vector<1x16xf32>,
      %swap3A_133 = arith.index_cast %scan3A_108 : i32 to index
      %swap3A_134 = arith.constant 80 : index
      %swap3A_135 = tpu.vector_load %arg14[%swap3A_133, %swap3A_134] {strides = array<i32>} : memref<50x128xf32, #tpu.memory_space<vmem>>, vector<1x16xf32>,
      %swap3A_136 = vector.shape_cast %swap3A_135 : vector<1x16xf32> to vector<16xf32>
      %swap3A_137 = vector.shape_cast %broadcast_in_dim3A_30 : vector<16xf32> to vector<1x16xf32>
      tpu.vector_store %arg14[%swap3A_133, %swap3A_134], %swap3A_137 {strides = array<i32>} : memref<50x128xf32, #tpu.memory_space<vmem>>, vector<1x16xf32>,
      %swap3A_138 = arith.index_cast %scan3A_108 : i32 to index
      %swap3A_139 = arith.constant 96 : index
      %swap3A_140 = tpu.vector_load %arg14[%swap3A_138, %swap3A_139] {strides = array<i32>} : memref<50x128xf32, #tpu.memory_space<vmem>>, vector<1x16xf32>,
      %swap3A_141 = vector.shape_cast %swap3A_140 : vector<1x16xf32> to vector<16xf32>
      %swap3A_142 = vector.shape_cast %broadcast_in_dim3A_30 : vector<16xf32> to vector<1x16xf32>
      tpu.vector_store %arg14[%swap3A_138, %swap3A_139], %swap3A_142 {strides = array<i32>} : memref<50x128xf32, #tpu.memory_space<vmem>>, vector<1x16xf32>,
      %swap3A_143 = arith.index_cast %scan3A_108 : i32 to index
      %swap3A_144 = arith.constant 112 : index
      %swap3A_145 = tpu.vector_load %arg14[%swap3A_143, %swap3A_144] {strides = array<i32>} : memref<50x128xf32, #tpu.memory_space<vmem>>, vector<1x16xf32>,
      %swap3A_146 = vector.shape_cast %swap3A_145 : vector<1x16xf32> to vector<16xf32>
      %swap3A_147 = vector.shape_cast %broadcast_in_dim3A_30 : vector<16xf32> to vector<1x16xf32>
      tpu.vector_store %arg14[%swap3A_143, %swap3A_144], %swap3A_147 {strides = array<i32>} : memref<50x128xf32, #tpu.memory_space<vmem>>, vector<1x16xf32>,
    }
    %scan3A_35 = arith.constant 50 : i32
    %add3A_36 = arith.constant 0 : i32
    %add3A_37 = arith.addi %mul3A_2, %add3A_36 : i32
    "tpu.region"() ({
      %run_scoped3A = tpu.sem_alloc : memref<!tpu.dma_semaphore, #tpu.memory_space<semaphore_mem>>
      %dma_start3A_108 = arith.constant 0 : i32
      %dma_start3A_109 = tpu.memref_slice %arg19[%add3A_37, %dma_start3A_108] : memref<10240x128xf32, #tpu.memory_space<vmem_shared>> -> memref<50x128xf32, #tpu.memory_space<vmem_shared>>
      %dma_start3A_110 = arith.constant 0 : i32
      %dma_start3A_111 = tpu.memref_slice %arg19[%add3A_37, %dma_start3A_110] : memref<10240x128xf32, #tpu.memory_space<vmem_shared>> -> memref<50x128xf32, #tpu.memory_space<vmem_shared>>
      tpu.enqueue_dma source(%arg14 : memref<50x128xf32, #tpu.memory_space<vmem>>) target(%dma_start3A_111 : memref<50x128xf32, #tpu.memory_space<vmem_shared>>) target_semaphore(%run_scoped3A : memref<!tpu.dma_semaphore, #tpu.memory_space<semaphore_mem>>)
      %dma_wait3A_112 = arith.constant 0 : i32
      %dma_wait3A_113 = tpu.memref_slice %arg19[%add3A_37, %dma_wait3A_112] : memref<10240x128xf32, #tpu.memory_space<vmem_shared>> -> memref<50x128xf32, #tpu.memory_space<vmem_shared>>
      %dma_wait3A_114 = arith.constant 0 : i32
      %dma_wait3A_115 = tpu.memref_slice %arg19[%add3A_37, %dma_wait3A_114] : memref<10240x128xf32, #tpu.memory_space<vmem_shared>> -> memref<50x128xf32, #tpu.memory_space<vmem_shared>>
      tpu.wait_dma2 semaphore(%run_scoped3A : memref<!tpu.dma_semaphore, #tpu.memory_space<semaphore_mem>>) src(%arg14 : memref<50x128xf32, #tpu.memory_space<vmem>>) dst(%dma_wait3A_115 : memref<50x128xf32, #tpu.memory_space<vmem_shared>>)
      tpu.yield
    }) : () -> ()
    %add3A_38 = arith.constant 50 : i32
    %add3A_39 = arith.addi %mul3A_2, %add3A_38 : i32
    "tpu.region"() ({
      %run_scoped3A = tpu.sem_alloc : memref<!tpu.dma_semaphore, #tpu.memory_space<semaphore_mem>>
      %dma_start3A_108 = arith.constant 0 : i32
      %dma_start3A_109 = tpu.memref_slice %arg19[%add3A_39, %dma_start3A_108] : memref<10240x128xf32, #tpu.memory_space<vmem_shared>> -> memref<50x128xf32, #tpu.memory_space<vmem_shared>>
      %dma_start3A_110 = arith.constant 0 : i32
      %dma_start3A_111 = tpu.memref_slice %arg19[%add3A_39, %dma_start3A_110] : memref<10240x128xf32, #tpu.memory_space<vmem_shared>> -> memref<50x128xf32, #tpu.memory_space<vmem_shared>>
      tpu.enqueue_dma source(%arg14 : memref<50x128xf32, #tpu.memory_space<vmem>>) target(%dma_start3A_111 : memref<50x128xf32, #tpu.memory_space<vmem_shared>>) target_semaphore(%run_scoped3A : memref<!tpu.dma_semaphore, #tpu.memory_space<semaphore_mem>>)
      %dma_wait3A_112 = arith.constant 0 : i32
      %dma_wait3A_113 = tpu.memref_slice %arg19[%add3A_39, %dma_wait3A_112] : memref<10240x128xf32, #tpu.memory_space<vmem_shared>> -> memref<50x128xf32, #tpu.memory_space<vmem_shared>>
      %dma_wait3A_114 = arith.constant 0 : i32
      %dma_wait3A_115 = tpu.memref_slice %arg19[%add3A_39, %dma_wait3A_114] : memref<10240x128xf32, #tpu.memory_space<vmem_shared>> -> memref<50x128xf32, #tpu.memory_space<vmem_shared>>
      tpu.wait_dma2 semaphore(%run_scoped3A : memref<!tpu.dma_semaphore, #tpu.memory_space<semaphore_mem>>) src(%arg14 : memref<50x128xf32, #tpu.memory_space<vmem>>) dst(%dma_wait3A_115 : memref<50x128xf32, #tpu.memory_space<vmem_shared>>)
      tpu.yield
    }) : () -> ()
    %add3A_40 = arith.constant 100 : i32
    %add3A_41 = arith.addi %mul3A_2, %add3A_40 : i32
    "tpu.region"() ({
      %run_scoped3A = tpu.sem_alloc : memref<!tpu.dma_semaphore, #tpu.memory_space<semaphore_mem>>
      %dma_start3A_108 = arith.constant 0 : i32
      %dma_start3A_109 = tpu.memref_slice %arg19[%add3A_41, %dma_start3A_108] : memref<10240x128xf32, #tpu.memory_space<vmem_shared>> -> memref<50x128xf32, #tpu.memory_space<vmem_shared>>
      %dma_start3A_110 = arith.constant 0 : i32
      %dma_start3A_111 = tpu.memref_slice %arg19[%add3A_41, %dma_start3A_110] : memref<10240x128xf32, #tpu.memory_space<vmem_shared>> -> memref<50x128xf32, #tpu.memory_space<vmem_shared>>
      tpu.enqueue_dma source(%arg14 : memref<50x128xf32, #tpu.memory_space<vmem>>) target(%dma_start3A_111 : memref<50x128xf32, #tpu.memory_space<vmem_shared>>) target_semaphore(%run_scoped3A : memref<!tpu.dma_semaphore, #tpu.memory_space<semaphore_mem>>)
      %dma_wait3A_112 = arith.constant 0 : i32
      %dma_wait3A_113 = tpu.memref_slice %arg19[%add3A_41, %dma_wait3A_112] : memref<10240x128xf32, #tpu.memory_space<vmem_shared>> -> memref<50x128xf32, #tpu.memory_space<vmem_shared>>
      %dma_wait3A_114 = arith.constant 0 : i32
      %dma_wait3A_115 = tpu.memref_slice %arg19[%add3A_41, %dma_wait3A_114] : memref<10240x128xf32, #tpu.memory_space<vmem_shared>> -> memref<50x128xf32, #tpu.memory_space<vmem_shared>>
      tpu.wait_dma2 semaphore(%run_scoped3A : memref<!tpu.dma_semaphore, #tpu.memory_space<semaphore_mem>>) src(%arg14 : memref<50x128xf32, #tpu.memory_space<vmem>>) dst(%dma_wait3A_115 : memref<50x128xf32, #tpu.memory_space<vmem_shared>>)
      tpu.yield
    }) : () -> ()
    %add3A_42 = arith.constant 150 : i32
    %add3A_43 = arith.addi %mul3A_2, %add3A_42 : i32
    "tpu.region"() ({
      %run_scoped3A = tpu.sem_alloc : memref<!tpu.dma_semaphore, #tpu.memory_space<semaphore_mem>>
      %dma_start3A_108 = arith.constant 0 : i32
      %dma_start3A_109 = tpu.memref_slice %arg19[%add3A_43, %dma_start3A_108] : memref<10240x128xf32, #tpu.memory_space<vmem_shared>> -> memref<50x128xf32, #tpu.memory_space<vmem_shared>>
      %dma_start3A_110 = arith.constant 0 : i32
      %dma_start3A_111 = tpu.memref_slice %arg19[%add3A_43, %dma_start3A_110] : memref<10240x128xf32, #tpu.memory_space<vmem_shared>> -> memref<50x128xf32, #tpu.memory_space<vmem_shared>>
      tpu.enqueue_dma source(%arg14 : memref<50x128xf32, #tpu.memory_space<vmem>>) target(%dma_start3A_111 : memref<50x128xf32, #tpu.memory_space<vmem_shared>>) target_semaphore(%run_scoped3A : memref<!tpu.dma_semaphore, #tpu.memory_space<semaphore_mem>>)
      %dma_wait3A_112 = arith.constant 0 : i32
      %dma_wait3A_113 = tpu.memref_slice %arg19[%add3A_43, %dma_wait3A_112] : memref<10240x128xf32, #tpu.memory_space<vmem_shared>> -> memref<50x128xf32, #tpu.memory_space<vmem_shared>>
      %dma_wait3A_114 = arith.constant 0 : i32
      %dma_wait3A_115 = tpu.memref_slice %arg19[%add3A_43, %dma_wait3A_114] : memref<10240x128xf32, #tpu.memory_space<vmem_shared>> -> memref<50x128xf32, #tpu.memory_space<vmem_shared>>
      tpu.wait_dma2 semaphore(%run_scoped3A : memref<!tpu.dma_semaphore, #tpu.memory_space<semaphore_mem>>) src(%arg14 : memref<50x128xf32, #tpu.memory_space<vmem>>) dst(%dma_wait3A_115 : memref<50x128xf32, #tpu.memory_space<vmem_shared>>)
      tpu.yield
    }) : () -> ()
    %add3A_44 = arith.constant 200 : i32
    %add3A_45 = arith.addi %mul3A_2, %add3A_44 : i32
    "tpu.region"() ({
      %run_scoped3A = tpu.sem_alloc : memref<!tpu.dma_semaphore, #tpu.memory_space<semaphore_mem>>
      %dma_start3A_108 = arith.constant 0 : i32
      %dma_start3A_109 = tpu.memref_slice %arg19[%add3A_45, %dma_start3A_108] : memref<10240x128xf32, #tpu.memory_space<vmem_shared>> -> memref<50x128xf32, #tpu.memory_space<vmem_shared>>
      %dma_start3A_110 = arith.constant 0 : i32
      %dma_start3A_111 = tpu.memref_slice %arg19[%add3A_45, %dma_start3A_110] : memref<10240x128xf32, #tpu.memory_space<vmem_shared>> -> memref<50x128xf32, #tpu.memory_space<vmem_shared>>
      tpu.enqueue_dma source(%arg14 : memref<50x128xf32, #tpu.memory_space<vmem>>) target(%dma_start3A_111 : memref<50x128xf32, #tpu.memory_space<vmem_shared>>) target_semaphore(%run_scoped3A : memref<!tpu.dma_semaphore, #tpu.memory_space<semaphore_mem>>)
      %dma_wait3A_112 = arith.constant 0 : i32
      %dma_wait3A_113 = tpu.memref_slice %arg19[%add3A_45, %dma_wait3A_112] : memref<10240x128xf32, #tpu.memory_space<vmem_shared>> -> memref<50x128xf32, #tpu.memory_space<vmem_shared>>
      %dma_wait3A_114 = arith.constant 0 : i32
      %dma_wait3A_115 = tpu.memref_slice %arg19[%add3A_45, %dma_wait3A_114] : memref<10240x128xf32, #tpu.memory_space<vmem_shared>> -> memref<50x128xf32, #tpu.memory_space<vmem_shared>>
      tpu.wait_dma2 semaphore(%run_scoped3A : memref<!tpu.dma_semaphore, #tpu.memory_space<semaphore_mem>>) src(%arg14 : memref<50x128xf32, #tpu.memory_space<vmem>>) dst(%dma_wait3A_115 : memref<50x128xf32, #tpu.memory_space<vmem_shared>>)
      tpu.yield
    }) : () -> ()
    %add3A_46 = arith.constant 250 : i32
    %add3A_47 = arith.addi %mul3A_2, %add3A_46 : i32
    "tpu.region"() ({
      %run_scoped3A = tpu.sem_alloc : memref<!tpu.dma_semaphore, #tpu.memory_space<semaphore_mem>>
      %dma_start3A_108 = arith.constant 0 : i32
      %dma_start3A_109 = tpu.memref_slice %arg19[%add3A_47, %dma_start3A_108] : memref<10240x128xf32, #tpu.memory_space<vmem_shared>> -> memref<50x128xf32, #tpu.memory_space<vmem_shared>>
      %dma_start3A_110 = arith.constant 0 : i32
      %dma_start3A_111 = tpu.memref_slice %arg19[%add3A_47, %dma_start3A_110] : memref<10240x128xf32, #tpu.memory_space<vmem_shared>> -> memref<50x128xf32, #tpu.memory_space<vmem_shared>>
      tpu.enqueue_dma source(%arg14 : memref<50x128xf32, #tpu.memory_space<vmem>>) target(%dma_start3A_111 : memref<50x128xf32, #tpu.memory_space<vmem_shared>>) target_semaphore(%run_scoped3A : memref<!tpu.dma_semaphore, #tpu.memory_space<semaphore_mem>>)
      %dma_wait3A_112 = arith.constant 0 : i32
      %dma_wait3A_113 = tpu.memref_slice %arg19[%add3A_47, %dma_wait3A_112] : memref<10240x128xf32, #tpu.memory_space<vmem_shared>> -> memref<50x128xf32, #tpu.memory_space<vmem_shared>>
      %dma_wait3A_114 = arith.constant 0 : i32
      %dma_wait3A_115 = tpu.memref_slice %arg19[%add3A_47, %dma_wait3A_114] : memref<10240x128xf32, #tpu.memory_space<vmem_shared>> -> memref<50x128xf32, #tpu.memory_space<vmem_shared>>
      tpu.wait_dma2 semaphore(%run_scoped3A : memref<!tpu.dma_semaphore, #tpu.memory_space<semaphore_mem>>) src(%arg14 : memref<50x128xf32, #tpu.memory_space<vmem>>) dst(%dma_wait3A_115 : memref<50x128xf32, #tpu.memory_space<vmem_shared>>)
      tpu.yield
    }) : () -> ()
    %add3A_48 = arith.constant 300 : i32
    %add3A_49 = arith.addi %mul3A_2, %add3A_48 : i32
    "tpu.region"() ({
      %run_scoped3A = tpu.sem_alloc : memref<!tpu.dma_semaphore, #tpu.memory_space<semaphore_mem>>
      %dma_start3A_108 = arith.constant 0 : i32
      %dma_start3A_109 = tpu.memref_slice %arg19[%add3A_49, %dma_start3A_108] : memref<10240x128xf32, #tpu.memory_space<vmem_shared>> -> memref<50x128xf32, #tpu.memory_space<vmem_shared>>
      %dma_start3A_110 = arith.constant 0 : i32
      %dma_start3A_111 = tpu.memref_slice %arg19[%add3A_49, %dma_start3A_110] : memref<10240x128xf32, #tpu.memory_space<vmem_shared>> -> memref<50x128xf32, #tpu.memory_space<vmem_shared>>
      tpu.enqueue_dma source(%arg14 : memref<50x128xf32, #tpu.memory_space<vmem>>) target(%dma_start3A_111 : memref<50x128xf32, #tpu.memory_space<vmem_shared>>) target_semaphore(%run_scoped3A : memref<!tpu.dma_semaphore, #tpu.memory_space<semaphore_mem>>)
      %dma_wait3A_112 = arith.constant 0 : i32
      %dma_wait3A_113 = tpu.memref_slice %arg19[%add3A_49, %dma_wait3A_112] : memref<10240x128xf32, #tpu.memory_space<vmem_shared>> -> memref<50x128xf32, #tpu.memory_space<vmem_shared>>
      %dma_wait3A_114 = arith.constant 0 : i32
      %dma_wait3A_115 = tpu.memref_slice %arg19[%add3A_49, %dma_wait3A_114] : memref<10240x128xf32, #tpu.memory_space<vmem_shared>> -> memref<50x128xf32, #tpu.memory_space<vmem_shared>>
      tpu.wait_dma2 semaphore(%run_scoped3A : memref<!tpu.dma_semaphore, #tpu.memory_space<semaphore_mem>>) src(%arg14 : memref<50x128xf32, #tpu.memory_space<vmem>>) dst(%dma_wait3A_115 : memref<50x128xf32, #tpu.memory_space<vmem_shared>>)
      tpu.yield
    }) : () -> ()
    %add3A_50 = arith.constant 350 : i32
    %add3A_51 = arith.addi %mul3A_2, %add3A_50 : i32
    "tpu.region"() ({
      %run_scoped3A = tpu.sem_alloc : memref<!tpu.dma_semaphore, #tpu.memory_space<semaphore_mem>>
      %dma_start3A_108 = arith.constant 0 : i32
      %dma_start3A_109 = tpu.memref_slice %arg19[%add3A_51, %dma_start3A_108] : memref<10240x128xf32, #tpu.memory_space<vmem_shared>> -> memref<50x128xf32, #tpu.memory_space<vmem_shared>>
      %dma_start3A_110 = arith.constant 0 : i32
      %dma_start3A_111 = tpu.memref_slice %arg19[%add3A_51, %dma_start3A_110] : memref<10240x128xf32, #tpu.memory_space<vmem_shared>> -> memref<50x128xf32, #tpu.memory_space<vmem_shared>>
      tpu.enqueue_dma source(%arg14 : memref<50x128xf32, #tpu.memory_space<vmem>>) target(%dma_start3A_111 : memref<50x128xf32, #tpu.memory_space<vmem_shared>>) target_semaphore(%run_scoped3A : memref<!tpu.dma_semaphore, #tpu.memory_space<semaphore_mem>>)
      %dma_wait3A_112 = arith.constant 0 : i32
      %dma_wait3A_113 = tpu.memref_slice %arg19[%add3A_51, %dma_wait3A_112] : memref<10240x128xf32, #tpu.memory_space<vmem_shared>> -> memref<50x128xf32, #tpu.memory_space<vmem_shared>>
      %dma_wait3A_114 = arith.constant 0 : i32
      %dma_wait3A_115 = tpu.memref_slice %arg19[%add3A_51, %dma_wait3A_114] : memref<10240x128xf32, #tpu.memory_space<vmem_shared>> -> memref<50x128xf32, #tpu.memory_space<vmem_shared>>
      tpu.wait_dma2 semaphore(%run_scoped3A : memref<!tpu.dma_semaphore, #tpu.memory_space<semaphore_mem>>) src(%arg14 : memref<50x128xf32, #tpu.memory_space<vmem>>) dst(%dma_wait3A_115 : memref<50x128xf32, #tpu.memory_space<vmem_shared>>)
      tpu.yield
    }) : () -> ()
    %add3A_52 = arith.constant 400 : i32
    %add3A_53 = arith.addi %mul3A_2, %add3A_52 : i32
    "tpu.region"() ({
      %run_scoped3A = tpu.sem_alloc : memref<!tpu.dma_semaphore, #tpu.memory_space<semaphore_mem>>
      %dma_start3A_108 = arith.constant 0 : i32
      %dma_start3A_109 = tpu.memref_slice %arg19[%add3A_53, %dma_start3A_108] : memref<10240x128xf32, #tpu.memory_space<vmem_shared>> -> memref<50x128xf32, #tpu.memory_space<vmem_shared>>
      %dma_start3A_110 = arith.constant 0 : i32
      %dma_start3A_111 = tpu.memref_slice %arg19[%add3A_53, %dma_start3A_110] : memref<10240x128xf32, #tpu.memory_space<vmem_shared>> -> memref<50x128xf32, #tpu.memory_space<vmem_shared>>
      tpu.enqueue_dma source(%arg14 : memref<50x128xf32, #tpu.memory_space<vmem>>) target(%dma_start3A_111 : memref<50x128xf32, #tpu.memory_space<vmem_shared>>) target_semaphore(%run_scoped3A : memref<!tpu.dma_semaphore, #tpu.memory_space<semaphore_mem>>)
      %dma_wait3A_112 = arith.constant 0 : i32
      %dma_wait3A_113 = tpu.memref_slice %arg19[%add3A_53, %dma_wait3A_112] : memref<10240x128xf32, #tpu.memory_space<vmem_shared>> -> memref<50x128xf32, #tpu.memory_space<vmem_shared>>
      %dma_wait3A_114 = arith.constant 0 : i32
      %dma_wait3A_115 = tpu.memref_slice %arg19[%add3A_53, %dma_wait3A_114] : memref<10240x128xf32, #tpu.memory_space<vmem_shared>> -> memref<50x128xf32, #tpu.memory_space<vmem_shared>>
      tpu.wait_dma2 semaphore(%run_scoped3A : memref<!tpu.dma_semaphore, #tpu.memory_space<semaphore_mem>>) src(%arg14 : memref<50x128xf32, #tpu.memory_space<vmem>>) dst(%dma_wait3A_115 : memref<50x128xf32, #tpu.memory_space<vmem_shared>>)
      tpu.yield
    }) : () -> ()
    %add3A_54 = arith.constant 450 : i32
    %add3A_55 = arith.addi %mul3A_2, %add3A_54 : i32
    "tpu.region"() ({
      %run_scoped3A = tpu.sem_alloc : memref<!tpu.dma_semaphore, #tpu.memory_space<semaphore_mem>>
      %dma_start3A_108 = arith.constant 0 : i32
      %dma_start3A_109 = tpu.memref_slice %arg19[%add3A_55, %dma_start3A_108] : memref<10240x128xf32, #tpu.memory_space<vmem_shared>> -> memref<50x128xf32, #tpu.memory_space<vmem_shared>>
      %dma_start3A_110 = arith.constant 0 : i32
      %dma_start3A_111 = tpu.memref_slice %arg19[%add3A_55, %dma_start3A_110] : memref<10240x128xf32, #tpu.memory_space<vmem_shared>> -> memref<50x128xf32, #tpu.memory_space<vmem_shared>>
      tpu.enqueue_dma source(%arg14 : memref<50x128xf32, #tpu.memory_space<vmem>>) target(%dma_start3A_111 : memref<50x128xf32, #tpu.memory_space<vmem_shared>>) target_semaphore(%run_scoped3A : memref<!tpu.dma_semaphore, #tpu.memory_space<semaphore_mem>>)
      %dma_wait3A_112 = arith.constant 0 : i32
      %dma_wait3A_113 = tpu.memref_slice %arg19[%add3A_55, %dma_wait3A_112] : memref<10240x128xf32, #tpu.memory_space<vmem_shared>> -> memref<50x128xf32, #tpu.memory_space<vmem_shared>>
      %dma_wait3A_114 = arith.constant 0 : i32
      %dma_wait3A_115 = tpu.memref_slice %arg19[%add3A_55, %dma_wait3A_114] : memref<10240x128xf32, #tpu.memory_space<vmem_shared>> -> memref<50x128xf32, #tpu.memory_space<vmem_shared>>
      tpu.wait_dma2 semaphore(%run_scoped3A : memref<!tpu.dma_semaphore, #tpu.memory_space<semaphore_mem>>) src(%arg14 : memref<50x128xf32, #tpu.memory_space<vmem>>) dst(%dma_wait3A_115 : memref<50x128xf32, #tpu.memory_space<vmem_shared>>)
      tpu.yield
    }) : () -> ()
    %add3A_56 = arith.constant 500 : i32
    %add3A_57 = arith.addi %mul3A_2, %add3A_56 : i32
    "tpu.region"() ({
      %run_scoped3A = tpu.sem_alloc : memref<!tpu.dma_semaphore, #tpu.memory_space<semaphore_mem>>
      %dma_start3A_108 = arith.constant 0 : i32
      %dma_start3A_109 = tpu.memref_slice %arg19[%add3A_57, %dma_start3A_108] : memref<10240x128xf32, #tpu.memory_space<vmem_shared>> -> memref<50x128xf32, #tpu.memory_space<vmem_shared>>
      %dma_start3A_110 = arith.constant 0 : i32
      %dma_start3A_111 = tpu.memref_slice %arg19[%add3A_57, %dma_start3A_110] : memref<10240x128xf32, #tpu.memory_space<vmem_shared>> -> memref<50x128xf32, #tpu.memory_space<vmem_shared>>
      tpu.enqueue_dma source(%arg14 : memref<50x128xf32, #tpu.memory_space<vmem>>) target(%dma_start3A_111 : memref<50x128xf32, #tpu.memory_space<vmem_shared>>) target_semaphore(%run_scoped3A : memref<!tpu.dma_semaphore, #tpu.memory_space<semaphore_mem>>)
      %dma_wait3A_112 = arith.constant 0 : i32
      %dma_wait3A_113 = tpu.memref_slice %arg19[%add3A_57, %dma_wait3A_112] : memref<10240x128xf32, #tpu.memory_space<vmem_shared>> -> memref<50x128xf32, #tpu.memory_space<vmem_shared>>
      %dma_wait3A_114 = arith.constant 0 : i32
      %dma_wait3A_115 = tpu.memref_slice %arg19[%add3A_57, %dma_wait3A_114] : memref<10240x128xf32, #tpu.memory_space<vmem_shared>> -> memref<50x128xf32, #tpu.memory_space<vmem_shared>>
      tpu.wait_dma2 semaphore(%run_scoped3A : memref<!tpu.dma_semaphore, #tpu.memory_space<semaphore_mem>>) src(%arg14 : memref<50x128xf32, #tpu.memory_space<vmem>>) dst(%dma_wait3A_115 : memref<50x128xf32, #tpu.memory_space<vmem_shared>>)
      tpu.yield
    }) : () -> ()
    %add3A_58 = arith.constant 550 : i32
    %add3A_59 = arith.addi %mul3A_2, %add3A_58 : i32
    "tpu.region"() ({
      %run_scoped3A = tpu.sem_alloc : memref<!tpu.dma_semaphore, #tpu.memory_space<semaphore_mem>>
      %dma_start3A_108 = arith.constant 0 : i32
      %dma_start3A_109 = tpu.memref_slice %arg19[%add3A_59, %dma_start3A_108] : memref<10240x128xf32, #tpu.memory_space<vmem_shared>> -> memref<50x128xf32, #tpu.memory_space<vmem_shared>>
      %dma_start3A_110 = arith.constant 0 : i32
      %dma_start3A_111 = tpu.memref_slice %arg19[%add3A_59, %dma_start3A_110] : memref<10240x128xf32, #tpu.memory_space<vmem_shared>> -> memref<50x128xf32, #tpu.memory_space<vmem_shared>>
      tpu.enqueue_dma source(%arg14 : memref<50x128xf32, #tpu.memory_space<vmem>>) target(%dma_start3A_111 : memref<50x128xf32, #tpu.memory_space<vmem_shared>>) target_semaphore(%run_scoped3A : memref<!tpu.dma_semaphore, #tpu.memory_space<semaphore_mem>>)
      %dma_wait3A_112 = arith.constant 0 : i32
      %dma_wait3A_113 = tpu.memref_slice %arg19[%add3A_59, %dma_wait3A_112] : memref<10240x128xf32, #tpu.memory_space<vmem_shared>> -> memref<50x128xf32, #tpu.memory_space<vmem_shared>>
      %dma_wait3A_114 = arith.constant 0 : i32
      %dma_wait3A_115 = tpu.memref_slice %arg19[%add3A_59, %dma_wait3A_114] : memref<10240x128xf32, #tpu.memory_space<vmem_shared>> -> memref<50x128xf32, #tpu.memory_space<vmem_shared>>
      tpu.wait_dma2 semaphore(%run_scoped3A : memref<!tpu.dma_semaphore, #tpu.memory_space<semaphore_mem>>) src(%arg14 : memref<50x128xf32, #tpu.memory_space<vmem>>) dst(%dma_wait3A_115 : memref<50x128xf32, #tpu.memory_space<vmem_shared>>)
      tpu.yield
    }) : () -> ()
    %add3A_60 = arith.constant 600 : i32
    %add3A_61 = arith.addi %mul3A_2, %add3A_60 : i32
    "tpu.region"() ({
      %run_scoped3A = tpu.sem_alloc : memref<!tpu.dma_semaphore, #tpu.memory_space<semaphore_mem>>
      %dma_start3A_108 = arith.constant 0 : i32
      %dma_start3A_109 = arith.constant 0 : i32
      %dma_start3A_110 = tpu.memref_slice %arg14[%dma_start3A_108, %dma_start3A_109] : memref<50x128xf32, #tpu.memory_space<vmem>> -> memref<40x128xf32, #tpu.memory_space<vmem>>
      %dma_start3A_111 = arith.constant 0 : i32
      %dma_start3A_112 = tpu.memref_slice %arg19[%add3A_61, %dma_start3A_111] : memref<10240x128xf32, #tpu.memory_space<vmem_shared>> -> memref<40x128xf32, #tpu.memory_space<vmem_shared>>
      %dma_start3A_113 = arith.constant 0 : i32
      %dma_start3A_114 = tpu.memref_slice %arg19[%add3A_61, %dma_start3A_113] : memref<10240x128xf32, #tpu.memory_space<vmem_shared>> -> memref<40x128xf32, #tpu.memory_space<vmem_shared>>
      %dma_start3A_115 = arith.constant 0 : i32
      %dma_start3A_116 = arith.constant 0 : i32
      %dma_start3A_117 = tpu.memref_slice %arg14[%dma_start3A_115, %dma_start3A_116] : memref<50x128xf32, #tpu.memory_space<vmem>> -> memref<40x128xf32, #tpu.memory_space<vmem>>
      tpu.enqueue_dma source(%dma_start3A_117 : memref<40x128xf32, #tpu.memory_space<vmem>>) target(%dma_start3A_114 : memref<40x128xf32, #tpu.memory_space<vmem_shared>>) target_semaphore(%run_scoped3A : memref<!tpu.dma_semaphore, #tpu.memory_space<semaphore_mem>>)
      %dma_wait3A_118 = arith.constant 0 : i32
      %dma_wait3A_119 = arith.constant 0 : i32
      %dma_wait3A_120 = tpu.memref_slice %arg14[%dma_wait3A_118, %dma_wait3A_119] : memref<50x128xf32, #tpu.memory_space<vmem>> -> memref<40x128xf32, #tpu.memory_space<vmem>>
      %dma_wait3A_121 = arith.constant 0 : i32
      %dma_wait3A_122 = tpu.memref_slice %arg19[%add3A_61, %dma_wait3A_121] : memref<10240x128xf32, #tpu.memory_space<vmem_shared>> -> memref<40x128xf32, #tpu.memory_space<vmem_shared>>
      %dma_wait3A_123 = arith.constant 0 : i32
      %dma_wait3A_124 = tpu.memref_slice %arg19[%add3A_61, %dma_wait3A_123] : memref<10240x128xf32, #tpu.memory_space<vmem_shared>> -> memref<40x128xf32, #tpu.memory_space<vmem_shared>>
      %dma_wait3A_125 = arith.constant 0 : i32
      %dma_wait3A_126 = arith.constant 0 : i32
      %dma_wait3A_127 = tpu.memref_slice %arg14[%dma_wait3A_125, %dma_wait3A_126] : memref<50x128xf32, #tpu.memory_space<vmem>> -> memref<40x128xf32, #tpu.memory_space<vmem>>
      tpu.wait_dma2 semaphore(%run_scoped3A : memref<!tpu.dma_semaphore, #tpu.memory_space<semaphore_mem>>) src(%dma_wait3A_127 : memref<40x128xf32, #tpu.memory_space<vmem>>) dst(%dma_wait3A_124 : memref<40x128xf32, #tpu.memory_space<vmem_shared>>)
      tpu.yield
    }) : () -> ()
    %barrier3A = arith.constant 0 : index
    tpu.barrier barrier_id(%barrier3A)
    %dma_wait3A = arith.constant 0 : i32
    %dma_wait3A_62 = arith.constant 0 : i32
    %dma_wait3A_63 = tpu.memref_slice %arg3[%add3A, %dma_wait3A, %dma_wait3A_62] : memref<32x200x50xi32, #tpu.memory_space<hbm>> -> memref<1x1x50xi32, #tpu.memory_space<hbm>>
    %dma_wait3A_64 = tpu.memref_squeeze %dma_wait3A_63 : memref<1x1x50xi32, #tpu.memory_space<hbm>> -> memref<50xi32, #tpu.memory_space<hbm>>
    %dma_wait3A_65 = arith.constant 0 : i32
    %dma_wait3A_66 = tpu.memref_slice %arg3[%add3A, %dma_wait3A, %dma_wait3A_65] : memref<32x200x50xi32, #tpu.memory_space<hbm>> -> memref<1x1x50xi32, #tpu.memory_space<hbm>>
    %dma_wait3A_67 = tpu.memref_squeeze %dma_wait3A_66 : memref<1x1x50xi32, #tpu.memory_space<hbm>> -> memref<50xi32, #tpu.memory_space<hbm>>
    tpu.wait_dma2 semaphore(%arg25 : memref<!tpu.dma_semaphore, #tpu.memory_space<semaphore_mem>>) src(%dma_wait3A_67 : memref<50xi32, #tpu.memory_space<hbm>>) dst(%arg10 : memref<50xi32, #tpu.memory_space<vmem>>)
    %dma_start3A_68 = arith.constant 0 : i32
    %dma_start3A_69 = arith.constant 0 : i32
    %dma_start3A_70 = tpu.memref_slice %arg2[%dma_start3A_68, %dma_start3A_69] : memref<10000x128xf32, #tpu.memory_space<hbm>> -> memref<10000x128xf32, #tpu.memory_space<hbm>>
    tpu.enqueue_indirect_dma source(%dma_start3A_70 : memref<10000x128xf32, #tpu.memory_space<hbm>>) target(%arg14 : memref<50x128xf32, #tpu.memory_space<vmem>>) offsets(%arg10 : memref<50xi32, #tpu.memory_space<vmem>>) semaphore(%arg21 : memref<!tpu.dma_semaphore, #tpu.memory_space<semaphore_mem>>)
    %dma_wait3A_71 = arith.constant 1 : i32
    %dma_wait3A_72 = arith.constant 0 : i32
    %dma_wait3A_73 = tpu.memref_slice %arg3[%add3A, %dma_wait3A_71, %dma_wait3A_72] : memref<32x200x50xi32, #tpu.memory_space<hbm>> -> memref<1x1x50xi32, #tpu.memory_space<hbm>>
    %dma_wait3A_74 = tpu.memref_squeeze %dma_wait3A_73 : memref<1x1x50xi32, #tpu.memory_space<hbm>> -> memref<50xi32, #tpu.memory_space<hbm>>
    %dma_wait3A_75 = arith.constant 0 : i32
    %dma_wait3A_76 = tpu.memref_slice %arg3[%add3A, %dma_wait3A_71, %dma_wait3A_75] : memref<32x200x50xi32, #tpu.memory_space<hbm>> -> memref<1x1x50xi32, #tpu.memory_space<hbm>>
    %dma_wait3A_77 = tpu.memref_squeeze %dma_wait3A_76 : memref<1x1x50xi32, #tpu.memory_space<hbm>> -> memref<50xi32, #tpu.memory_space<hbm>>
    tpu.wait_dma2 semaphore(%arg26 : memref<!tpu.dma_semaphore, #tpu.memory_space<semaphore_mem>>) src(%dma_wait3A_77 : memref<50xi32, #tpu.memory_space<hbm>>) dst(%arg11 : memref<50xi32, #tpu.memory_space<vmem>>)
    %dma_start3A_78 = arith.constant 0 : i32
    %dma_start3A_79 = arith.constant 0 : i32
    %dma_start3A_80 = tpu.memref_slice %arg2[%dma_start3A_78, %dma_start3A_79] : memref<10000x128xf32, #tpu.memory_space<hbm>> -> memref<10000x128xf32, #tpu.memory_space<hbm>>
    tpu.enqueue_indirect_dma source(%dma_start3A_80 : memref<10000x128xf32, #tpu.memory_space<hbm>>) target(%arg15 : memref<50x128xf32, #tpu.memory_space<vmem>>) offsets(%arg11 : memref<50xi32, #tpu.memory_space<vmem>>) semaphore(%arg22 : memref<!tpu.dma_semaphore, #tpu.memory_space<semaphore_mem>>)
    %dma_wait3A_81 = arith.constant 2 : i32
    %dma_wait3A_82 = arith.constant 0 : i32
    %dma_wait3A_83 = tpu.memref_slice %arg3[%add3A, %dma_wait3A_81, %dma_wait3A_82] : memref<32x200x50xi32, #tpu.memory_space<hbm>> -> memref<1x1x50xi32, #tpu.memory_space<hbm>>
    %dma_wait3A_84 = tpu.memref_squeeze %dma_wait3A_83 : memref<1x1x50xi32, #tpu.memory_space<hbm>> -> memref<50xi32, #tpu.memory_space<hbm>>
    %dma_wait3A_85 = arith.constant 0 : i32
    %dma_wait3A_86 = tpu.memref_slice %arg3[%add3A, %dma_wait3A_81, %dma_wait3A_85] : memref<32x200x50xi32, #tpu.memory_space<hbm>> -> memref<1x1x50xi32, #tpu.memory_space<hbm>>
    %dma_wait3A_87 = tpu.memref_squeeze %dma_wait3A_86 : memref<1x1x50xi32, #tpu.memory_space<hbm>> -> memref<50xi32, #tpu.memory_space<hbm>>
    tpu.wait_dma2 semaphore(%arg27 : memref<!tpu.dma_semaphore, #tpu.memory_space<semaphore_mem>>) src(%dma_wait3A_87 : memref<50xi32, #tpu.memory_space<hbm>>) dst(%arg12 : memref<50xi32, #tpu.memory_space<vmem>>)
    %dma_start3A_88 = arith.constant 0 : i32
    %dma_start3A_89 = arith.constant 0 : i32
    %dma_start3A_90 = tpu.memref_slice %arg2[%dma_start3A_88, %dma_start3A_89] : memref<10000x128xf32, #tpu.memory_space<hbm>> -> memref<10000x128xf32, #tpu.memory_space<hbm>>
    tpu.enqueue_indirect_dma source(%dma_start3A_90 : memref<10000x128xf32, #tpu.memory_space<hbm>>) target(%arg16 : memref<50x128xf32, #tpu.memory_space<vmem>>) offsets(%arg12 : memref<50xi32, #tpu.memory_space<vmem>>) semaphore(%arg23 : memref<!tpu.dma_semaphore, #tpu.memory_space<semaphore_mem>>)
    %dma_wait3A_91 = arith.constant 3 : i32
    %dma_wait3A_92 = arith.constant 0 : i32
    %dma_wait3A_93 = tpu.memref_slice %arg3[%add3A, %dma_wait3A_91, %dma_wait3A_92] : memref<32x200x50xi32, #tpu.memory_space<hbm>> -> memref<1x1x50xi32, #tpu.memory_space<hbm>>
    %dma_wait3A_94 = tpu.memref_squeeze %dma_wait3A_93 : memref<1x1x50xi32, #tpu.memory_space<hbm>> -> memref<50xi32, #tpu.memory_space<hbm>>
    %dma_wait3A_95 = arith.constant 0 : i32
    %dma_wait3A_96 = tpu.memref_slice %arg3[%add3A, %dma_wait3A_91, %dma_wait3A_95] : memref<32x200x50xi32, #tpu.memory_space<hbm>> -> memref<1x1x50xi32, #tpu.memory_space<hbm>>
    %dma_wait3A_97 = tpu.memref_squeeze %dma_wait3A_96 : memref<1x1x50xi32, #tpu.memory_space<hbm>> -> memref<50xi32, #tpu.memory_space<hbm>>
    tpu.wait_dma2 semaphore(%arg28 : memref<!tpu.dma_semaphore, #tpu.memory_space<semaphore_mem>>) src(%dma_wait3A_97 : memref<50xi32, #tpu.memory_space<hbm>>) dst(%arg13 : memref<50xi32, #tpu.memory_space<vmem>>)
    %dma_start3A_98 = arith.constant 0 : i32
    %dma_start3A_99 = arith.constant 0 : i32
    %dma_start3A_100 = tpu.memref_slice %arg2[%dma_start3A_98, %dma_start3A_99] : memref<10000x128xf32, #tpu.memory_space<hbm>> -> memref<10000x128xf32, #tpu.memory_space<hbm>>
    tpu.enqueue_indirect_dma source(%dma_start3A_100 : memref<10000x128xf32, #tpu.memory_space<hbm>>) target(%arg17 : memref<50x128xf32, #tpu.memory_space<vmem>>) offsets(%arg13 : memref<50xi32, #tpu.memory_space<vmem>>) semaphore(%arg24 : memref<!tpu.dma_semaphore, #tpu.memory_space<semaphore_mem>>)
    %scan3A_101 = arith.constant 0 : i32
    %scan3A_102 = arith.constant 0 : i32
    %scan3A_103 = arith.constant 50 : i32
    %scan3A_104 = arith.addi %scan3A_102, %scan3A_103 : i32
    %scan3A_105 = arith.constant 1 : i32
    scf.for %scan3A_108 = %scan3A_102 to %scan3A_104 step %scan3A_105  : i32 {
      %mul3A_109 = arith.constant 4 : i32
      %mul3A_110 = arith.muli %mul3A_109, %scan3A_108 : i32
      %dma_wait3A_111 = arith.constant 0 : i32
      %dma_wait3A_112 = arith.constant 0 : i32
      %dma_wait3A_113 = tpu.memref_slice %arg2[%dma_wait3A_111, %dma_wait3A_112] : memref<10000x128xf32, #tpu.memory_space<hbm>> -> memref<10000x128xf32, #tpu.memory_space<hbm>>
      tpu.wait_indirect_dma semaphore(%arg21 : memref<!tpu.dma_semaphore, #tpu.memory_space<semaphore_mem>>) src(%dma_wait3A_113 : memref<10000x128xf32, #tpu.memory_space<hbm>>) dst(%arg14 : memref<50x128xf32, #tpu.memory_space<vmem>>)
      %add3A_114 = arith.constant 0 : i32
      %add3A_115 = arith.addi %mul3A_110, %add3A_114 : i32
      %dma_start3A_116 = arith.constant 0 : i32
      %dma_start3A_117 = tpu.memref_slice %arg9[%add3A_115, %dma_start3A_116] : memref<200x50xi32, #tpu.memory_space<vmem>> -> memref<1x50xi32, #tpu.memory_space<vmem>>
      %dma_start3A_118 = tpu.memref_squeeze %dma_start3A_117 : memref<1x50xi32, #tpu.memory_space<vmem>> -> memref<50xi32, #tpu.memory_space<vmem>>
      %dma_start3A_119 = arith.constant 0 : i32
      %dma_start3A_120 = arith.constant 0 : i32
      %dma_start3A_121 = tpu.memref_slice %arg19[%dma_start3A_119, %dma_start3A_120] : memref<10240x128xf32, #tpu.memory_space<vmem_shared>> -> memref<10240x128xf32, #tpu.memory_space<vmem_shared>>
      tpu.enqueue_indirect_dma source(%arg14 : memref<50x128xf32, #tpu.memory_space<vmem>>) target(%dma_start3A_121 : memref<10240x128xf32, #tpu.memory_space<vmem_shared>>) offsets(%dma_start3A_118 : memref<50xi32, #tpu.memory_space<vmem>>) semaphore(%arg29 : memref<!tpu.dma_semaphore, #tpu.memory_space<semaphore_mem>>) {add = true}
      %add3A_122 = arith.constant 0 : i32
      %add3A_123 = arith.addi %mul3A_110, %add3A_122 : i32
      %dma_start3A_124 = arith.constant 0 : i32
      %dma_start3A_125 = tpu.memref_slice %arg9[%add3A_123, %dma_start3A_124] : memref<200x50xi32, #tpu.memory_space<vmem>> -> memref<1x50xi32, #tpu.memory_space<vmem>>
      %dma_start3A_126 = tpu.memref_squeeze %dma_start3A_125 : memref<1x50xi32, #tpu.memory_space<vmem>> -> memref<50xi32, #tpu.memory_space<vmem>>
      %dma_start3A_127 = arith.constant 0 : i32
      %dma_start3A_128 = arith.constant 0 : i32
      %dma_start3A_129 = tpu.memref_slice %arg20[%dma_start3A_127, %dma_start3A_128] : memref<10240x16xf32, #tpu.memory_space<vmem_shared>> -> memref<10240x16xf32, #tpu.memory_space<vmem_shared>>
      tpu.enqueue_indirect_dma source(%arg18 : memref<50x16xf32, #tpu.memory_space<vmem>>) target(%dma_start3A_129 : memref<10240x16xf32, #tpu.memory_space<vmem_shared>>) offsets(%dma_start3A_126 : memref<50xi32, #tpu.memory_space<vmem>>) semaphore(%arg33 : memref<!tpu.dma_semaphore, #tpu.memory_space<semaphore_mem>>) {add = true}
      %add3A_130 = arith.constant 0 : i32
      %add3A_131 = arith.addi %mul3A_110, %add3A_130 : i32
      %add3A_132 = arith.constant 4 : i32
      %add3A_133 = arith.addi %add3A_131, %add3A_132 : i32
      %lt3A = arith.constant 200 : i32
      %lt3A_134 = arith.cmpi slt, %add3A_133, %lt3A : i32
      %convert_element_type3A = arith.extui %lt3A_134 : i1 to i32
      %cond3A = arith.constant 0 : i32
      %cond3A_135 = arith.cmpi ne, %convert_element_type3A, %cond3A : i32
      scf.if %cond3A_135 {
        %add3A_320 = arith.constant 0 : i32
        %add3A_321 = arith.addi %mul3A_110, %add3A_320 : i32
        %add3A_322 = arith.constant 4 : i32
        %add3A_323 = arith.addi %add3A_321, %add3A_322 : i32
        %dma_start3A_324 = arith.constant 0 : i32
        %dma_start3A_325 = tpu.memref_slice %arg3[%add3A, %add3A_323, %dma_start3A_324] : memref<32x200x50xi32, #tpu.memory_space<hbm>> -> memref<1x1x50xi32, #tpu.memory_space<hbm>>
        %dma_start3A_326 = tpu.memref_squeeze %dma_start3A_325 : memref<1x1x50xi32, #tpu.memory_space<hbm>> -> memref<50xi32, #tpu.memory_space<hbm>>
        %dma_start3A_327 = arith.constant 0 : i32
        %dma_start3A_328 = tpu.memref_slice %arg3[%add3A, %add3A_323, %dma_start3A_327] : memref<32x200x50xi32, #tpu.memory_space<hbm>> -> memref<1x1x50xi32, #tpu.memory_space<hbm>>
        %dma_start3A_329 = tpu.memref_squeeze %dma_start3A_328 : memref<1x1x50xi32, #tpu.memory_space<hbm>> -> memref<50xi32, #tpu.memory_space<hbm>>
        tpu.enqueue_dma source(%dma_start3A_329 : memref<50xi32, #tpu.memory_space<hbm>>) target(%arg10 : memref<50xi32, #tpu.memory_space<vmem>>) target_semaphore(%arg25 : memref<!tpu.dma_semaphore, #tpu.memory_space<semaphore_mem>>)
      } else {
      }
      %dma_wait3A_136 = arith.constant 0 : i32
      %dma_wait3A_137 = arith.constant 0 : i32
      %dma_wait3A_138 = tpu.memref_slice %arg2[%dma_wait3A_136, %dma_wait3A_137] : memref<10000x128xf32, #tpu.memory_space<hbm>> -> memref<10000x128xf32, #tpu.memory_space<hbm>>
      tpu.wait_indirect_dma semaphore(%arg22 : memref<!tpu.dma_semaphore, #tpu.memory_space<semaphore_mem>>) src(%dma_wait3A_138 : memref<10000x128xf32, #tpu.memory_space<hbm>>) dst(%arg15 : memref<50x128xf32, #tpu.memory_space<vmem>>)
      %add3A_139 = arith.constant 1 : i32
      %add3A_140 = arith.addi %mul3A_110, %add3A_139 : i32
      %dma_start3A_141 = arith.constant 0 : i32
      %dma_start3A_142 = tpu.memref_slice %arg9[%add3A_140, %dma_start3A_141] : memref<200x50xi32, #tpu.memory_space<vmem>> -> memref<1x50xi32, #tpu.memory_space<vmem>>
      %dma_start3A_143 = tpu.memref_squeeze %dma_start3A_142 : memref<1x50xi32, #tpu.memory_space<vmem>> -> memref<50xi32, #tpu.memory_space<vmem>>
      %dma_start3A_144 = arith.constant 0 : i32
      %dma_start3A_145 = arith.constant 0 : i32
      %dma_start3A_146 = tpu.memref_slice %arg19[%dma_start3A_144, %dma_start3A_145] : memref<10240x128xf32, #tpu.memory_space<vmem_shared>> -> memref<10240x128xf32, #tpu.memory_space<vmem_shared>>
      tpu.enqueue_indirect_dma source(%arg15 : memref<50x128xf32, #tpu.memory_space<vmem>>) target(%dma_start3A_146 : memref<10240x128xf32, #tpu.memory_space<vmem_shared>>) offsets(%dma_start3A_143 : memref<50xi32, #tpu.memory_space<vmem>>) semaphore(%arg30 : memref<!tpu.dma_semaphore, #tpu.memory_space<semaphore_mem>>) {add = true}
      %add3A_147 = arith.constant 1 : i32
      %add3A_148 = arith.addi %mul3A_110, %add3A_147 : i32
      %dma_start3A_149 = arith.constant 0 : i32
      %dma_start3A_150 = tpu.memref_slice %arg9[%add3A_148, %dma_start3A_149] : memref<200x50xi32, #tpu.memory_space<vmem>> -> memref<1x50xi32, #tpu.memory_space<vmem>>
      %dma_start3A_151 = tpu.memref_squeeze %dma_start3A_150 : memref<1x50xi32, #tpu.memory_space<vmem>> -> memref<50xi32, #tpu.memory_space<vmem>>
      %dma_start3A_152 = arith.constant 0 : i32
      %dma_start3A_153 = arith.constant 0 : i32
      %dma_start3A_154 = tpu.memref_slice %arg20[%dma_start3A_152, %dma_start3A_153] : memref<10240x16xf32, #tpu.memory_space<vmem_shared>> -> memref<10240x16xf32, #tpu.memory_space<vmem_shared>>
      tpu.enqueue_indirect_dma source(%arg18 : memref<50x16xf32, #tpu.memory_space<vmem>>) target(%dma_start3A_154 : memref<10240x16xf32, #tpu.memory_space<vmem_shared>>) offsets(%dma_start3A_151 : memref<50xi32, #tpu.memory_space<vmem>>) semaphore(%arg34 : memref<!tpu.dma_semaphore, #tpu.memory_space<semaphore_mem>>) {add = true}
      %add3A_155 = arith.constant 1 : i32
      %add3A_156 = arith.addi %mul3A_110, %add3A_155 : i32
      %add3A_157 = arith.constant 4 : i32
      %add3A_158 = arith.addi %add3A_156, %add3A_157 : i32
      %lt3A_159 = arith.constant 200 : i32
      %lt3A_160 = arith.cmpi slt, %add3A_158, %lt3A_159 : i32
      %convert_element_type3A_161 = arith.extui %lt3A_160 : i1 to i32
      %cond3A_162 = arith.constant 0 : i32
      %cond3A_163 = arith.cmpi ne, %convert_element_type3A_161, %cond3A_162 : i32
      scf.if %cond3A_163 {
        %add3A_320 = arith.constant 1 : i32
        %add3A_321 = arith.addi %mul3A_110, %add3A_320 : i32
        %add3A_322 = arith.constant 4 : i32
        %add3A_323 = arith.addi %add3A_321, %add3A_322 : i32
        %dma_start3A_324 = arith.constant 0 : i32
        %dma_start3A_325 = tpu.memref_slice %arg3[%add3A, %add3A_323, %dma_start3A_324] : memref<32x200x50xi32, #tpu.memory_space<hbm>> -> memref<1x1x50xi32, #tpu.memory_space<hbm>>
        %dma_start3A_326 = tpu.memref_squeeze %dma_start3A_325 : memref<1x1x50xi32, #tpu.memory_space<hbm>> -> memref<50xi32, #tpu.memory_space<hbm>>
        %dma_start3A_327 = arith.constant 0 : i32
        %dma_start3A_328 = tpu.memref_slice %arg3[%add3A, %add3A_323, %dma_start3A_327] : memref<32x200x50xi32, #tpu.memory_space<hbm>> -> memref<1x1x50xi32, #tpu.memory_space<hbm>>
        %dma_start3A_329 = tpu.memref_squeeze %dma_start3A_328 : memref<1x1x50xi32, #tpu.memory_space<hbm>> -> memref<50xi32, #tpu.memory_space<hbm>>
        tpu.enqueue_dma source(%dma_start3A_329 : memref<50xi32, #tpu.memory_space<hbm>>) target(%arg11 : memref<50xi32, #tpu.memory_space<vmem>>) target_semaphore(%arg26 : memref<!tpu.dma_semaphore, #tpu.memory_space<semaphore_mem>>)
      } else {
      }
      %dma_wait3A_164 = arith.constant 0 : i32
      %dma_wait3A_165 = arith.constant 0 : i32
      %dma_wait3A_166 = tpu.memref_slice %arg2[%dma_wait3A_164, %dma_wait3A_165] : memref<10000x128xf32, #tpu.memory_space<hbm>> -> memref<10000x128xf32, #tpu.memory_space<hbm>>
      tpu.wait_indirect_dma semaphore(%arg23 : memref<!tpu.dma_semaphore, #tpu.memory_space<semaphore_mem>>) src(%dma_wait3A_166 : memref<10000x128xf32, #tpu.memory_space<hbm>>) dst(%arg16 : memref<50x128xf32, #tpu.memory_space<vmem>>)
      %add3A_167 = arith.constant 2 : i32
      %add3A_168 = arith.addi %mul3A_110, %add3A_167 : i32
      %dma_start3A_169 = arith.constant 0 : i32
      %dma_start3A_170 = tpu.memref_slice %arg9[%add3A_168, %dma_start3A_169] : memref<200x50xi32, #tpu.memory_space<vmem>> -> memref<1x50xi32, #tpu.memory_space<vmem>>
      %dma_start3A_171 = tpu.memref_squeeze %dma_start3A_170 : memref<1x50xi32, #tpu.memory_space<vmem>> -> memref<50xi32, #tpu.memory_space<vmem>>
      %dma_start3A_172 = arith.constant 0 : i32
      %dma_start3A_173 = arith.constant 0 : i32
      %dma_start3A_174 = tpu.memref_slice %arg19[%dma_start3A_172, %dma_start3A_173] : memref<10240x128xf32, #tpu.memory_space<vmem_shared>> -> memref<10240x128xf32, #tpu.memory_space<vmem_shared>>
      tpu.enqueue_indirect_dma source(%arg16 : memref<50x128xf32, #tpu.memory_space<vmem>>) target(%dma_start3A_174 : memref<10240x128xf32, #tpu.memory_space<vmem_shared>>) offsets(%dma_start3A_171 : memref<50xi32, #tpu.memory_space<vmem>>) semaphore(%arg31 : memref<!tpu.dma_semaphore, #tpu.memory_space<semaphore_mem>>) {add = true}
      %add3A_175 = arith.constant 2 : i32
      %add3A_176 = arith.addi %mul3A_110, %add3A_175 : i32
      %dma_start3A_177 = arith.constant 0 : i32
      %dma_start3A_178 = tpu.memref_slice %arg9[%add3A_176, %dma_start3A_177] : memref<200x50xi32, #tpu.memory_space<vmem>> -> memref<1x50xi32, #tpu.memory_space<vmem>>
      %dma_start3A_179 = tpu.memref_squeeze %dma_start3A_178 : memref<1x50xi32, #tpu.memory_space<vmem>> -> memref<50xi32, #tpu.memory_space<vmem>>
      %dma_start3A_180 = arith.constant 0 : i32
      %dma_start3A_181 = arith.constant 0 : i32
      %dma_start3A_182 = tpu.memref_slice %arg20[%dma_start3A_180, %dma_start3A_181] : memref<10240x16xf32, #tpu.memory_space<vmem_shared>> -> memref<10240x16xf32, #tpu.memory_space<vmem_shared>>
      tpu.enqueue_indirect_dma source(%arg18 : memref<50x16xf32, #tpu.memory_space<vmem>>) target(%dma_start3A_182 : memref<10240x16xf32, #tpu.memory_space<vmem_shared>>) offsets(%dma_start3A_179 : memref<50xi32, #tpu.memory_space<vmem>>) semaphore(%arg35 : memref<!tpu.dma_semaphore, #tpu.memory_space<semaphore_mem>>) {add = true}
      %add3A_183 = arith.constant 2 : i32
      %add3A_184 = arith.addi %mul3A_110, %add3A_183 : i32
      %add3A_185 = arith.constant 4 : i32
      %add3A_186 = arith.addi %add3A_184, %add3A_185 : i32
      %lt3A_187 = arith.constant 200 : i32
      %lt3A_188 = arith.cmpi slt, %add3A_186, %lt3A_187 : i32
      %convert_element_type3A_189 = arith.extui %lt3A_188 : i1 to i32
      %cond3A_190 = arith.constant 0 : i32
      %cond3A_191 = arith.cmpi ne, %convert_element_type3A_189, %cond3A_190 : i32
      scf.if %cond3A_191 {
        %add3A_320 = arith.constant 2 : i32
        %add3A_321 = arith.addi %mul3A_110, %add3A_320 : i32
        %add3A_322 = arith.constant 4 : i32
        %add3A_323 = arith.addi %add3A_321, %add3A_322 : i32
        %dma_start3A_324 = arith.constant 0 : i32
        %dma_start3A_325 = tpu.memref_slice %arg3[%add3A, %add3A_323, %dma_start3A_324] : memref<32x200x50xi32, #tpu.memory_space<hbm>> -> memref<1x1x50xi32, #tpu.memory_space<hbm>>
        %dma_start3A_326 = tpu.memref_squeeze %dma_start3A_325 : memref<1x1x50xi32, #tpu.memory_space<hbm>> -> memref<50xi32, #tpu.memory_space<hbm>>
        %dma_start3A_327 = arith.constant 0 : i32
        %dma_start3A_328 = tpu.memref_slice %arg3[%add3A, %add3A_323, %dma_start3A_327] : memref<32x200x50xi32, #tpu.memory_space<hbm>> -> memref<1x1x50xi32, #tpu.memory_space<hbm>>
        %dma_start3A_329 = tpu.memref_squeeze %dma_start3A_328 : memref<1x1x50xi32, #tpu.memory_space<hbm>> -> memref<50xi32, #tpu.memory_space<hbm>>
        tpu.enqueue_dma source(%dma_start3A_329 : memref<50xi32, #tpu.memory_space<hbm>>) target(%arg12 : memref<50xi32, #tpu.memory_space<vmem>>) target_semaphore(%arg27 : memref<!tpu.dma_semaphore, #tpu.memory_space<semaphore_mem>>)
      } else {
      }
      %dma_wait3A_192 = arith.constant 0 : i32
      %dma_wait3A_193 = arith.constant 0 : i32
      %dma_wait3A_194 = tpu.memref_slice %arg2[%dma_wait3A_192, %dma_wait3A_193] : memref<10000x128xf32, #tpu.memory_space<hbm>> -> memref<10000x128xf32, #tpu.memory_space<hbm>>
      tpu.wait_indirect_dma semaphore(%arg24 : memref<!tpu.dma_semaphore, #tpu.memory_space<semaphore_mem>>) src(%dma_wait3A_194 : memref<10000x128xf32, #tpu.memory_space<hbm>>) dst(%arg17 : memref<50x128xf32, #tpu.memory_space<vmem>>)
      %add3A_195 = arith.constant 3 : i32
      %add3A_196 = arith.addi %mul3A_110, %add3A_195 : i32
      %dma_start3A_197 = arith.constant 0 : i32
      %dma_start3A_198 = tpu.memref_slice %arg9[%add3A_196, %dma_start3A_197] : memref<200x50xi32, #tpu.memory_space<vmem>> -> memref<1x50xi32, #tpu.memory_space<vmem>>
      %dma_start3A_199 = tpu.memref_squeeze %dma_start3A_198 : memref<1x50xi32, #tpu.memory_space<vmem>> -> memref<50xi32, #tpu.memory_space<vmem>>
      %dma_start3A_200 = arith.constant 0 : i32
      %dma_start3A_201 = arith.constant 0 : i32
      %dma_start3A_202 = tpu.memref_slice %arg19[%dma_start3A_200, %dma_start3A_201] : memref<10240x128xf32, #tpu.memory_space<vmem_shared>> -> memref<10240x128xf32, #tpu.memory_space<vmem_shared>>
      tpu.enqueue_indirect_dma source(%arg17 : memref<50x128xf32, #tpu.memory_space<vmem>>) target(%dma_start3A_202 : memref<10240x128xf32, #tpu.memory_space<vmem_shared>>) offsets(%dma_start3A_199 : memref<50xi32, #tpu.memory_space<vmem>>) semaphore(%arg32 : memref<!tpu.dma_semaphore, #tpu.memory_space<semaphore_mem>>) {add = true}
      %add3A_203 = arith.constant 3 : i32
      %add3A_204 = arith.addi %mul3A_110, %add3A_203 : i32
      %dma_start3A_205 = arith.constant 0 : i32
      %dma_start3A_206 = tpu.memref_slice %arg9[%add3A_204, %dma_start3A_205] : memref<200x50xi32, #tpu.memory_space<vmem>> -> memref<1x50xi32, #tpu.memory_space<vmem>>
      %dma_start3A_207 = tpu.memref_squeeze %dma_start3A_206 : memref<1x50xi32, #tpu.memory_space<vmem>> -> memref<50xi32, #tpu.memory_space<vmem>>
      %dma_start3A_208 = arith.constant 0 : i32
      %dma_start3A_209 = arith.constant 0 : i32
      %dma_start3A_210 = tpu.memref_slice %arg20[%dma_start3A_208, %dma_start3A_209] : memref<10240x16xf32, #tpu.memory_space<vmem_shared>> -> memref<10240x16xf32, #tpu.memory_space<vmem_shared>>
      tpu.enqueue_indirect_dma source(%arg18 : memref<50x16xf32, #tpu.memory_space<vmem>>) target(%dma_start3A_210 : memref<10240x16xf32, #tpu.memory_space<vmem_shared>>) offsets(%dma_start3A_207 : memref<50xi32, #tpu.memory_space<vmem>>) semaphore(%arg36 : memref<!tpu.dma_semaphore, #tpu.memory_space<semaphore_mem>>) {add = true}
      %add3A_211 = arith.constant 3 : i32
      %add3A_212 = arith.addi %mul3A_110, %add3A_211 : i32
      %add3A_213 = arith.constant 4 : i32
      %add3A_214 = arith.addi %add3A_212, %add3A_213 : i32
      %lt3A_215 = arith.constant 200 : i32
      %lt3A_216 = arith.cmpi slt, %add3A_214, %lt3A_215 : i32
      %convert_element_type3A_217 = arith.extui %lt3A_216 : i1 to i32
      %cond3A_218 = arith.constant 0 : i32
      %cond3A_219 = arith.cmpi ne, %convert_element_type3A_217, %cond3A_218 : i32
      scf.if %cond3A_219 {
        %add3A_320 = arith.constant 3 : i32
        %add3A_321 = arith.addi %mul3A_110, %add3A_320 : i32
        %add3A_322 = arith.constant 4 : i32
        %add3A_323 = arith.addi %add3A_321, %add3A_322 : i32
        %dma_start3A_324 = arith.constant 0 : i32
        %dma_start3A_325 = tpu.memref_slice %arg3[%add3A, %add3A_323, %dma_start3A_324] : memref<32x200x50xi32, #tpu.memory_space<hbm>> -> memref<1x1x50xi32, #tpu.memory_space<hbm>>
        %dma_start3A_326 = tpu.memref_squeeze %dma_start3A_325 : memref<1x1x50xi32, #tpu.memory_space<hbm>> -> memref<50xi32, #tpu.memory_space<hbm>>
        %dma_start3A_327 = arith.constant 0 : i32
        %dma_start3A_328 = tpu.memref_slice %arg3[%add3A, %add3A_323, %dma_start3A_327] : memref<32x200x50xi32, #tpu.memory_space<hbm>> -> memref<1x1x50xi32, #tpu.memory_space<hbm>>
        %dma_start3A_329 = tpu.memref_squeeze %dma_start3A_328 : memref<1x1x50xi32, #tpu.memory_space<hbm>> -> memref<50xi32, #tpu.memory_space<hbm>>
        tpu.enqueue_dma source(%dma_start3A_329 : memref<50xi32, #tpu.memory_space<hbm>>) target(%arg13 : memref<50xi32, #tpu.memory_space<vmem>>) target_semaphore(%arg28 : memref<!tpu.dma_semaphore, #tpu.memory_space<semaphore_mem>>)
      } else {
      }
      %add3A_220 = arith.constant 0 : i32
      %add3A_221 = arith.addi %mul3A_110, %add3A_220 : i32
      %dma_wait3A_222 = arith.constant 0 : i32
      %dma_wait3A_223 = tpu.memref_slice %arg9[%add3A_221, %dma_wait3A_222] : memref<200x50xi32, #tpu.memory_space<vmem>> -> memref<1x50xi32, #tpu.memory_space<vmem>>
      %dma_wait3A_224 = tpu.memref_squeeze %dma_wait3A_223 : memref<1x50xi32, #tpu.memory_space<vmem>> -> memref<50xi32, #tpu.memory_space<vmem>>
      %dma_wait3A_225 = arith.constant 0 : i32
      %dma_wait3A_226 = arith.constant 0 : i32
      %dma_wait3A_227 = tpu.memref_slice %arg19[%dma_wait3A_225, %dma_wait3A_226] : memref<10240x128xf32, #tpu.memory_space<vmem_shared>> -> memref<10240x128xf32, #tpu.memory_space<vmem_shared>>
      tpu.wait_indirect_dma semaphore(%arg29 : memref<!tpu.dma_semaphore, #tpu.memory_space<semaphore_mem>>) src(%arg14 : memref<50x128xf32, #tpu.memory_space<vmem>>) dst(%dma_wait3A_227 : memref<10240x128xf32, #tpu.memory_space<vmem_shared>>)
      %add3A_228 = arith.constant 0 : i32
      %add3A_229 = arith.addi %mul3A_110, %add3A_228 : i32
      %dma_wait3A_230 = arith.constant 0 : i32
      %dma_wait3A_231 = tpu.memref_slice %arg9[%add3A_229, %dma_wait3A_230] : memref<200x50xi32, #tpu.memory_space<vmem>> -> memref<1x50xi32, #tpu.memory_space<vmem>>
      %dma_wait3A_232 = tpu.memref_squeeze %dma_wait3A_231 : memref<1x50xi32, #tpu.memory_space<vmem>> -> memref<50xi32, #tpu.memory_space<vmem>>
      %dma_wait3A_233 = arith.constant 0 : i32
      %dma_wait3A_234 = arith.constant 0 : i32
      %dma_wait3A_235 = tpu.memref_slice %arg20[%dma_wait3A_233, %dma_wait3A_234] : memref<10240x16xf32, #tpu.memory_space<vmem_shared>> -> memref<10240x16xf32, #tpu.memory_space<vmem_shared>>
      tpu.wait_indirect_dma semaphore(%arg33 : memref<!tpu.dma_semaphore, #tpu.memory_space<semaphore_mem>>) src(%arg18 : memref<50x16xf32, #tpu.memory_space<vmem>>) dst(%dma_wait3A_235 : memref<10240x16xf32, #tpu.memory_space<vmem_shared>>)
      %add3A_236 = arith.constant 0 : i32
      %add3A_237 = arith.addi %mul3A_110, %add3A_236 : i32
      %add3A_238 = arith.constant 4 : i32
      %add3A_239 = arith.addi %add3A_237, %add3A_238 : i32
      %lt3A_240 = arith.constant 200 : i32
      %lt3A_241 = arith.cmpi slt, %add3A_239, %lt3A_240 : i32
      %convert_element_type3A_242 = arith.extui %lt3A_241 : i1 to i32
      %cond3A_243 = arith.constant 0 : i32
      %cond3A_244 = arith.cmpi ne, %convert_element_type3A_242, %cond3A_243 : i32
      scf.if %cond3A_244 {
        %add3A_320 = arith.constant 0 : i32
        %add3A_321 = arith.addi %mul3A_110, %add3A_320 : i32
        %add3A_322 = arith.constant 4 : i32
        %add3A_323 = arith.addi %add3A_321, %add3A_322 : i32
        %dma_wait3A_324 = arith.constant 0 : i32
        %dma_wait3A_325 = tpu.memref_slice %arg3[%add3A, %add3A_323, %dma_wait3A_324] : memref<32x200x50xi32, #tpu.memory_space<hbm>> -> memref<1x1x50xi32, #tpu.memory_space<hbm>>
        %dma_wait3A_326 = tpu.memref_squeeze %dma_wait3A_325 : memref<1x1x50xi32, #tpu.memory_space<hbm>> -> memref<50xi32, #tpu.memory_space<hbm>>
        %dma_wait3A_327 = arith.constant 0 : i32
        %dma_wait3A_328 = tpu.memref_slice %arg3[%add3A, %add3A_323, %dma_wait3A_327] : memref<32x200x50xi32, #tpu.memory_space<hbm>> -> memref<1x1x50xi32, #tpu.memory_space<hbm>>
        %dma_wait3A_329 = tpu.memref_squeeze %dma_wait3A_328 : memref<1x1x50xi32, #tpu.memory_space<hbm>> -> memref<50xi32, #tpu.memory_space<hbm>>
        tpu.wait_dma2 semaphore(%arg25 : memref<!tpu.dma_semaphore, #tpu.memory_space<semaphore_mem>>) src(%dma_wait3A_329 : memref<50xi32, #tpu.memory_space<hbm>>) dst(%arg10 : memref<50xi32, #tpu.memory_space<vmem>>)
        %dma_start3A_330 = arith.constant 0 : i32
        %dma_start3A_331 = arith.constant 0 : i32
        %dma_start3A_332 = tpu.memref_slice %arg2[%dma_start3A_330, %dma_start3A_331] : memref<10000x128xf32, #tpu.memory_space<hbm>> -> memref<10000x128xf32, #tpu.memory_space<hbm>>
        tpu.enqueue_indirect_dma source(%dma_start3A_332 : memref<10000x128xf32, #tpu.memory_space<hbm>>) target(%arg14 : memref<50x128xf32, #tpu.memory_space<vmem>>) offsets(%arg10 : memref<50xi32, #tpu.memory_space<vmem>>) semaphore(%arg21 : memref<!tpu.dma_semaphore, #tpu.memory_space<semaphore_mem>>)
      } else {
      }
      %add3A_245 = arith.constant 1 : i32
      %add3A_246 = arith.addi %mul3A_110, %add3A_245 : i32
      %dma_wait3A_247 = arith.constant 0 : i32
      %dma_wait3A_248 = tpu.memref_slice %arg9[%add3A_246, %dma_wait3A_247] : memref<200x50xi32, #tpu.memory_space<vmem>> -> memref<1x50xi32, #tpu.memory_space<vmem>>
      %dma_wait3A_249 = tpu.memref_squeeze %dma_wait3A_248 : memref<1x50xi32, #tpu.memory_space<vmem>> -> memref<50xi32, #tpu.memory_space<vmem>>
      %dma_wait3A_250 = arith.constant 0 : i32
      %dma_wait3A_251 = arith.constant 0 : i32
      %dma_wait3A_252 = tpu.memref_slice %arg19[%dma_wait3A_250, %dma_wait3A_251] : memref<10240x128xf32, #tpu.memory_space<vmem_shared>> -> memref<10240x128xf32, #tpu.memory_space<vmem_shared>>
      tpu.wait_indirect_dma semaphore(%arg30 : memref<!tpu.dma_semaphore, #tpu.memory_space<semaphore_mem>>) src(%arg15 : memref<50x128xf32, #tpu.memory_space<vmem>>) dst(%dma_wait3A_252 : memref<10240x128xf32, #tpu.memory_space<vmem_shared>>)
      %add3A_253 = arith.constant 1 : i32
      %add3A_254 = arith.addi %mul3A_110, %add3A_253 : i32
      %dma_wait3A_255 = arith.constant 0 : i32
      %dma_wait3A_256 = tpu.memref_slice %arg9[%add3A_254, %dma_wait3A_255] : memref<200x50xi32, #tpu.memory_space<vmem>> -> memref<1x50xi32, #tpu.memory_space<vmem>>
      %dma_wait3A_257 = tpu.memref_squeeze %dma_wait3A_256 : memref<1x50xi32, #tpu.memory_space<vmem>> -> memref<50xi32, #tpu.memory_space<vmem>>
      %dma_wait3A_258 = arith.constant 0 : i32
      %dma_wait3A_259 = arith.constant 0 : i32
      %dma_wait3A_260 = tpu.memref_slice %arg20[%dma_wait3A_258, %dma_wait3A_259] : memref<10240x16xf32, #tpu.memory_space<vmem_shared>> -> memref<10240x16xf32, #tpu.memory_space<vmem_shared>>
      tpu.wait_indirect_dma semaphore(%arg34 : memref<!tpu.dma_semaphore, #tpu.memory_space<semaphore_mem>>) src(%arg18 : memref<50x16xf32, #tpu.memory_space<vmem>>) dst(%dma_wait3A_260 : memref<10240x16xf32, #tpu.memory_space<vmem_shared>>)
      %add3A_261 = arith.constant 1 : i32
      %add3A_262 = arith.addi %mul3A_110, %add3A_261 : i32
      %add3A_263 = arith.constant 4 : i32
      %add3A_264 = arith.addi %add3A_262, %add3A_263 : i32
      %lt3A_265 = arith.constant 200 : i32
      %lt3A_266 = arith.cmpi slt, %add3A_264, %lt3A_265 : i32
      %convert_element_type3A_267 = arith.extui %lt3A_266 : i1 to i32
      %cond3A_268 = arith.constant 0 : i32
      %cond3A_269 = arith.cmpi ne, %convert_element_type3A_267, %cond3A_268 : i32
      scf.if %cond3A_269 {
        %add3A_320 = arith.constant 1 : i32
        %add3A_321 = arith.addi %mul3A_110, %add3A_320 : i32
        %add3A_322 = arith.constant 4 : i32
        %add3A_323 = arith.addi %add3A_321, %add3A_322 : i32
        %dma_wait3A_324 = arith.constant 0 : i32
        %dma_wait3A_325 = tpu.memref_slice %arg3[%add3A, %add3A_323, %dma_wait3A_324] : memref<32x200x50xi32, #tpu.memory_space<hbm>> -> memref<1x1x50xi32, #tpu.memory_space<hbm>>
        %dma_wait3A_326 = tpu.memref_squeeze %dma_wait3A_325 : memref<1x1x50xi32, #tpu.memory_space<hbm>> -> memref<50xi32, #tpu.memory_space<hbm>>
        %dma_wait3A_327 = arith.constant 0 : i32
        %dma_wait3A_328 = tpu.memref_slice %arg3[%add3A, %add3A_323, %dma_wait3A_327] : memref<32x200x50xi32, #tpu.memory_space<hbm>> -> memref<1x1x50xi32, #tpu.memory_space<hbm>>
        %dma_wait3A_329 = tpu.memref_squeeze %dma_wait3A_328 : memref<1x1x50xi32, #tpu.memory_space<hbm>> -> memref<50xi32, #tpu.memory_space<hbm>>
        tpu.wait_dma2 semaphore(%arg26 : memref<!tpu.dma_semaphore, #tpu.memory_space<semaphore_mem>>) src(%dma_wait3A_329 : memref<50xi32, #tpu.memory_space<hbm>>) dst(%arg11 : memref<50xi32, #tpu.memory_space<vmem>>)
        %dma_start3A_330 = arith.constant 0 : i32
        %dma_start3A_331 = arith.constant 0 : i32
        %dma_start3A_332 = tpu.memref_slice %arg2[%dma_start3A_330, %dma_start3A_331] : memref<10000x128xf32, #tpu.memory_space<hbm>> -> memref<10000x128xf32, #tpu.memory_space<hbm>>
        tpu.enqueue_indirect_dma source(%dma_start3A_332 : memref<10000x128xf32, #tpu.memory_space<hbm>>) target(%arg15 : memref<50x128xf32, #tpu.memory_space<vmem>>) offsets(%arg11 : memref<50xi32, #tpu.memory_space<vmem>>) semaphore(%arg22 : memref<!tpu.dma_semaphore, #tpu.memory_space<semaphore_mem>>)
      } else {
      }
      %add3A_270 = arith.constant 2 : i32
      %add3A_271 = arith.addi %mul3A_110, %add3A_270 : i32
      %dma_wait3A_272 = arith.constant 0 : i32
      %dma_wait3A_273 = tpu.memref_slice %arg9[%add3A_271, %dma_wait3A_272] : memref<200x50xi32, #tpu.memory_space<vmem>> -> memref<1x50xi32, #tpu.memory_space<vmem>>
      %dma_wait3A_274 = tpu.memref_squeeze %dma_wait3A_273 : memref<1x50xi32, #tpu.memory_space<vmem>> -> memref<50xi32, #tpu.memory_space<vmem>>
      %dma_wait3A_275 = arith.constant 0 : i32
      %dma_wait3A_276 = arith.constant 0 : i32
      %dma_wait3A_277 = tpu.memref_slice %arg19[%dma_wait3A_275, %dma_wait3A_276] : memref<10240x128xf32, #tpu.memory_space<vmem_shared>> -> memref<10240x128xf32, #tpu.memory_space<vmem_shared>>
      tpu.wait_indirect_dma semaphore(%arg31 : memref<!tpu.dma_semaphore, #tpu.memory_space<semaphore_mem>>) src(%arg16 : memref<50x128xf32, #tpu.memory_space<vmem>>) dst(%dma_wait3A_277 : memref<10240x128xf32, #tpu.memory_space<vmem_shared>>)
      %add3A_278 = arith.constant 2 : i32
      %add3A_279 = arith.addi %mul3A_110, %add3A_278 : i32
      %dma_wait3A_280 = arith.constant 0 : i32
      %dma_wait3A_281 = tpu.memref_slice %arg9[%add3A_279, %dma_wait3A_280] : memref<200x50xi32, #tpu.memory_space<vmem>> -> memref<1x50xi32, #tpu.memory_space<vmem>>
      %dma_wait3A_282 = tpu.memref_squeeze %dma_wait3A_281 : memref<1x50xi32, #tpu.memory_space<vmem>> -> memref<50xi32, #tpu.memory_space<vmem>>
      %dma_wait3A_283 = arith.constant 0 : i32
      %dma_wait3A_284 = arith.constant 0 : i32
      %dma_wait3A_285 = tpu.memref_slice %arg20[%dma_wait3A_283, %dma_wait3A_284] : memref<10240x16xf32, #tpu.memory_space<vmem_shared>> -> memref<10240x16xf32, #tpu.memory_space<vmem_shared>>
      tpu.wait_indirect_dma semaphore(%arg35 : memref<!tpu.dma_semaphore, #tpu.memory_space<semaphore_mem>>) src(%arg18 : memref<50x16xf32, #tpu.memory_space<vmem>>) dst(%dma_wait3A_285 : memref<10240x16xf32, #tpu.memory_space<vmem_shared>>)
      %add3A_286 = arith.constant 2 : i32
      %add3A_287 = arith.addi %mul3A_110, %add3A_286 : i32
      %add3A_288 = arith.constant 4 : i32
      %add3A_289 = arith.addi %add3A_287, %add3A_288 : i32
      %lt3A_290 = arith.constant 200 : i32
      %lt3A_291 = arith.cmpi slt, %add3A_289, %lt3A_290 : i32
      %convert_element_type3A_292 = arith.extui %lt3A_291 : i1 to i32
      %cond3A_293 = arith.constant 0 : i32
      %cond3A_294 = arith.cmpi ne, %convert_element_type3A_292, %cond3A_293 : i32
      scf.if %cond3A_294 {
        %add3A_320 = arith.constant 2 : i32
        %add3A_321 = arith.addi %mul3A_110, %add3A_320 : i32
        %add3A_322 = arith.constant 4 : i32
        %add3A_323 = arith.addi %add3A_321, %add3A_322 : i32
        %dma_wait3A_324 = arith.constant 0 : i32
        %dma_wait3A_325 = tpu.memref_slice %arg3[%add3A, %add3A_323, %dma_wait3A_324] : memref<32x200x50xi32, #tpu.memory_space<hbm>> -> memref<1x1x50xi32, #tpu.memory_space<hbm>>
        %dma_wait3A_326 = tpu.memref_squeeze %dma_wait3A_325 : memref<1x1x50xi32, #tpu.memory_space<hbm>> -> memref<50xi32, #tpu.memory_space<hbm>>
        %dma_wait3A_327 = arith.constant 0 : i32
        %dma_wait3A_328 = tpu.memref_slice %arg3[%add3A, %add3A_323, %dma_wait3A_327] : memref<32x200x50xi32, #tpu.memory_space<hbm>> -> memref<1x1x50xi32, #tpu.memory_space<hbm>>
        %dma_wait3A_329 = tpu.memref_squeeze %dma_wait3A_328 : memref<1x1x50xi32, #tpu.memory_space<hbm>> -> memref<50xi32, #tpu.memory_space<hbm>>
        tpu.wait_dma2 semaphore(%arg27 : memref<!tpu.dma_semaphore, #tpu.memory_space<semaphore_mem>>) src(%dma_wait3A_329 : memref<50xi32, #tpu.memory_space<hbm>>) dst(%arg12 : memref<50xi32, #tpu.memory_space<vmem>>)
        %dma_start3A_330 = arith.constant 0 : i32
        %dma_start3A_331 = arith.constant 0 : i32
        %dma_start3A_332 = tpu.memref_slice %arg2[%dma_start3A_330, %dma_start3A_331] : memref<10000x128xf32, #tpu.memory_space<hbm>> -> memref<10000x128xf32, #tpu.memory_space<hbm>>
        tpu.enqueue_indirect_dma source(%dma_start3A_332 : memref<10000x128xf32, #tpu.memory_space<hbm>>) target(%arg16 : memref<50x128xf32, #tpu.memory_space<vmem>>) offsets(%arg12 : memref<50xi32, #tpu.memory_space<vmem>>) semaphore(%arg23 : memref<!tpu.dma_semaphore, #tpu.memory_space<semaphore_mem>>)
      } else {
      }
      %add3A_295 = arith.constant 3 : i32
      %add3A_296 = arith.addi %mul3A_110, %add3A_295 : i32
      %dma_wait3A_297 = arith.constant 0 : i32
      %dma_wait3A_298 = tpu.memref_slice %arg9[%add3A_296, %dma_wait3A_297] : memref<200x50xi32, #tpu.memory_space<vmem>> -> memref<1x50xi32, #tpu.memory_space<vmem>>
      %dma_wait3A_299 = tpu.memref_squeeze %dma_wait3A_298 : memref<1x50xi32, #tpu.memory_space<vmem>> -> memref<50xi32, #tpu.memory_space<vmem>>
      %dma_wait3A_300 = arith.constant 0 : i32
      %dma_wait3A_301 = arith.constant 0 : i32
      %dma_wait3A_302 = tpu.memref_slice %arg19[%dma_wait3A_300, %dma_wait3A_301] : memref<10240x128xf32, #tpu.memory_space<vmem_shared>> -> memref<10240x128xf32, #tpu.memory_space<vmem_shared>>
      tpu.wait_indirect_dma semaphore(%arg32 : memref<!tpu.dma_semaphore, #tpu.memory_space<semaphore_mem>>) src(%arg17 : memref<50x128xf32, #tpu.memory_space<vmem>>) dst(%dma_wait3A_302 : memref<10240x128xf32, #tpu.memory_space<vmem_shared>>)
      %add3A_303 = arith.constant 3 : i32
      %add3A_304 = arith.addi %mul3A_110, %add3A_303 : i32
      %dma_wait3A_305 = arith.constant 0 : i32
      %dma_wait3A_306 = tpu.memref_slice %arg9[%add3A_304, %dma_wait3A_305] : memref<200x50xi32, #tpu.memory_space<vmem>> -> memref<1x50xi32, #tpu.memory_space<vmem>>
      %dma_wait3A_307 = tpu.memref_squeeze %dma_wait3A_306 : memref<1x50xi32, #tpu.memory_space<vmem>> -> memref<50xi32, #tpu.memory_space<vmem>>
      %dma_wait3A_308 = arith.constant 0 : i32
      %dma_wait3A_309 = arith.constant 0 : i32
      %dma_wait3A_310 = tpu.memref_slice %arg20[%dma_wait3A_308, %dma_wait3A_309] : memref<10240x16xf32, #tpu.memory_space<vmem_shared>> -> memref<10240x16xf32, #tpu.memory_space<vmem_shared>>
      tpu.wait_indirect_dma semaphore(%arg36 : memref<!tpu.dma_semaphore, #tpu.memory_space<semaphore_mem>>) src(%arg18 : memref<50x16xf32, #tpu.memory_space<vmem>>) dst(%dma_wait3A_310 : memref<10240x16xf32, #tpu.memory_space<vmem_shared>>)
      %add3A_311 = arith.constant 3 : i32
      %add3A_312 = arith.addi %mul3A_110, %add3A_311 : i32
      %add3A_313 = arith.constant 4 : i32
      %add3A_314 = arith.addi %add3A_312, %add3A_313 : i32
      %lt3A_315 = arith.constant 200 : i32
      %lt3A_316 = arith.cmpi slt, %add3A_314, %lt3A_315 : i32
      %convert_element_type3A_317 = arith.extui %lt3A_316 : i1 to i32
      %cond3A_318 = arith.constant 0 : i32
      %cond3A_319 = arith.cmpi ne, %convert_element_type3A_317, %cond3A_318 : i32
      scf.if %cond3A_319 {
        %add3A_320 = arith.constant 3 : i32
        %add3A_321 = arith.addi %mul3A_110, %add3A_320 : i32
        %add3A_322 = arith.constant 4 : i32
        %add3A_323 = arith.addi %add3A_321, %add3A_322 : i32
        %dma_wait3A_324 = arith.constant 0 : i32
        %dma_wait3A_325 = tpu.memref_slice %arg3[%add3A, %add3A_323, %dma_wait3A_324] : memref<32x200x50xi32, #tpu.memory_space<hbm>> -> memref<1x1x50xi32, #tpu.memory_space<hbm>>
        %dma_wait3A_326 = tpu.memref_squeeze %dma_wait3A_325 : memref<1x1x50xi32, #tpu.memory_space<hbm>> -> memref<50xi32, #tpu.memory_space<hbm>>
        %dma_wait3A_327 = arith.constant 0 : i32
        %dma_wait3A_328 = tpu.memref_slice %arg3[%add3A, %add3A_323, %dma_wait3A_327] : memref<32x200x50xi32, #tpu.memory_space<hbm>> -> memref<1x1x50xi32, #tpu.memory_space<hbm>>
        %dma_wait3A_329 = tpu.memref_squeeze %dma_wait3A_328 : memref<1x1x50xi32, #tpu.memory_space<hbm>> -> memref<50xi32, #tpu.memory_space<hbm>>
        tpu.wait_dma2 semaphore(%arg28 : memref<!tpu.dma_semaphore, #tpu.memory_space<semaphore_mem>>) src(%dma_wait3A_329 : memref<50xi32, #tpu.memory_space<hbm>>) dst(%arg13 : memref<50xi32, #tpu.memory_space<vmem>>)
        %dma_start3A_330 = arith.constant 0 : i32
        %dma_start3A_331 = arith.constant 0 : i32
        %dma_start3A_332 = tpu.memref_slice %arg2[%dma_start3A_330, %dma_start3A_331] : memref<10000x128xf32, #tpu.memory_space<hbm>> -> memref<10000x128xf32, #tpu.memory_space<hbm>>
        tpu.enqueue_indirect_dma source(%dma_start3A_332 : memref<10000x128xf32, #tpu.memory_space<hbm>>) target(%arg17 : memref<50x128xf32, #tpu.memory_space<vmem>>) offsets(%arg13 : memref<50xi32, #tpu.memory_space<vmem>>) semaphore(%arg24 : memref<!tpu.dma_semaphore, #tpu.memory_space<semaphore_mem>>)
      } else {
      }
    }
    %scan3A_106 = arith.constant 50 : i32
    %barrier3A_107 = arith.constant 0 : index
    tpu.barrier barrier_id(%barrier3A_107)
    "tpu.region"() ({
      %run_scoped3A = tpu.sem_alloc : memref<!tpu.dma_semaphore, #tpu.memory_space<semaphore_mem>>
      %dma_start3A_108 = arith.constant 0 : i32
      %dma_start3A_109 = tpu.memref_slice %arg7[%arg0, %mul3A_2, %dma_start3A_108] : memref<2x10240x128xf32, #tpu.memory_space<hbm>> -> memref<1x640x128xf32, #tpu.memory_space<hbm>>
      %dma_start3A_110 = tpu.memref_squeeze %dma_start3A_109 : memref<1x640x128xf32, #tpu.memory_space<hbm>> -> memref<640x128xf32, #tpu.memory_space<hbm>>
      %dma_start3A_111 = arith.constant 0 : i32
      %dma_start3A_112 = tpu.memref_slice %arg19[%mul3A_2, %dma_start3A_111] : memref<10240x128xf32, #tpu.memory_space<vmem_shared>> -> memref<640x128xf32, #tpu.memory_space<vmem_shared>>
      tpu.enqueue_dma source(%dma_start3A_112 : memref<640x128xf32, #tpu.memory_space<vmem_shared>>) target(%dma_start3A_110 : memref<640x128xf32, #tpu.memory_space<hbm>>) target_semaphore(%run_scoped3A : memref<!tpu.dma_semaphore, #tpu.memory_space<semaphore_mem>>)
      %dma_wait3A_113 = arith.constant 0 : i32
      %dma_wait3A_114 = tpu.memref_slice %arg7[%arg0, %mul3A_2, %dma_wait3A_113] : memref<2x10240x128xf32, #tpu.memory_space<hbm>> -> memref<1x640x128xf32, #tpu.memory_space<hbm>>
      %dma_wait3A_115 = tpu.memref_squeeze %dma_wait3A_114 : memref<1x640x128xf32, #tpu.memory_space<hbm>> -> memref<640x128xf32, #tpu.memory_space<hbm>>
      %dma_wait3A_116 = arith.constant 0 : i32
      %dma_wait3A_117 = tpu.memref_slice %arg19[%mul3A_2, %dma_wait3A_116] : memref<10240x128xf32, #tpu.memory_space<vmem_shared>> -> memref<640x128xf32, #tpu.memory_space<vmem_shared>>
      tpu.wait_dma2 semaphore(%run_scoped3A : memref<!tpu.dma_semaphore, #tpu.memory_space<semaphore_mem>>) src(%dma_wait3A_117 : memref<640x128xf32, #tpu.memory_space<vmem_shared>>) dst(%dma_wait3A_115 : memref<640x128xf32, #tpu.memory_space<hbm>>)
      tpu.yield
    }) : () -> ()
    "tpu.region"() ({
      %run_scoped3A = tpu.sem_alloc : memref<!tpu.dma_semaphore, #tpu.memory_space<semaphore_mem>>
      %dma_start3A_108 = arith.constant 0 : i32
      %dma_start3A_109 = tpu.memref_slice %arg8[%arg0, %mul3A_2, %dma_start3A_108] : memref<2x10240x16xf32, #tpu.memory_space<hbm>> -> memref<1x640x16xf32, #tpu.memory_space<hbm>>
      %dma_start3A_110 = tpu.memref_squeeze %dma_start3A_109 : memref<1x640x16xf32, #tpu.memory_space<hbm>> -> memref<640x16xf32, #tpu.memory_space<hbm>>
      %dma_start3A_111 = arith.constant 0 : i32
      %dma_start3A_112 = tpu.memref_slice %arg20[%mul3A_2, %dma_start3A_111] : memref<10240x16xf32, #tpu.memory_space<vmem_shared>> -> memref<640x16xf32, #tpu.memory_space<vmem_shared>>
      tpu.enqueue_dma source(%dma_start3A_112 : memref<640x16xf32, #tpu.memory_space<vmem_shared>>) target(%dma_start3A_110 : memref<640x16xf32, #tpu.memory_space<hbm>>) target_semaphore(%run_scoped3A : memref<!tpu.dma_semaphore, #tpu.memory_space<semaphore_mem>>)
      %dma_wait3A_113 = arith.constant 0 : i32
      %dma_wait3A_114 = tpu.memref_slice %arg8[%arg0, %mul3A_2, %dma_wait3A_113] : memref<2x10240x16xf32, #tpu.memory_space<hbm>> -> memref<1x640x16xf32, #tpu.memory_space<hbm>>
      %dma_wait3A_115 = tpu.memref_squeeze %dma_wait3A_114 : memref<1x640x16xf32, #tpu.memory_space<hbm>> -> memref<640x16xf32, #tpu.memory_space<hbm>>
      %dma_wait3A_116 = arith.constant 0 : i32
      %dma_wait3A_117 = tpu.memref_slice %arg20[%mul3A_2, %dma_wait3A_116] : memref<10240x16xf32, #tpu.memory_space<vmem_shared>> -> memref<640x16xf32, #tpu.memory_space<vmem_shared>>
      tpu.wait_dma2 semaphore(%run_scoped3A : memref<!tpu.dma_semaphore, #tpu.memory_space<semaphore_mem>>) src(%dma_wait3A_117 : memref<640x16xf32, #tpu.memory_space<vmem_shared>>) dst(%dma_wait3A_115 : memref<640x16xf32, #tpu.memory_space<hbm>>)
      tpu.yield
    }) : () -> ()
    return
  }
}

module attributes {stable_mosaic.version = 14 : i64} {
  func.func @body(%arg0: i32, %arg1: memref<2x2000x128xf32, #tpu.memory_space<vmem>>, %arg2: memref<2x2000x16xf32, #tpu.memory_space<vmem>>, %arg3: memref<2000x128xf32, #tpu.memory_space<vmem>>, %arg4: memref<128x128xf32, #tpu.memory_space<vmem>>, %arg5: memref<128x128xf32, #tpu.memory_space<vmem>>, %arg6: memref<1x128xf32, #tpu.memory_space<vmem>>, %arg7: memref<128x16xf32, #tpu.memory_space<vmem>>, %arg8: memref<128x16xf32, #tpu.memory_space<vmem>>, %arg9: memref<1x16xf32, #tpu.memory_space<vmem>>, %arg10: memref<2000x16xf32, #tpu.memory_space<vmem>>, %arg11: memref<2000x16xf32, #tpu.memory_space<vmem>>) attributes {dimension_semantics = [#tpu.dimension_semantics<arbitrary>], iteration_bounds = array<i64: 5>, scalar_prefetch = 0 : i64, scratch_operands = 0 : i64, tpu.core_type = #tpu.core_type<tc>, window_params = [{transform_indices = @transform_0, window_bounds = array<i64: 2, 2000, 128>}, {transform_indices = @transform_1, window_bounds = array<i64: 2, 2000, 16>}, {transform_indices = @transform_2, window_bounds = array<i64: 2000, 128>}, {pipeline_mode = #tpu.pipeline_mode<synchronous>, transform_indices = @transform_3, window_bounds = array<i64: 128, 128>}, {pipeline_mode = #tpu.pipeline_mode<synchronous>, transform_indices = @transform_4, window_bounds = array<i64: 128, 128>}, {pipeline_mode = #tpu.pipeline_mode<synchronous>, transform_indices = @transform_5, window_bounds = array<i64: 1, 128>}, {pipeline_mode = #tpu.pipeline_mode<synchronous>, transform_indices = @transform_6, window_bounds = array<i64: 128, 16>}, {pipeline_mode = #tpu.pipeline_mode<synchronous>, transform_indices = @transform_7, window_bounds = array<i64: 128, 16>}, {pipeline_mode = #tpu.pipeline_mode<synchronous>, transform_indices = @transform_8, window_bounds = array<i64: 1, 16>}, {transform_indices = @transform_9, window_bounds = array<i64: 2000, 16>}, {transform_indices = @transform_10, window_bounds = array<i64: 2000, 16>}]} {
    %get3A = arith.constant 0 : index
    %get3A_0 = arith.constant 0 : index
    %get3A_1 = arith.constant 0 : index
    %get3A_2 = vector.load %arg1[%get3A, %get3A_0, %get3A_1] : memref<2x2000x128xf32, #tpu.memory_space<vmem>>, vector<1x2000x128xf32>
    %get3A_3 = vector.shape_cast %get3A_2 : vector<1x2000x128xf32> to vector<2000x128xf32>
    %get3A_4 = arith.constant 1 : index
    %get3A_5 = arith.constant 0 : index
    %get3A_6 = arith.constant 0 : index
    %get3A_7 = vector.load %arg1[%get3A_4, %get3A_5, %get3A_6] : memref<2x2000x128xf32, #tpu.memory_space<vmem>>, vector<1x2000x128xf32>
    %get3A_8 = vector.shape_cast %get3A_7 : vector<1x2000x128xf32> to vector<2000x128xf32>
    %add3A = arith.addf %get3A_3, %get3A_8 : vector<2000x128xf32>
    %get3A_9 = arith.constant 0 : index
    %get3A_10 = arith.constant 0 : index
    %get3A_11 = arith.constant 0 : index
    %get3A_12 = vector.load %arg2[%get3A_9, %get3A_10, %get3A_11] : memref<2x2000x16xf32, #tpu.memory_space<vmem>>, vector<1x2000x1xf32>
    %get3A_13 = vector.shape_cast %get3A_12 : vector<1x2000x1xf32> to vector<2000x1xf32>
    %get3A_14 = arith.constant 1 : index
    %get3A_15 = arith.constant 0 : index
    %get3A_16 = arith.constant 0 : index
    %get3A_17 = vector.load %arg2[%get3A_14, %get3A_15, %get3A_16] : memref<2x2000x16xf32, #tpu.memory_space<vmem>>, vector<1x2000x1xf32>
    %get3A_18 = vector.shape_cast %get3A_17 : vector<1x2000x1xf32> to vector<2000x1xf32>
    %add3A_19 = arith.addf %get3A_13, %get3A_18 : vector<2000x1xf32>
    %max3A = arith.constant 1.000000e+00 : f32
    %max3A_20 = vector.broadcast %max3A : f32 to vector<2000x1xf32>
    %max3A_21 = arith.maximumf %add3A_19, %max3A_20 : vector<2000x1xf32>
    %div3A = vector.broadcast %max3A_21 : vector<2000x1xf32> to vector<2000x128xf32>
    %div3A_22 = arith.divf %add3A, %div3A : vector<2000x128xf32>
    %get3A_23 = arith.constant 0 : index
    %get3A_24 = arith.constant 0 : index
    %get3A_25 = vector.load %arg4[%get3A_23, %get3A_24] : memref<128x128xf32, #tpu.memory_space<vmem>>, vector<128x128xf32>
    %dot_general3A = arith.constant dense<0.000000e+00> : vector<2000x128xf32>
    %dot_general3A_26 = tpu.matmul %div3A_22, %get3A_25, %dot_general3A {dimension_numbers = #tpu.dot_dimension_numbers<[1], [0], [0], [1], [0, 0, 1, 1], [], []>, transpose_lhs_hint = false} : vector<2000x128xf32>, vector<128x128xf32>, vector<2000x128xf32> -> vector<2000x128xf32>
    %get3A_27 = arith.constant 0 : index
    %get3A_28 = arith.constant 0 : index
    %get3A_29 = vector.load %arg3[%get3A_27, %get3A_28] : memref<2000x128xf32, #tpu.memory_space<vmem>>, vector<2000x128xf32>
    %get3A_30 = arith.constant 0 : index
    %get3A_31 = arith.constant 0 : index
    %get3A_32 = vector.load %arg5[%get3A_30, %get3A_31] : memref<128x128xf32, #tpu.memory_space<vmem>>, vector<128x128xf32>
    %dot_general3A_33 = arith.constant dense<0.000000e+00> : vector<2000x128xf32>
    %dot_general3A_34 = tpu.matmul %get3A_29, %get3A_32, %dot_general3A_33 {dimension_numbers = #tpu.dot_dimension_numbers<[1], [0], [0], [1], [0, 0, 1, 1], [], []>, transpose_lhs_hint = false} : vector<2000x128xf32>, vector<128x128xf32>, vector<2000x128xf32> -> vector<2000x128xf32>
    %add3A_35 = arith.addf %dot_general3A_26, %dot_general3A_34 : vector<2000x128xf32>
    %get3A_36 = arith.constant 0 : index
    %get3A_37 = arith.constant 0 : index
    %get3A_38 = vector.load %arg6[%get3A_36, %get3A_37] : memref<1x128xf32, #tpu.memory_space<vmem>>, vector<1x128xf32>
    %add3A_39 = vector.broadcast %get3A_38 : vector<1x128xf32> to vector<2000x128xf32>
    %add3A_40 = arith.addf %add3A_35, %add3A_39 : vector<2000x128xf32>
    %max3A_41 = arith.constant 0.000000e+00 : f32
    %max3A_42 = vector.broadcast %max3A_41 : f32 to vector<2000x128xf32>
    %max3A_43 = arith.maximumf %add3A_40, %max3A_42 : vector<2000x128xf32>
    %get3A_44 = arith.constant 0 : index
    %get3A_45 = arith.constant 0 : index
    %get3A_46 = vector.load %arg7[%get3A_44, %get3A_45] : memref<128x16xf32, #tpu.memory_space<vmem>>, vector<128x16xf32>
    %dot_general3A_47 = arith.constant dense<0.000000e+00> : vector<2000x16xf32>
    %dot_general3A_48 = tpu.matmul %max3A_43, %get3A_46, %dot_general3A_47 {dimension_numbers = #tpu.dot_dimension_numbers<[1], [0], [0], [1], [0, 0, 1, 1], [], []>, transpose_lhs_hint = false} : vector<2000x128xf32>, vector<128x16xf32>, vector<2000x16xf32> -> vector<2000x16xf32>
    %swap3A = arith.constant 0 : index
    %swap3A_49 = arith.constant 0 : index
    %swap3A_50 = vector.load %arg10[%swap3A, %swap3A_49] : memref<2000x16xf32, #tpu.memory_space<vmem>>, vector<2000x16xf32>
    tpu.vector_store %arg10[%swap3A, %swap3A_49], %dot_general3A_48 {strides = array<i32>} : memref<2000x16xf32, #tpu.memory_space<vmem>>, vector<2000x16xf32>,
    %get3A_51 = arith.constant 0 : index
    %get3A_52 = arith.constant 0 : index
    %get3A_53 = vector.load %arg8[%get3A_51, %get3A_52] : memref<128x16xf32, #tpu.memory_space<vmem>>, vector<128x16xf32>
    %dot_general3A_54 = arith.constant dense<0.000000e+00> : vector<2000x16xf32>
    %dot_general3A_55 = tpu.matmul %max3A_43, %get3A_53, %dot_general3A_54 {dimension_numbers = #tpu.dot_dimension_numbers<[1], [0], [0], [1], [0, 0, 1, 1], [], []>, transpose_lhs_hint = false} : vector<2000x128xf32>, vector<128x16xf32>, vector<2000x16xf32> -> vector<2000x16xf32>
    %get3A_56 = arith.constant 0 : index
    %get3A_57 = arith.constant 0 : index
    %get3A_58 = vector.load %arg9[%get3A_56, %get3A_57] : memref<1x16xf32, #tpu.memory_space<vmem>>, vector<1x16xf32>
    %add3A_59 = vector.broadcast %get3A_58 : vector<1x16xf32> to vector<2000x16xf32>
    %add3A_60 = arith.addf %dot_general3A_55, %add3A_59 : vector<2000x16xf32>
    %swap3A_61 = arith.constant 0 : index
    %swap3A_62 = arith.constant 0 : index
    %swap3A_63 = vector.load %arg11[%swap3A_61, %swap3A_62] : memref<2000x16xf32, #tpu.memory_space<vmem>>, vector<2000x16xf32>
    tpu.vector_store %arg11[%swap3A_61, %swap3A_62], %add3A_60 {strides = array<i32>} : memref<2000x16xf32, #tpu.memory_space<vmem>>, vector<2000x16xf32>,
    return
  }
  func.func @transform_0(%arg0: i32) -> (i32, i32, i32) {
    %c0_i32 = arith.constant 0 : i32
    %c0_i32_0 = arith.constant 0 : i32
    %c0_i32_1 = arith.constant 0 : i32
    return %c0_i32, %arg0, %c0_i32_0 : i32, i32, i32
  }
  func.func @transform_1(%arg0: i32) -> (i32, i32, i32) {
    %c0_i32 = arith.constant 0 : i32
    %c0_i32_0 = arith.constant 0 : i32
    %c0_i32_1 = arith.constant 0 : i32
    return %c0_i32, %arg0, %c0_i32_0 : i32, i32, i32
  }
  func.func @transform_2(%arg0: i32) -> (i32, i32) {
    %c0_i32 = arith.constant 0 : i32
    %c0_i32_0 = arith.constant 0 : i32
    return %arg0, %c0_i32 : i32, i32
  }
  func.func @transform_3(%arg0: i32) -> (i32, i32) {
    %c0_i32 = arith.constant 0 : i32
    %c0_i32_0 = arith.constant 0 : i32
    %c0_i32_1 = arith.constant 0 : i32
    return %c0_i32, %c0_i32_0 : i32, i32
  }
  func.func @transform_4(%arg0: i32) -> (i32, i32) {
    %c0_i32 = arith.constant 0 : i32
    %c0_i32_0 = arith.constant 0 : i32
    %c0_i32_1 = arith.constant 0 : i32
    return %c0_i32, %c0_i32_0 : i32, i32
  }
  func.func @transform_5(%arg0: i32) -> (i32, i32) {
    %c0_i32 = arith.constant 0 : i32
    %c0_i32_0 = arith.constant 0 : i32
    %c0_i32_1 = arith.constant 0 : i32
    return %c0_i32, %c0_i32_0 : i32, i32
  }
  func.func @transform_6(%arg0: i32) -> (i32, i32) {
    %c0_i32 = arith.constant 0 : i32
    %c0_i32_0 = arith.constant 0 : i32
    %c0_i32_1 = arith.constant 0 : i32
    return %c0_i32, %c0_i32_0 : i32, i32
  }
  func.func @transform_7(%arg0: i32) -> (i32, i32) {
    %c0_i32 = arith.constant 0 : i32
    %c0_i32_0 = arith.constant 0 : i32
    %c0_i32_1 = arith.constant 0 : i32
    return %c0_i32, %c0_i32_0 : i32, i32
  }
  func.func @transform_8(%arg0: i32) -> (i32, i32) {
    %c0_i32 = arith.constant 0 : i32
    %c0_i32_0 = arith.constant 0 : i32
    %c0_i32_1 = arith.constant 0 : i32
    return %c0_i32, %c0_i32_0 : i32, i32
  }
  func.func @transform_9(%arg0: i32) -> (i32, i32) {
    %c0_i32 = arith.constant 0 : i32
    %c0_i32_0 = arith.constant 0 : i32
    return %arg0, %c0_i32 : i32, i32
  }
  func.func @transform_10(%arg0: i32) -> (i32, i32) {
    %c0_i32 = arith.constant 0 : i32
    %c0_i32_0 = arith.constant 0 : i32
    return %arg0, %c0_i32 : i32, i32
  }
}

module attributes {stable_mosaic.version = 14 : i64} {
  func.func @body(%arg0: i32, %arg1: memref<2x2000x16xf32, #tpu.memory_space<vmem>>, %arg2: memref<2x2000x16xf32, #tpu.memory_space<vmem>>, %arg3: memref<2000x16xf32, #tpu.memory_space<vmem>>, %arg4: memref<2000x16xf32, #tpu.memory_space<vmem>>) attributes {dimension_semantics = [#tpu.dimension_semantics<arbitrary>], iteration_bounds = array<i64: 5>, scalar_prefetch = 0 : i64, scratch_operands = 0 : i64, tpu.core_type = #tpu.core_type<tc>, window_params = [{transform_indices = @transform_0, window_bounds = array<i64: 2, 2000, 16>}, {transform_indices = @transform_1, window_bounds = array<i64: 2, 2000, 16>}, {transform_indices = @transform_2, window_bounds = array<i64: 2000, 16>}, {transform_indices = @transform_3, window_bounds = array<i64: 2000, 16>}]} {
    %get3A = arith.constant 0 : index
    %get3A_0 = arith.constant 0 : index
    %get3A_1 = arith.constant 0 : index
    %get3A_2 = vector.load %arg1[%get3A, %get3A_0, %get3A_1] : memref<2x2000x16xf32, #tpu.memory_space<vmem>>, vector<1x2000x16xf32>
    %get3A_3 = vector.shape_cast %get3A_2 : vector<1x2000x16xf32> to vector<2000x16xf32>
    %get3A_4 = arith.constant 1 : index
    %get3A_5 = arith.constant 0 : index
    %get3A_6 = arith.constant 0 : index
    %get3A_7 = vector.load %arg1[%get3A_4, %get3A_5, %get3A_6] : memref<2x2000x16xf32, #tpu.memory_space<vmem>>, vector<1x2000x16xf32>
    %get3A_8 = vector.shape_cast %get3A_7 : vector<1x2000x16xf32> to vector<2000x16xf32>
    %add3A = arith.addf %get3A_3, %get3A_8 : vector<2000x16xf32>
    %get3A_9 = arith.constant 0 : index
    %get3A_10 = arith.constant 0 : index
    %get3A_11 = arith.constant 0 : index
    %get3A_12 = vector.load %arg2[%get3A_9, %get3A_10, %get3A_11] : memref<2x2000x16xf32, #tpu.memory_space<vmem>>, vector<1x2000x1xf32>
    %get3A_13 = vector.shape_cast %get3A_12 : vector<1x2000x1xf32> to vector<2000x1xf32>
    %get3A_14 = arith.constant 1 : index
    %get3A_15 = arith.constant 0 : index
    %get3A_16 = arith.constant 0 : index
    %get3A_17 = vector.load %arg2[%get3A_14, %get3A_15, %get3A_16] : memref<2x2000x16xf32, #tpu.memory_space<vmem>>, vector<1x2000x1xf32>
    %get3A_18 = vector.shape_cast %get3A_17 : vector<1x2000x1xf32> to vector<2000x1xf32>
    %add3A_19 = arith.addf %get3A_13, %get3A_18 : vector<2000x1xf32>
    %max3A = arith.constant 1.000000e+00 : f32
    %max3A_20 = vector.broadcast %max3A : f32 to vector<2000x1xf32>
    %max3A_21 = arith.maximumf %add3A_19, %max3A_20 : vector<2000x1xf32>
    %div3A = vector.broadcast %max3A_21 : vector<2000x1xf32> to vector<2000x16xf32>
    %div3A_22 = arith.divf %add3A, %div3A : vector<2000x16xf32>
    %get3A_23 = arith.constant 0 : index
    %get3A_24 = arith.constant 0 : index
    %get3A_25 = vector.load %arg3[%get3A_23, %get3A_24] : memref<2000x16xf32, #tpu.memory_space<vmem>>, vector<2000x16xf32>
    %add3A_26 = arith.addf %div3A_22, %get3A_25 : vector<2000x16xf32>
    %swap3A = arith.constant 0 : index
    %swap3A_27 = arith.constant 0 : index
    %swap3A_28 = vector.load %arg4[%swap3A, %swap3A_27] : memref<2000x16xf32, #tpu.memory_space<vmem>>, vector<2000x16xf32>
    tpu.vector_store %arg4[%swap3A, %swap3A_27], %add3A_26 {strides = array<i32>} : memref<2000x16xf32, #tpu.memory_space<vmem>>, vector<2000x16xf32>,
    return
  }
  func.func @transform_0(%arg0: i32) -> (i32, i32, i32) {
    %c0_i32 = arith.constant 0 : i32
    %c0_i32_0 = arith.constant 0 : i32
    %c0_i32_1 = arith.constant 0 : i32
    return %c0_i32, %arg0, %c0_i32_0 : i32, i32, i32
  }
  func.func @transform_1(%arg0: i32) -> (i32, i32, i32) {
    %c0_i32 = arith.constant 0 : i32
    %c0_i32_0 = arith.constant 0 : i32
    %c0_i32_1 = arith.constant 0 : i32
    return %c0_i32, %arg0, %c0_i32_0 : i32, i32, i32
  }
  func.func @transform_2(%arg0: i32) -> (i32, i32) {
    %c0_i32 = arith.constant 0 : i32
    %c0_i32_0 = arith.constant 0 : i32
    return %arg0, %c0_i32 : i32, i32
  }
  func.func @transform_3(%arg0: i32) -> (i32, i32) {
    %c0_i32 = arith.constant 0 : i32
    %c0_i32_0 = arith.constant 0 : i32
    return %arg0, %c0_i32 : i32, i32
  }
}

</mosaic_0001>

<sc_bundles>
// kernel: kernel.6.cloned.1.call-start
scs
__scs_entry_jumppad:
0x0: {  	(pc) =	sbr.rel $0x88, $3  }
0x1: {  	(tag) =	ssettag $0x0;
	lr =	simm.s32 $0x1  }
0x2: {  	[smem:$0x3F99] =	sst lr;
	_ =	strace $0xD0000000  }
0x3: {  	_ = 	snop  }
0x4: {  	_ = 	snop  }
0x5: {  	_ = 	snop  }
0x6: {  	_ = 	snop  }
0x7: {  	_ = 	snop  }
__scs_overlays_trampoline_lowered:
0x8: {  	[smem:$0x3FA8] =	sst s0  }
0x9: {  	[smem:$0x3FA9] =	sst s1  }
0xa: {  	[smem:$0x3FAA] =	sst s2  }
0xb: {  	[smem:$0x3FAB] =	sst s3  }
0xc: {  	[smem:$0x3FAC] =	sst s4  }
0xd: {  	[smem:$0x3FAD] =	sst s5  }
0xe: {  	[smem:$0x3FAE] =	sst s6  }
0xf: {  	[smem:$0x3FAF] =	sst s7  }
0x10: {  	[smem:$0x3FB0] =	sst s8  }
0x11: {  	[smem:$0x3FB1] =	sst s9;
	s0 =	simm.s32 @!p0 $0x0  }
0x12: {  	s1 =	sld [smem:$0x3F97];
	s0 =	simm.s32 @p0 $0x1  }
0x13: {  	[smem:$0x3FB2] =	sst s0;
	s0 =	simm.s32 @!p1 $0x0  }
0x14: {  	s2 =	sld [smem:$0x3F96];
	s0 =	simm.s32 @p1 $0x1  }
0x15: {  	[smem:$0x3FB3] =	sst s0;
	s0 =	simm.s32 @!p2 $0x0  }
0x16: {  	s3 =	sld [smem:$0x3FDB];
	s0 =	simm.s32 @p2 $0x1  }
0x17: {  	s4 =	simm.s32 $0x1BF5;
	[smem:$0x3FB5] =	sst s0  }
0x18: {  	s0 =	sld [smem:$0x3F98];
	_ =	swait.ge [sflag:s4], $0x0  }
0x19: {  	s7 =	sld [smem:$0x3F99]  }
0x1a: {  	s8 =	sadd.s32 $0xFFFFE003, lr  }
0x1b: {  	s9 =	sadd.s32 $0xFFFFFEF7, lr;
	s5 =	simm.s32 $0xFFFFFFFF;
	p2 =	slt.u32 s8, $0xFFFFF086  }
0x1c: {  	p1 =	slt.u32 s9, $0xF7A;
	s5 =	simm.s32 @!p2 $0x0  }
0x1d: {  	s5 =	simm.s32 @p1 $0x1;
	p0 =	seq.s32 s7, s2  }
0x1e: {  	s7 =	smul.u32 @!p0 $0xF7A, s2;
	p2 =	seq.s32 @!p0 s5, $0x0  }
0x1f: {  	s9 =	smul.u32 $0xF7A, s1;
	s8 =	simm.s32 @!p0 $0x1BF5;
	p2 =	por !p2, p0  }
0x20: {  	[sflag:s8] =	ssyncset.s32 @!p0 $0xFFFFF086;
	s6 =	sadd.s32 @!p0 s3, s7;
	s7 =	simm.s32 @!p0 $0x108  }
0x21: {  	s3 =	sadd.s32 s3, s9;
	s6 =	sadd.s32 @!p0 $0x88, s6;
	s7 =	simm.s32 @p2 $0x1082  }
0x22: {  	[simem:s7], [sflag:s8] =	dma.local @!p0 [hbm:s6], $0xF7A  }
0x23: {  	s9 =	sor.u32 $0xD0000000, s2;
	s6 =	simm.s32 $0x108;
	_ =	swait.ge @!p0 [sflag:s8], $0x0  }
0x24: {  	s3 =	sadd.s32 $0x88, s3;
	s6 =	simm.s32 @!p1 $0x1082;
	[sflag:s4] =	ssyncset.s32 $0xFFFFF086  }
0x25: {  	[simem:s6], [sflag:s4] =	dma.local [hbm:s3], $0xF7A  }
0x26: {  	[smem:$0x3F99] =	sst s1;
	(tag) =	ssettag s2;
	_ =	strace s9  }
0x27: {  	s1 =	sld [smem:$0x3FA9]  }
0x28: {  	s2 =	sld [smem:$0x3FAA]  }
0x29: {  	s4 =	sld [smem:$0x3FAC]  }
0x2a: {  	p0 =	seq.s32 s5, $0x0;
	s5 =	sld [smem:$0x3FAD]  }
0x2b: {  	s6 =	sld [smem:$0x3FAE]  }
0x2c: {  	s7 =	sld [smem:$0x3FAF]  }
0x2d: {  	s3 =	simm.s32 $0x108;
	s8 =	sld [smem:$0x3FB0]  }
0x2e: {  	s3 =	simm.s32 @!p0 $0x1082;
	s9 =	sld [smem:$0x3FB1]  }
0x2f: {  	lr =	sadd.s32 s0, s3;
	s0 =	sld [smem:$0x3FA8]  }
0x30: {  	s3 =	sld [smem:$0x3FAB]  }
0x31: {  	[smem:$0x3FB4] =	sst s10  }
0x32: {  	s10 =	sld [smem:$0x3FB2];
	_ =	sdelay $0x3  }
0x33: {  	p0 =	seq.s32 s10, $0x1;
	s10 =	sld [smem:$0x3FB4];
	_ =	sdelay $0x3  }
0x34: {  	[smem:$0x3FB4] =	sst s10  }
0x35: {  	s10 =	sld [smem:$0x3FB3];
	_ =	sdelay $0x3  }
0x36: {  	p1 =	seq.s32 s10, $0x1;
	s10 =	sld [smem:$0x3FB4];
	_ =	sdelay $0x3  }
0x37: {  	[smem:$0x3FB4] =	sst s10  }
0x38: {  	s10 =	sld [smem:$0x3FB5]  }
0x39: {  	_ = 	snop;
	(pc) =	sbr.ind lr, $3  }
0x3a: {  	_ = 	snop  }
0x3b: {  	_ = 	snop  }
0x3c: {  	p2 =	seq.s32 s10, $0x1;
	s10 =	sld [smem:$0x3FB4]  }
0x3d: {  	_ =	shalt  }
0x3e: {  	_ =	shalt  }
0x3f: {  	_ =	shalt  }
0x40: {  	_ =	shalt  }
0x41: {  	_ =	shalt  }
0x42: {  	_ =	shalt  }
0x43: {  	_ =	shalt  }
0x44: {  	_ =	shalt  }
0x45: {  	_ =	shalt  }
0x46: {  	_ =	shalt  }
0x47: {  	_ =	shalt  }
0x48: {  	_ =	shalt  }
0x49: {  	_ =	shalt  }
0x4a: {  	_ =	shalt  }
0x4b: {  	_ =	shalt  }
0x4c: {  	_ =	shalt  }
0x4d: {  	_ =	shalt  }
0x4e: {  	_ =	shalt  }
0x4f: {  	_ =	shalt  }
0x50: {  	_ =	shalt  }
0x51: {  	_ =	shalt  }
0x52: {  	_ =	shalt  }
0x53: {  	_ =	shalt  }
0x54: {  	_ =	shalt  }
0x55: {  	_ =	shalt  }
0x56: {  	_ =	shalt  }
0x57: {  	_ =	shalt  }
0x58: {  	_ =	shalt  }
0x59: {  	_ =	shalt  }
0x5a: {  	_ =	shalt  }
0x5b: {  	_ =	shalt  }
0x5c: {  	_ =	shalt  }
0x5d: {  	_ =	shalt  }
0x5e: {  	_ =	shalt  }
0x5f: {  	_ =	shalt  }
0x60: {  	_ =	shalt  }
0x61: {  	_ =	shalt  }
0x62: {  	_ =	shalt  }
0x63: {  	_ =	shalt  }
0x64: {  	_ =	shalt  }
0x65: {  	_ =	shalt  }
0x66: {  	_ =	shalt  }
0x67: {  	_ =	shalt  }
0x68: {  	_ =	shalt  }
0x69: {  	_ =	shalt  }
0x6a: {  	_ =	shalt  }
0x6b: {  	_ =	shalt  }
0x6c: {  	_ =	shalt  }
0x6d: {  	_ =	shalt  }
0x6e: {  	_ =	shalt  }
0x6f: {  	_ =	shalt  }
0x70: {  	_ =	shalt  }
0x71: {  	_ =	shalt  }
0x72: {  	_ =	shalt  }
0x73: {  	_ =	shalt  }
0x74: {  	_ =	shalt  }
0x75: {  	_ =	shalt  }
0x76: {  	_ =	shalt  }
0x77: {  	_ =	shalt  }
0x78: {  	_ =	shalt  }
0x79: {  	_ =	shalt  }
0x7a: {  	_ =	shalt  }
0x7b: {  	_ =	shalt  }
0x7c: {  	_ =	shalt  }
0x7d: {  	_ =	shalt  }
0x7e: {  	_ =	shalt  }
0x7f: {  	_ =	shalt  }
0x80: {  	_ =	shalt  }
0x81: {  	_ =	shalt  }
0x82: {  	_ =	shalt  }
0x83: {  	_ =	shalt  }
0x84: {  	_ =	shalt  }
0x85: {  	_ =	shalt  }
0x86: {  	_ =	shalt  }
0x87: {  	_ =	shalt  }
.Lfunc_end0:
.L_simem_size_0:
called_computation_lowered:
.L_overlay_start_0:
0x88: {  	s2 =	sld [smem:$0x3FD9]  }
0x89: {  	s3 =	sld [smem:$0x3FFE];
	_ =	sdelay $0x1  }
0x8a: {  	s1 =	srdreg.scid  }
0x8b: {  	s0 =	sand.u32 $0x1, s1  }
0x8c: {  	s17 =	sshll.u32 s0, $0xA;
	s2 =	sadd.s32 s3, s2  }
0x8d: {  	s2 =	sadd.s32 s2, s17  }
0x8e: {  	[smem:$0x3FC0] =	sst s2  }
0x8f: {  	_ = 	snop  }
0x90: {  	s2 =	sld [smem:$0x3FC9]  }
0x91: {  	s18 =	sld [smem:$0x3FD0];
	(tm) =	ssettm $0x1  }
0x92: {  	s4 =	sld [smem:$0x3FFB];
	_ =	sdelay $0x3  }
0x93: {  	_ =	strace s4  }
0x94: {  	s4 =	sld [smem:$0x3FFC];
	_ =	sdelay $0x3  }
0x95: {  	_ =	strace s4  }
0x96: {  	s4 =	sld [smem:$0x3FFD];
	_ =	sdelay $0x3  }
0x97: {  	_ =	strace s4  }
0x98: {  	_ =	strace $0x8FFFFFFF  }
0x99: {  	s19 =	sld [smem:$0x3FDB];
	_ =	sdelay $0x1  }
0x9a: {  	s5 =	simm.s32 $_scs_section_size  }
0x9b: {  	s6 =	simm.s32 $_size__tile_overlayer_lowered;
	s7 =	simm.s32 $_tile_overlayer_lowered  }
0x9c: {  	s22 =	simm.s32 $0x1BFF;
	s21 =	sshll.u32 s7, $0x1;
	s4 =	sadd.s32 s5, s19  }
0x9d: {  	s8 =	simm.s32 $0x0;
	s20 =	sshll.u32 s6, $0x1;
	s6 =	sadd.s32 s21, s4  }
0x9e: {  	[timem:s8], [sflag:s22] =	dma.local [hbm:s6], s20  }
0x9f: {  	_ =	swait.ge [sflag:s22], s20  }
0xa0: {  	s5 =	ssub.s32 $0x0, s20;
	[sflag:s22] =	ssyncset.done $0x0  }
0xa1: {  	[sflag:s22] =	ssyncadd.s32 s5;
	_ =	sdelay $0x1  }
0xa2: {  	s23 =	simm.s32 $0x1B8B  }
0xa3: {  	_ =	swait.ge [sflag:s23], $0x1  }
0xa4: {  	[sflag:s23] =	ssyncset.done $0x0  }
0xa5: {  	s25 =	simm.s32 $0x1B8E;
	s24 =	sld [smem:$0x3FFE];
	[sflag:s23] =	ssyncadd.s32 $0xFFFFFFFF  }
0xa6: {  	s26 =	simm.s32 $execute0_lowered;
	[smem:$0x3FD2] =	sst s25  }
0xa7: {  	s6 =	sshll.u32 s26, $0x1;
	_ =	strace $0x80000046;
	[dreg:$0x1] =	wrdreg $0xFFFFFFFF  }
0xa8: {  	s28 =	simm.s32 $_size_execute0_lowered;
	s4 =	sadd.s32 s4, s6;
	[dreg:$0x0] =	wrdreg $0x0  }
0xa9: {  	s6 =	sshll.u32 s28, $0x1;
	[dreg:$0x2] =	wrdreg s4  }
0xaa: {  	[dreg:$0x3] =	wrdreg s6  }
0xab: {  	[dreg:$0x4] =	wrdreg $0xC0  }
0xac: {  	_ =	task [dreg:s8], $0x5FFFF  }
0xad: {  	[dreg:$0x1] =	wrdreg $0xFFFFFFFF  }
0xae: {  	[dreg:$0x0] =	wrdreg $0x60  }
0xaf: {  	[dreg:$0x2] =	wrdreg s2  }
0xb0: {  	[dreg:$0x3] =	wrdreg s24  }
0xb1: {  	[dreg:$0x4] =	wrdreg s18  }
0xb2: {  	[dreg:$0x5] =	wrdreg $0x1D3C00  }
0xb3: {  	[dreg:$0x6] =	wrdreg $0x93C00  }
0xb4: {  	[dreg:$0x7] =	wrdreg $0x9  }
0xb5: {  	_ =	task.clear_ibuf [dreg:s8], $0x8FFFF;
	_ =	strace $0x90000046  }
0xb6: {  	s29 =	simm.s32 $0x9;
	_ =	strace $0x80000048  }
0xb7: {  	_ =	swait.ge [sflag:s29], $0x1  }
0xb8: {  	[sflag:s29] =	ssyncadd.s32 $0xFFFFFFFF  }
0xb9: {  	_ =	strace $0x90000048  }
0xba: {  	_ =	sfence  }
0xbb: {  	s30 =	sld [smem:$0x0];
	_ =	sdelay $0x2  }
0xbc: {  	s31 =	sshll.u32 s1, $0xD;
	s1 =	sshrl.u32 s1, $0x2  }
0xbd: {  	s3 =	sand.u32 $0x4000, s31;
	s1 =	sadd.s32 s1, s30  }
0xbe: {  	s0 =	sor.u32 s3, s0;
	s1 =	sshll.u32 s1, $0x11  }
0xbf: {  	s0 =	sor.u32 s1, s0  }
0xc0: {  	s0 =	sadd.s32 $0x8F2B, s0  }
0xc1: {  	[sflag:s0] =	ssyncadd.remote.s32 $0x1  }
0xc2: {  	_ =	sfence.sel $0xFFFF  }
0xc3: {  	[dreg:$0x0] =	wrdreg $0xFFFFFFFF;
	(pc) =	sbr.abs _section_cstart, $3  }
0xc4: {  	[dreg:$0x1] =	wrdreg $0xFFFFFFFF  }
0xc5: {  	_ =	task.clear_ibuf [dreg:s8], $0x2FFFF;
	_ =	strace $0x9FFFFFFF  }
0xc6: {  	(tm) =	ssettm $0x7FFFFFFF  }
0xc7: {  	_ =	shalt  }
tec
execute0_lowered:
.L_overlay_start_1:
0x0: {  	(tag) =	ssettag $0x1  }
0x1: {  	s0 =	srdreg.scid;
	s1 =	rddreg [dreg:$0x0]  }
0x2: {  	s7 =	stileid.u32;
	s3 =	rddreg [dreg:$0x1]  }
0x3: {  	s4 =	rddreg [dreg:$0x3];
	s6 =	smul.u32 $0x14000, s7  }
0x4: {  	s5 =	rddreg [dreg:$0x4];
	s9 =	smul.u32 $0x2800, s7  }
0x5: {  	s10 =	simm.s32 $0x0;
	s0 =	sand.u32 $0x1, s0;
	s14 =	smul.u32 $0x50000, s7  }
0x6: {  	[smem:$0x7FF] =	sst s10;
	s15 =	sadd.s32 $0xCA00, s3;
	s8 =	smul.u32 $0x140000, s0  }
0x7: {  	s13 =	sadd.s32 $0x17A00, s3;
	s2 =	sshll.u32 s0, $0x4;
	s17 =	smul.u32 $0x28000, s0  }
0x8: {  	_ =	strace $0x80000047;
	[dreg:$0x7] =	wrdreg s13;
	s18 =	ssub.s32 $0x2, s0  }
0x9: {  	[dreg:$0x6] =	wrdreg s15;
	s2 =	sor.u32 s7, s2;
	s19 =	sshrl.u32 s18, $0x1  }
0xa: {  	s2 =	smul.u32 $0x2BC0, s2;
	s8 =	sadd.s32 s6, s8;
	s10 =	sadd.s32 s9, s17  }
0xb: {  	s9 =	sadd.s32 s9, s4;
	s8 =	sshrl.u32 s8, $0x3;
	s10 =	sshrl.u32 s10, $0x3  }
0xc: {  	[dreg:$0xb] =	wrdreg s9;
	s9 =	sadd.s32 s6, s5;
	s11 =	sshrl.u32 s2, $0x3  }
0xd: {  	s8 =	sadd.s32 s8, s3;
	[dreg:$0xc] =	wrdreg s9;
	s12 =	sadd.s32 s11, s3  }
0xe: {  	s3 =	sadd.s32 s10, s3;
	s10 =	ssub.s32 s18, s19;
	s18 =	sadd.s32 $0x21C00, s8  }
0xf: {  	s2 =	sadd.s32 $0xA8, s2;
	s11 =	sadd.s32 s15, s11;
	[dreg:$0x19] =	wrdreg s18  }
0x10: {  	s2 =	sshrl.u32 s2, $0x3;
	s12 =	sadd.s32 $0x1A00, s12;
	[dreg:$0x9] =	wrdreg s11  }
0x11: {  	s2 =	sadd.s32 s15, s2;
	[dreg:$0x8] =	wrdreg s12  }
0x12: {  	s20 =	sshrl.u32 s14, $0x2;
	s19 =	sadd.s32 $0x17C00, s3;
	[dreg:$0xa] =	wrdreg s2  }
0x13: {  	s2 =	sadd.s32 s20, s5;
	[dreg:$0x1a] =	wrdreg s19;
	s20 =	smax.u32 s10, $0x1  }
0x14: {  	s28 =	simm.s32 $0xD;
	s21 =	sadd.s32 $0x1900, s2;
	[dreg:$0x1b] =	wrdreg s20  }
0x15: {  	s29 =	simm.s32 $0xB;
	s23 =	sadd.s32 $0x3200, s2;
	[dreg:$0xd] =	wrdreg s21  }
0x16: {  	s30 =	simm.s32 $0x10;
	s24 =	sadd.s32 $0x4B00, s2;
	[dreg:$0xe] =	wrdreg s23  }
0x17: {  	s22 =	smul.u32 $0x2BC0, s7;
	s25 =	sadd.s32 $0x6400, s2;
	[dreg:$0xf] =	wrdreg s24  }
0x18: {  	s0 =	smul.u32 $0x2BC00, s0;
	s26 =	sadd.s32 $0x7D00, s2;
	[dreg:$0x10] =	wrdreg s25  }
0x19: {  	s7 =	simm.s32 $0x2BC0;
	s31 =	sadd.s32 $0x9600, s2;
	[dreg:$0x11] =	wrdreg s26  }
0x1a: {  	s0 =	sadd.s32 s22, s0;
	s12 =	sadd.s32 $0xAF00, s2;
	[dreg:$0x12] =	wrdreg s31  }
0x1b: {  	s22 =	sadd.s32 $0x150, s0;
	s13 =	sadd.s32 $0xC800, s2;
	[dreg:$0x13] =	wrdreg s12  }
0x1c: {  	s8 =	simm.s32 $0x2BF8;
	s14 =	sadd.s32 $0xE100, s2;
	[dreg:$0x14] =	wrdreg s13  }
0x1d: {  	s3 =	sshrl.u32 s22, $0x3;
	s16 =	sadd.s32 $0xFA00, s2;
	[dreg:$0x15] =	wrdreg s14  }
0x1e: {  	s22 =	simm.s32 $0x90A0;
	s17 =	sadd.s32 $0x11300, s2;
	[dreg:$0x16] =	wrdreg s16  }
0x1f: {  	s19 =	simm.s32 $0x32;
	s2 =	sadd.s32 $0x12C00, s2;
	[dreg:$0x17] =	wrdreg s17  }
0x20: {  	s10 =	simm.s32 $0x3;
	[dreg:$0x18] =	wrdreg s2;
	s21 =	sadd.s32 $0x188, s0  }
0x21: {  	s23 =	sadd.s32 $0x118, s0;
	s24 =	sadd.s32 s3, s15;
	s0 =	sadd.s32 $0xE0, s0  }
0x22: {  	s26 =	sadd.s32 $0x7, s11;
	s31 =	sadd.s32 $0xE, s11;
	[dreg:$0x1d] =	wrdreg s24  }
0x23: {  	s11 =	simm.s32 $0xF;
	s12 =	simm.s32 $0xC;
	[dreg:$0x1f] =	wrdreg s0  }
.Ltmp0:
0x24: {  	s2 =	sshrl.u32 s21, $0x3;
	[smem:$0x7FC] =	sst s26;
	(pc) =	sbr.rel .LBB2_1-.Ltmp0, $4  }
0x25: {  	s6 =	sshrl.u32 s23, $0x3;
	[smem:$0x7FD] =	sst s31;
	s26 =	simm.s32 $0x9  }
0x26: {  	s21 =	simm.s32 $0x90A0;
	s23 =	simm.s32 $0x5EA0;
	s2 =	sadd.s32 s2, s15  }
0x27: {  	s25 =	sadd.s32 s6, s15;
	s6 =	simm.s32 $0x11;
	[dreg:$0x1c] =	wrdreg s2  }
0x28: {  	v0 =	vimm.f32 $0.0e+00;
	[dreg:$0x1e] =	wrdreg s25;
	s25 =	simm.s32 $0x1;
	s2 =	simm.s32 $0x0  }
.LBB2_6:
0x29: {  	_ =	swait.ge [sflag:s12], $0x1900  }
0x2a: {  	[sflag:s12] =	ssyncset.done $0x0  }
0x2b: {  	[sflag:s12] =	ssyncadd.s32 $0xFFFFE700  }
0x2c: {  	_ =	swait.ge [sflag:s30], $0x320  }
0x2d: {  	[sflag:s30] =	ssyncset.done $0x0  }
0x2e: {  	[sflag:s30] =	ssyncadd.s32 $0xFFFFFCE0  }
0x2f: {  	[bflag:$0x0] =	sbarrier.arrive $0xFFFF  }
0x30: {  	s3 =	sld [smem:$0x7FA]  }
0x31: {  	s9 =	rddreg [dreg:$0xc]  }
0x32: {  	s6 =	simm.s32 $0x11;
	s2 =	rddreg [dreg:$0x19];
	s0 =	sshrl.u32 s9, $0x3  }
0x33: {  	[hbm:s2], [sflag:s3] =	dma.local [spmem:s0], $0x2800  }
0x34: {  	_ =	swait.ge [sflag:s6], $0x2800  }
0x35: {  	s20 =	sld [smem:$0x7FB]  }
0x36: {  	[sflag:s6] =	ssyncset.done $0x0  }
0x37: {  	s18 =	rddreg [dreg:$0x1a];
	[sflag:s6] =	ssyncadd.s32 $0xFFFFD800  }
0x38: {  	[hbm:s18], [sflag:s3] =	dma.local [spmem:s20], $0x500  }
0x39: {  	_ =	swait.ge [sflag:s6], $0x500  }
0x3a: {  	s24 =	sld [smem:$0x7F9];
	_ =	sdelay $0x2  }
0x3b: {  	s31 =	rddreg [dreg:$0x1b];
	s2 =	sadd.s32 $0x1, s24  }
0x3c: {  	p0 =	sne.s32 s2, s31  }
.Ltmp1:
0x3d: {  	_ = 	snop;
	(pc) =	sbr.rel @!p0 .LBB2_7-.Ltmp1, $3  }
0x3e: {  	_ =	sdelay $0x1  }
0x3f: {  	[sflag:s6] =	ssyncset.done $0x0  }
0x40: {  	s7 =	simm.s32 $0x2BC0;
	s8 =	simm.s32 $0x2BF8;
	[sflag:s6] =	ssyncadd.s32 $0xFFFFFB00  }
.LBB2_1:
0x41: {  	[smem:$0x7F9] =	sst s2  }
0x42: {  	s3 =	simm.s32 $0x0;
	s0 =	rddreg [dreg:$0x8]  }
0x43: {  	[tilespmem:s3], [sflag:$0x11] =	stream.linear.gather [hbm4b:s0+s3], $0x2BC0, $0x38;
	[tilespmem:$0x1FBC0] =	vst v63  }
0x44: {  	_ =	swait.ge [sflag:s6], $0x2BC0  }
0x45: {  	s31 =	rddreg [dreg:$0x9]  }
0x46: {  	s2 =	sld [smem:$0x7FC]  }
0x47: {  	[sflag:s6] =	ssyncset.done $0x0;
	s13 =	sld [smem:$0x7FD]  }
0x48: {  	s17 =	stileid.u32;
	s15 =	rddreg [dreg:$0xa];
	[sflag:s6] =	ssyncadd.s32 $0xFFFFD440  }
0x49: {  	[tilespmem:s7], [sflag:$0x5] =	stream.linear.gather [hbm4b:s31+s3], $0x38, $0x38;
	[tilespmem:$0x1FBC0] =	vst v63  }
0x4a: {  	s18 =	sshll.u32 s17, $0x6;
	s20 =	rddreg [dreg:$0xb]  }
0x4b: {  	[tilespmem:s8], [sflag:$0x6] =	stream.linear.gather [hbm4b:s2+s3], $0x38, $0x38;
	[tilespmem:$0x1FBC0] =	vst v63  }
0x4c: {  	s14 =	simm.s32 $0x2C30;
	s24 =	rddreg [dreg:$0x2];
	s2 =	sor.u32 $0x1C11, s18  }
0x4d: {  	[tilespmem:s14], [sflag:$0x7] =	stream.linear.gather [hbm4b:s13+s3], $0x38, $0x38;
	[tilespmem:$0x1FBC0] =	vst v63  }
0x4e: {  	[smem:$0x7FA] =	sst s2;
	s13 =	sshrl.u32 s20, $0x3  }
0x4f: {  	s16 =	simm.s32 $0x2C68;
	[smem:$0x7FB] =	sst s13  }
0x50: {  	[tilespmem:s16], [sflag:$0x8] =	stream.linear.gather [hbm4b:s15+s3], $0x38, $0x38;
	[tilespmem:$0x1FBC0] =	vst v63  }
0x51: {  	[spmem:s13], [sflag:s2] =	dma.local [hbm:s24], $0x500  }
0x52: {  	_ =	swait.ge [sflag:s6], $0x500  }
0x53: {  	[sflag:s6] =	ssyncset.done $0x0  }
0x54: {  	s31 =	rddreg [dreg:$0x7];
	[sflag:s6] =	ssyncadd.s32 $0xFFFFFB00  }
0x55: {  	[tilespmem:s22], [sflag:$0x11] =	stream.linear.gather [hbm4b:s31+s3], $0x320, $0x38;
	[tilespmem:$0x1FBC0] =	vst v63  }
0x56: {  	_ =	swait.ge [sflag:s6], $0x320  }
0x57: {  	[sflag:s6] =	ssyncset.done $0x0  }
0x58: {  	s2 =	simm.s32 $0x0;
	s3 =	simm.s32 $0x200;
	[sflag:s6] =	ssyncadd.s32 $0xFFFFFCE0  }
.LBB2_2:
0x59: {  	p0 =	sne.s32 s3, $0x6200;
	[tilespmem:s2+$0x2D10] =	vst v0  }
0x5a: {  	[tilespmem:s2+$0x2CA0] =	vst v0  }
0x5b: {  	[tilespmem:s2+$0x2CB0] =	vst v0  }
.Ltmp2:
0x5c: {  	[tilespmem:s2+$0x2CC0] =	vst v0;
	(pc) =	sbr.rel @p0 .LBB2_2-.Ltmp2, $4  }
0x5d: {  	[tilespmem:s2+$0x2CD0] =	vst v0  }
0x5e: {  	[tilespmem:s2+$0x2CE0] =	vst v0  }
0x5f: {  	[tilespmem:s2+$0x2CF0] =	vst v0  }
0x60: {  	[tilespmem:s2+$0x2D00] =	vst v0;
	s2 =	sshra.s32 s3, $0x2;
	s3 =	sadd.s32 $0x200, s3  }
0x61: {  	[tilespmem:s2+$0x2D10] =	vst v0  }
0x62: {  	[tilespmem:s2+$0x2CA0] =	vst v0  }
0x63: {  	[tilespmem:s2+$0x2CB0] =	vst v0  }
0x64: {  	[tilespmem:s2+$0x2CC0] =	vst v0  }
0x65: {  	[tilespmem:s2+$0x2CD0] =	vst v0  }
0x66: {  	[tilespmem:s2+$0x2CE0] =	vst v0  }
0x67: {  	[tilespmem:s2+$0x2CF0] =	vst v0  }
0x68: {  	[tilespmem:s2+$0x2D00] =	vst v0;
	s2 =	simm.s32 $0x2CA0  }
0x69: {  	[spmem:s9] =	stream.linear.scatter [tilespmem:s2], [sflag:$0x11], $0x1900, $0x38;
	[tilespmem:$0x1FBC0] =	vst v63  }
0x6a: {  	_ =	swait.ge [sflag:s6], $0x1900  }
0x6b: {  	[sflag:s6] =	ssyncset.done $0x0  }
0x6c: {  	s0 =	rddreg [dreg:$0xd];
	[sflag:s6] =	ssyncadd.s32 $0xFFFFE700  }
0x6d: {  	[spmem:s0] =	stream.linear.scatter [tilespmem:s2], [sflag:$0x11], $0x1900, $0x38;
	[tilespmem:$0x1FBC0] =	vst v63  }
0x6e: {  	_ =	swait.ge [sflag:s6], $0x1900  }
0x6f: {  	[sflag:s6] =	ssyncset.done $0x0  }
0x70: {  	s15 =	rddreg [dreg:$0xe];
	[sflag:s6] =	ssyncadd.s32 $0xFFFFE700  }
0x71: {  	[spmem:s15] =	stream.linear.scatter [tilespmem:s2], [sflag:$0x11], $0x1900, $0x38;
	[tilespmem:$0x1FBC0] =	vst v63  }
0x72: {  	_ =	swait.ge [sflag:s6], $0x1900  }
0x73: {  	[sflag:s6] =	ssyncset.done $0x0  }
0x74: {  	s16 =	rddreg [dreg:$0xf];
	[sflag:s6] =	ssyncadd.s32 $0xFFFFE700  }
0x75: {  	[spmem:s16] =	stream.linear.scatter [tilespmem:s2], [sflag:$0x11], $0x1900, $0x38;
	[tilespmem:$0x1FBC0] =	vst v63  }
0x76: {  	_ =	swait.ge [sflag:s6], $0x1900  }
0x77: {  	[sflag:s6] =	ssyncset.done $0x0  }
0x78: {  	s17 =	rddreg [dreg:$0x10];
	[sflag:s6] =	ssyncadd.s32 $0xFFFFE700  }
0x79: {  	[spmem:s17] =	stream.linear.scatter [tilespmem:s2], [sflag:$0x11], $0x1900, $0x38;
	[tilespmem:$0x1FBC0] =	vst v63  }
0x7a: {  	_ =	swait.ge [sflag:s6], $0x1900  }
0x7b: {  	[sflag:s6] =	ssyncset.done $0x0  }
0x7c: {  	s18 =	rddreg [dreg:$0x11];
	[sflag:s6] =	ssyncadd.s32 $0xFFFFE700  }
0x7d: {  	[spmem:s18] =	stream.linear.scatter [tilespmem:s2], [sflag:$0x11], $0x1900, $0x38;
	[tilespmem:$0x1FBC0] =	vst v63  }
0x7e: {  	_ =	swait.ge [sflag:s6], $0x1900  }
0x7f: {  	[sflag:s6] =	ssyncset.done $0x0  }
0x80: {  	s20 =	rddreg [dreg:$0x12];
	[sflag:s6] =	ssyncadd.s32 $0xFFFFE700  }
0x81: {  	[spmem:s20] =	stream.linear.scatter [tilespmem:s2], [sflag:$0x11], $0x1900, $0x38;
	[tilespmem:$0x1FBC0] =	vst v63  }
0x82: {  	_ =	swait.ge [sflag:s6], $0x1900  }
0x83: {  	[sflag:s6] =	ssyncset.done $0x0  }
0x84: {  	s22 =	rddreg [dreg:$0x13];
	[sflag:s6] =	ssyncadd.s32 $0xFFFFE700  }
0x85: {  	[spmem:s22] =	stream.linear.scatter [tilespmem:s2], [sflag:$0x11], $0x1900, $0x38;
	[tilespmem:$0x1FBC0] =	vst v63  }
0x86: {  	_ =	swait.ge [sflag:s6], $0x1900  }
0x87: {  	[sflag:s6] =	ssyncset.done $0x0  }
0x88: {  	s24 =	rddreg [dreg:$0x14];
	[sflag:s6] =	ssyncadd.s32 $0xFFFFE700  }
0x89: {  	[spmem:s24] =	stream.linear.scatter [tilespmem:s2], [sflag:$0x11], $0x1900, $0x38;
	[tilespmem:$0x1FBC0] =	vst v63  }
0x8a: {  	_ =	swait.ge [sflag:s6], $0x1900  }
0x8b: {  	[sflag:s6] =	ssyncset.done $0x0  }
0x8c: {  	s31 =	rddreg [dreg:$0x15];
	[sflag:s6] =	ssyncadd.s32 $0xFFFFE700  }
0x8d: {  	[spmem:s31] =	stream.linear.scatter [tilespmem:s2], [sflag:$0x11], $0x1900, $0x38;
	[tilespmem:$0x1FBC0] =	vst v63  }
0x8e: {  	_ =	swait.ge [sflag:s6], $0x1900  }
0x8f: {  	[sflag:s6] =	ssyncset.done $0x0  }
0x90: {  	s3 =	rddreg [dreg:$0x16];
	[sflag:s6] =	ssyncadd.s32 $0xFFFFE700  }
0x91: {  	[spmem:s3] =	stream.linear.scatter [tilespmem:s2], [sflag:$0x11], $0x1900, $0x38;
	[tilespmem:$0x1FBC0] =	vst v63  }
0x92: {  	_ =	swait.ge [sflag:s6], $0x1900  }
0x93: {  	[sflag:s6] =	ssyncset.done $0x0  }
0x94: {  	s9 =	rddreg [dreg:$0x17];
	[sflag:s6] =	ssyncadd.s32 $0xFFFFE700  }
0x95: {  	[spmem:s9] =	stream.linear.scatter [tilespmem:s2], [sflag:$0x11], $0x1900, $0x38;
	[tilespmem:$0x1FBC0] =	vst v63  }
0x96: {  	_ =	swait.ge [sflag:s6], $0x1900  }
0x97: {  	[sflag:s6] =	ssyncset.done $0x0  }
0x98: {  	s13 =	rddreg [dreg:$0x18];
	[sflag:s6] =	ssyncadd.s32 $0xFFFFE700  }
0x99: {  	[spmem:s13] =	stream.linear.scatter [tilespmem:s2], [sflag:$0x11], $0x1400, $0x38;
	[tilespmem:$0x1FBC0] =	vst v63  }
0x9a: {  	_ =	swait.ge [sflag:s6], $0x1400  }
0x9b: {  	[sflag:s6] =	ssyncset.done $0x0  }
0x9c: {  	[sflag:s6] =	ssyncadd.s32 $0xFFFFEC00  }
0x9d: {  	s14 =	simm.s32 $0x5;
	[bflag:$0x0] =	sbarrier.arrive $0xFFFF  }
0x9e: {  	_ =	swait.ge [sflag:s14], $0x38  }
0x9f: {  	[sflag:s14] =	ssyncset.done $0x0  }
0xa0: {  	s15 =	simm.s32 $0x6;
	[sflag:s14] =	ssyncadd.s32 $0xFFFFFFC8  }
0xa1: {  	[tilespmem:s2], [sflag:$0x1] =	stream.indirect.gather [hbm4b:s1+s19], $0x80, s7, s19, $0xb8;
	[tilespmem:$0x1FBC0] =	vst v63  }
0xa2: {  	_ =	swait.ge [sflag:s15], $0x38  }
0xa3: {  	[sflag:s15] =	ssyncset.done $0x0  }
0xa4: {  	s16 =	simm.s32 $0x45A0;
	s17 =	simm.s32 $0x7;
	[sflag:s15] =	ssyncadd.s32 $0xFFFFFFC8  }
0xa5: {  	[tilespmem:s16], [sflag:$0x2] =	stream.indirect.gather [hbm4b:s1+s19], $0x80, s8, s19, $0xb8;
	[tilespmem:$0x1FBC0] =	vst v63  }
0xa6: {  	_ =	swait.ge [sflag:s17], $0x38  }
0xa7: {  	s18 =	simm.s32 $0x2C30;
	[sflag:s17] =	ssyncset.done $0x0  }
0xa8: {  	s20 =	simm.s32 $0x8;
	s22 =	simm.s32 $0x5EA0;
	[sflag:s17] =	ssyncadd.s32 $0xFFFFFFC8  }
0xa9: {  	[tilespmem:s22], [sflag:$0x3] =	stream.indirect.gather [hbm4b:s1+s19], $0x80, s18, s19, $0xb8;
	[tilespmem:$0x1FBC0] =	vst v63  }
0xaa: {  	_ =	swait.ge [sflag:s20], $0x38  }
0xab: {  	s3 =	rddreg [dreg:$0x1f]  }
0xac: {  	s24 =	simm.s32 $0x2C68;
	s18 =	rddreg [dreg:$0x1e]  }
0xad: {  	s31 =	simm.s32 $0x77A0;
	[sflag:s20] =	ssyncset.done $0x0;
	s13 =	rddreg [dreg:$0x1c]  }
0xae: {  	s2 =	simm.s32 $0x0;
	[sflag:s20] =	ssyncadd.s32 $0xFFFFFFC8;
	s20 =	rddreg [dreg:$0x1d]  }
0xaf: {  	[tilespmem:s31], [sflag:$0x4] =	stream.indirect.gather [hbm4b:s1+s19], $0x80, s24, s19, $0xb8;
	[tilespmem:$0x1FBC0] =	vst v63  }
.LBB2_4:
0xb0: {  	_ =	swait.ge [sflag:s25], $0x1900  }
0xb1: {  	s31 =	sshra.s32 s2, $0x2;
	[sflag:s25] =	ssyncset.done $0x0  }
0xb2: {  	s0 =	simm.s32 $0x2CA0;
	p0 =	seq.s32 s2, $0xAB80;
	[sflag:s25] =	ssyncadd.s32 $0xFFFFE700  }
0xb3: {  	[spmem:s5] =	stream.indirect.scatter.add.f32 [tilespmem:s0], [sflag:$0x9], $0x80, s31, s19, $0xb8;
	[tilespmem:$0x1FBC0] =	vst v63  }
0xb4: {  	s6 =	simm.s32 @p0 $0x2  }
0xb5: {  	[spmem:s4] =	stream.indirect.scatter.add.f32 [tilespmem:s21], [sflag:$0xD], $0x10, s31, s19, $0xb8;
	[tilespmem:$0x1FBC0] =	vst v63  }
0xb6: {  	_ =	swait.ge @p0 [sflag:s6], $0x1900  }
0xb7: {  	s14 =	simm.s32 @p0 $0x32;
	s0 =	sshra.s32 @p0 s2, $0x2;
	[sflag:s6] =	ssyncset.done @p0 $0x0  }
0xb8: {  	s8 =	simm.s32 @p0 $0x45A0;
	[sflag:s6] =	ssyncadd.s32 @p0 $0xFFFFE700;
	s6 =	sadd.s32 @p0 $0x38, s0  }
0xb9: {  	[spmem:s5] =	stream.indirect.scatter.add.f32 @p0 [tilespmem:s8], [sflag:$0xA], $0x80, s6, s14, $0xb8;
	[tilespmem:$0x1FBC0] =	vst v63  }
0xba: {  	s15 =	simm.s32 @p0 $0x90A0  }
0xbb: {  	[spmem:s4] =	stream.indirect.scatter.add.f32 @p0 [tilespmem:s15], [sflag:$0xE], $0x10, s6, s14, $0xb8;
	[tilespmem:$0x1FBC0] =	vst v63  }
0xbc: {  	s7 =	rddreg [dreg:$0x6];
	s6 =	sshrl.u32 @!p0 s3, $0x3  }
0xbd: {  	s24 =	simm.s32 @!p0 $0x0;
	s17 =	simm.s32 @!p0 $0x2BC0;
	s6 =	sadd.s32 @!p0 s7, s6  }
0xbe: {  	[tilespmem:s17], [sflag:$0x5] =	stream.linear.gather @!p0 [hbm4b:s6+s24], $0x38, $0x38;
	[tilespmem:$0x1FBC0] =	vst v63  }
0xbf: {  	s6 =	simm.s32 @!p0 $0x2  }
0xc0: {  	_ =	swait.ge @!p0 [sflag:s6], $0x1900  }
0xc1: {  	s9 =	sshra.s32 @!p0 s2, $0x2;
	s8 =	simm.s32 @!p0 $0x45A0;
	[sflag:s6] =	ssyncset.done @!p0 $0x0  }
0xc2: {  	s7 =	sadd.s32 @!p0 $0x38, s9;
	[sflag:s6] =	ssyncadd.s32 @!p0 $0xFFFFE700;
	s6 =	simm.s32 @!p0 $0x32  }
0xc3: {  	[spmem:s5] =	stream.indirect.scatter.add.f32 @!p0 [tilespmem:s8], [sflag:$0xA], $0x80, s7, s6, $0xb8;
	[tilespmem:$0x1FBC0] =	vst v63  }
0xc4: {  	s16 =	simm.s32 @!p0 $0x90A0  }
0xc5: {  	[spmem:s4] =	stream.indirect.scatter.add.f32 @!p0 [tilespmem:s16], [sflag:$0xE], $0x10, s7, s6, $0xb8;
	[tilespmem:$0x1FBC0] =	vst v63  }
0xc6: {  	s7 =	simm.s32 @!p0 $0x2BF8  }
0xc7: {  	[tilespmem:s7], [sflag:$0x6] =	stream.linear.gather @!p0 [hbm4b:s18+s24], $0x38, $0x38;
	[tilespmem:$0x1FBC0] =	vst v63  }
0xc8: {  	_ =	swait.ge [sflag:s10], $0x1900  }
0xc9: {  	[sflag:s10] =	ssyncset.done $0x0  }
0xca: {  	s31 =	sadd.s32 $0x70, s31;
	[sflag:s10] =	ssyncadd.s32 $0xFFFFE700  }
0xcb: {  	[spmem:s5] =	stream.indirect.scatter.add.f32 [tilespmem:s22], [sflag:$0xB], $0x80, s31, s19, $0xb8;
	[tilespmem:$0x1FBC0] =	vst v63  }
0xcc: {  	_ = 	snop  }
0xcd: {  	[spmem:s4] =	stream.indirect.scatter.add.f32 [tilespmem:s21], [sflag:$0xF], $0x10, s31, s19, $0xb8;
	[tilespmem:$0x1FBC0] =	vst v63  }
0xce: {  	s31 =	simm.s32 @p0 $0x4  }
0xcf: {  	_ =	swait.ge @p0 [sflag:s31], $0x1900  }
0xd0: {  	[sflag:s31] =	ssyncset.done @p0 $0x0  }
0xd1: {  	s0 =	sadd.s32 @p0 $0xA8, s0;
	[sflag:s31] =	ssyncadd.s32 @p0 $0xFFFFE700;
	s31 =	simm.s32 @p0 $0x77A0  }
0xd2: {  	[spmem:s5] =	stream.indirect.scatter.add.f32 @p0 [tilespmem:s31], [sflag:$0xC], $0x80, s0, s14, $0xb8;
	[tilespmem:$0x1FBC0] =	vst v63  }
0xd3: {  	_ = 	snop  }
0xd4: {  	[spmem:s4] =	stream.indirect.scatter.add.f32 @p0 [tilespmem:s15], [sflag:$0x10], $0x10, s0, s14, $0xb8;
	[tilespmem:$0x1FBC0] =	vst v63  }
0xd5: {  	s0 =	simm.s32 @!p0 $0x2C30  }
0xd6: {  	[tilespmem:s0], [sflag:$0x7] =	stream.linear.gather @!p0 [hbm4b:s20+s24], $0x38, $0x38;
	[tilespmem:$0x1FBC0] =	vst v63  }
0xd7: {  	s0 =	simm.s32 @!p0 $0x4  }
0xd8: {  	_ =	swait.ge @!p0 [sflag:s0], $0x1900  }
0xd9: {  	[sflag:s0] =	ssyncset.done @!p0 $0x0  }
0xda: {  	[sflag:s0] =	ssyncadd.s32 @!p0 $0xFFFFE700;
	s0 =	sadd.s32 @!p0 $0xA8, s9;
	s9 =	simm.s32 @!p0 $0x77A0  }
0xdb: {  	[spmem:s5] =	stream.indirect.scatter.add.f32 @!p0 [tilespmem:s9], [sflag:$0xC], $0x80, s0, s6, $0xb8;
	[tilespmem:$0x1FBC0] =	vst v63  }
0xdc: {  	_ = 	snop  }
0xdd: {  	[spmem:s4] =	stream.indirect.scatter.add.f32 @!p0 [tilespmem:s16], [sflag:$0x10], $0x10, s0, s6, $0xb8;
	[tilespmem:$0x1FBC0] =	vst v63  }
0xde: {  	s0 =	simm.s32 @!p0 $0x2C68  }
0xdf: {  	[tilespmem:s0], [sflag:$0x8] =	stream.linear.gather @!p0 [hbm4b:s13+s24], $0x38, $0x38;
	[tilespmem:$0x1FBC0] =	vst v63  }
0xe0: {  	_ =	swait.ge [sflag:s26], $0x1900  }
0xe1: {  	[sflag:s26] =	ssyncset.done $0x0  }
0xe2: {  	[sflag:s26] =	ssyncadd.s32 $0xFFFFE700  }
0xe3: {  	_ =	swait.ge [sflag:s28], $0x320  }
0xe4: {  	[sflag:s28] =	ssyncset.done $0x0  }
0xe5: {  	s0 =	simm.s32 @p0 $0xA;
	[sflag:s28] =	ssyncadd.s32 $0xFFFFFCE0  }
0xe6: {  	_ =	swait.ge @p0 [sflag:s0], $0x1900  }
0xe7: {  	[sflag:s0] =	ssyncset.done @p0 $0x0  }
0xe8: {  	[sflag:s0] =	ssyncadd.s32 @p0 $0xFFFFE700;
	s0 =	simm.s32 @p0 $0xE  }
0xe9: {  	_ =	swait.ge @p0 [sflag:s0], $0x320  }
0xea: {  	[sflag:s0] =	ssyncset.done @p0 $0x0  }
0xeb: {  	[sflag:s0] =	ssyncadd.s32 @p0 $0xFFFFFCE0;
	s0 =	simm.s32 @!p0 $0x5  }
0xec: {  	_ =	swait.ge @!p0 [sflag:s0], $0x38  }
0xed: {  	[sflag:s0] =	ssyncset.done @!p0 $0x0  }
0xee: {  	[sflag:s0] =	ssyncadd.s32 @!p0 $0xFFFFFFC8;
	s0 =	simm.s32 @!p0 $0x2CA0  }
0xef: {  	[tilespmem:s0], [sflag:$0x1] =	stream.indirect.gather @!p0 [hbm4b:s1+s6], $0x80, s17, s6, $0xb8;
	[tilespmem:$0x1FBC0] =	vst v63  }
0xf0: {  	s0 =	simm.s32 @!p0 $0xA  }
0xf1: {  	_ =	swait.ge @!p0 [sflag:s0], $0x1900  }
0xf2: {  	[sflag:s0] =	ssyncset.done @!p0 $0x0  }
0xf3: {  	[sflag:s0] =	ssyncadd.s32 @!p0 $0xFFFFE700;
	s0 =	simm.s32 @!p0 $0xE  }
0xf4: {  	_ =	swait.ge @!p0 [sflag:s0], $0x320  }
0xf5: {  	[sflag:s0] =	ssyncset.done @!p0 $0x0  }
0xf6: {  	[sflag:s0] =	ssyncadd.s32 @!p0 $0xFFFFFCE0;
	s0 =	simm.s32 @!p0 $0x6  }
0xf7: {  	_ =	swait.ge @!p0 [sflag:s0], $0x38  }
0xf8: {  	[sflag:s0] =	ssyncset.done @!p0 $0x0  }
0xf9: {  	[sflag:s0] =	ssyncadd.s32 @!p0 $0xFFFFFFC8  }
0xfa: {  	[tilespmem:s8], [sflag:$0x2] =	stream.indirect.gather @!p0 [hbm4b:s1+s6], $0x80, s7, s6, $0xb8;
	[tilespmem:$0x1FBC0] =	vst v63  }
0xfb: {  	_ =	swait.ge [sflag:s29], $0x1900  }
.Ltmp3:
0xfc: {  	[sflag:s29] =	ssyncset.done $0x0;
	(pc) =	sbr.rel @p0 .LBB2_6-.Ltmp3, $4  }
0xfd: {  	[sflag:s29] =	ssyncadd.s32 $0xFFFFE700  }
0xfe: {  	_ =	swait.ge [sflag:s11], $0x320  }
0xff: {  	[sflag:s11] =	ssyncset.done $0x0  }
0x100: {  	s22 =	simm.s32 $0x90A0;
	[sflag:s11] =	ssyncadd.s32 $0xFFFFFCE0  }
0x101: {  	s0 =	simm.s32 $0x7  }
0x102: {  	_ =	swait.ge [sflag:s0], $0x38  }
0x103: {  	[sflag:s0] =	ssyncset.done $0x0  }
0x104: {  	s22 =	simm.s32 $0x2C30;
	[sflag:s0] =	ssyncadd.s32 $0xFFFFFFC8  }
0x105: {  	[tilespmem:s23], [sflag:$0x3] =	stream.indirect.gather [hbm4b:s1+s19], $0x80, s22, s19, $0xb8;
	[tilespmem:$0x1FBC0] =	vst v63  }
0x106: {  	_ =	swait.ge [sflag:s12], $0x1900  }
0x107: {  	[sflag:s12] =	ssyncset.done $0x0  }
0x108: {  	[sflag:s12] =	ssyncadd.s32 $0xFFFFE700  }
0x109: {  	_ =	swait.ge [sflag:s30], $0x320  }
0x10a: {  	s24 =	simm.s32 $0x8;
	s31 =	simm.s32 $0x2C68;
	[sflag:s30] =	ssyncset.done $0x0  }
.Ltmp4:
0x10b: {  	s6 =	simm.s32 $0x77A0;
	[sflag:s30] =	ssyncadd.s32 $0xFFFFFCE0;
	(pc) =	sbr.rel .LBB2_4-.Ltmp4, $4  }
0x10c: {  	s13 =	sadd.s32 $0x1C, s13;
	s20 =	sadd.s32 $0x1C, s20;
	_ =	swait.ge [sflag:s24], $0x38  }
0x10d: {  	s18 =	sadd.s32 $0x1C, s18;
	s3 =	sadd.s32 $0xE0, s3;
	[sflag:s24] =	ssyncset.done $0x0  }
0x10e: {  	s2 =	sadd.s32 $0x380, s2;
	s22 =	simm.s32 $0x5EA0;
	[sflag:s24] =	ssyncadd.s32 $0xFFFFFFC8  }
0x10f: {  	[tilespmem:s6], [sflag:$0x4] =	stream.indirect.gather [hbm4b:s1+s19], $0x80, s31, s19, $0xb8;
	[tilespmem:$0x1FBC0] =	vst v63  }
.LBB2_7:
0x110: {  	_ =	sfence.sel $0x180000  }
0x111: {  	[bflag:$0x0] =	sbarrier.arrive $0xFFFF  }
0x112: {  	_ =	strace $0x90000047  }
0x113: {  	s0 =	stileid.u32;
	[bflag:$0x2] =	sbarrier.arrive $0xFFFF  }
0x114: {  	p0 =	sne.s32 s0, $0x0;
	s0 =	rddreg [dreg:$0x5]  }
0x115: {  	s0 =	sadd.s32 @!p0 $0x100000, s0  }
0x116: {  	[sflag:s0] =	ssyncadd.tile.s32 @!p0 $0x1;
	_ =	shalt  }
.Lfunc_end2:
_tile_overlayer_lowered:
.L_overlay_start_2:
0x117: {  	(tag) =	ssettag $0x2  }
0x118: {  	s0 =	rddreg [dreg:$0x0];
	s2 =	stileid.u32  }
0x119: {  	s1 =	rddreg [dreg:$0x1];
	p0 =	sne.s32 s2, $0x0  }
0x11a: {  	s3 =	rddreg [dreg:$0x2];
	[bflag:$0x3] =	sbarrier.arrive $0xFFFF;
	s2 =	simm.s32 @!p0 $0x1C11  }
0x11b: {  	[timem:s3], [sflag:s2] =	dma.local @!p0 [hbm:s0], s1  }
0x11c: {  	s0 =	simm.s32 @!p0 $0x11  }
0x11d: {  	_ =	swait.ge @!p0 [sflag:s0], s1  }
0x11e: {  	s1 =	ssub.s32 @!p0 $0x0, s1;
	[sflag:s0] =	ssyncset.done @!p0 $0x0  }
0x11f: {  	[sflag:s0] =	ssyncadd.s32 @!p0 s1  }
0x120: {  	[bflag:$0x3] =	sbarrier.arrive $0xFFFF  }
0x121: {  	_ =	shalt  }

// kernel: kernel.9.cloned.1.call-start
scs
__scs_entry_jumppad:
0x0: {  	(pc) =	sbr.rel $0x88, $3  }
0x1: {  	(tag) =	ssettag $0x0;
	lr =	simm.s32 $0x1  }
0x2: {  	[smem:$0x3F99] =	sst lr;
	_ =	strace $0xD0000000  }
0x3: {  	_ = 	snop  }
0x4: {  	_ = 	snop  }
0x5: {  	_ = 	snop  }
0x6: {  	_ = 	snop  }
0x7: {  	_ = 	snop  }
__scs_overlays_trampoline_lowered:
0x8: {  	[smem:$0x3FA8] =	sst s0  }
0x9: {  	[smem:$0x3FA9] =	sst s1  }
0xa: {  	[smem:$0x3FAA] =	sst s2  }
0xb: {  	[smem:$0x3FAB] =	sst s3  }
0xc: {  	[smem:$0x3FAC] =	sst s4  }
0xd: {  	[smem:$0x3FAD] =	sst s5  }
0xe: {  	[smem:$0x3FAE] =	sst s6  }
0xf: {  	[smem:$0x3FAF] =	sst s7  }
0x10: {  	[smem:$0x3FB0] =	sst s8  }
0x11: {  	[smem:$0x3FB1] =	sst s9;
	s0 =	simm.s32 @!p0 $0x0  }
0x12: {  	s1 =	sld [smem:$0x3F97];
	s0 =	simm.s32 @p0 $0x1  }
0x13: {  	[smem:$0x3FB2] =	sst s0;
	s0 =	simm.s32 @!p1 $0x0  }
0x14: {  	s2 =	sld [smem:$0x3F96];
	s0 =	simm.s32 @p1 $0x1  }
0x15: {  	[smem:$0x3FB3] =	sst s0;
	s0 =	simm.s32 @!p2 $0x0  }
0x16: {  	s3 =	sld [smem:$0x3FDB];
	s0 =	simm.s32 @p2 $0x1  }
0x17: {  	s4 =	simm.s32 $0x1BF5;
	[smem:$0x3FB5] =	sst s0  }
0x18: {  	s0 =	sld [smem:$0x3F98];
	_ =	swait.ge [sflag:s4], $0x0  }
0x19: {  	s7 =	sld [smem:$0x3F99]  }
0x1a: {  	s8 =	sadd.s32 $0xFFFFE003, lr  }
0x1b: {  	s9 =	sadd.s32 $0xFFFFFEF7, lr;
	s5 =	simm.s32 $0xFFFFFFFF;
	p2 =	slt.u32 s8, $0xFFFFF086  }
0x1c: {  	p1 =	slt.u32 s9, $0xF7A;
	s5 =	simm.s32 @!p2 $0x0  }
0x1d: {  	s5 =	simm.s32 @p1 $0x1;
	p0 =	seq.s32 s7, s2  }
0x1e: {  	s7 =	smul.u32 @!p0 $0xF7A, s2;
	p2 =	seq.s32 @!p0 s5, $0x0  }
0x1f: {  	s9 =	smul.u32 $0xF7A, s1;
	s8 =	simm.s32 @!p0 $0x1BF5;
	p2 =	por !p2, p0  }
0x20: {  	[sflag:s8] =	ssyncset.s32 @!p0 $0xFFFFF086;
	s6 =	sadd.s32 @!p0 s3, s7;
	s7 =	simm.s32 @!p0 $0x108  }
0x21: {  	s3 =	sadd.s32 s3, s9;
	s6 =	sadd.s32 @!p0 $0x88, s6;
	s7 =	simm.s32 @p2 $0x1082  }
0x22: {  	[simem:s7], [sflag:s8] =	dma.local @!p0 [hbm:s6], $0xF7A  }
0x23: {  	s9 =	sor.u32 $0xD0000000, s2;
	s6 =	simm.s32 $0x108;
	_ =	swait.ge @!p0 [sflag:s8], $0x0  }
0x24: {  	s3 =	sadd.s32 $0x88, s3;
	s6 =	simm.s32 @!p1 $0x1082;
	[sflag:s4] =	ssyncset.s32 $0xFFFFF086  }
0x25: {  	[simem:s6], [sflag:s4] =	dma.local [hbm:s3], $0xF7A  }
0x26: {  	[smem:$0x3F99] =	sst s1;
	(tag) =	ssettag s2;
	_ =	strace s9  }
0x27: {  	s1 =	sld [smem:$0x3FA9]  }
0x28: {  	s2 =	sld [smem:$0x3FAA]  }
0x29: {  	s4 =	sld [smem:$0x3FAC]  }
0x2a: {  	p0 =	seq.s32 s5, $0x0;
	s5 =	sld [smem:$0x3FAD]  }
0x2b: {  	s6 =	sld [smem:$0x3FAE]  }
0x2c: {  	s7 =	sld [smem:$0x3FAF]  }
0x2d: {  	s3 =	simm.s32 $0x108;
	s8 =	sld [smem:$0x3FB0]  }
0x2e: {  	s3 =	simm.s32 @!p0 $0x1082;
	s9 =	sld [smem:$0x3FB1]  }
0x2f: {  	lr =	sadd.s32 s0, s3;
	s0 =	sld [smem:$0x3FA8]  }
0x30: {  	s3 =	sld [smem:$0x3FAB]  }
0x31: {  	[smem:$0x3FB4] =	sst s10  }
0x32: {  	s10 =	sld [smem:$0x3FB2];
	_ =	sdelay $0x3  }
0x33: {  	p0 =	seq.s32 s10, $0x1;
	s10 =	sld [smem:$0x3FB4];
	_ =	sdelay $0x3  }
0x34: {  	[smem:$0x3FB4] =	sst s10  }
0x35: {  	s10 =	sld [smem:$0x3FB3];
	_ =	sdelay $0x3  }
0x36: {  	p1 =	seq.s32 s10, $0x1;
	s10 =	sld [smem:$0x3FB4];
	_ =	sdelay $0x3  }
0x37: {  	[smem:$0x3FB4] =	sst s10  }
0x38: {  	s10 =	sld [smem:$0x3FB5]  }
0x39: {  	_ = 	snop;
	(pc) =	sbr.ind lr, $3  }
0x3a: {  	_ = 	snop  }
0x3b: {  	_ = 	snop  }
0x3c: {  	p2 =	seq.s32 s10, $0x1;
	s10 =	sld [smem:$0x3FB4]  }
0x3d: {  	_ =	shalt  }
0x3e: {  	_ =	shalt  }
0x3f: {  	_ =	shalt  }
0x40: {  	_ =	shalt  }
0x41: {  	_ =	shalt  }
0x42: {  	_ =	shalt  }
0x43: {  	_ =	shalt  }
0x44: {  	_ =	shalt  }
0x45: {  	_ =	shalt  }
0x46: {  	_ =	shalt  }
0x47: {  	_ =	shalt  }
0x48: {  	_ =	shalt  }
0x49: {  	_ =	shalt  }
0x4a: {  	_ =	shalt  }
0x4b: {  	_ =	shalt  }
0x4c: {  	_ =	shalt  }
0x4d: {  	_ =	shalt  }
0x4e: {  	_ =	shalt  }
0x4f: {  	_ =	shalt  }
0x50: {  	_ =	shalt  }
0x51: {  	_ =	shalt  }
0x52: {  	_ =	shalt  }
0x53: {  	_ =	shalt  }
0x54: {  	_ =	shalt  }
0x55: {  	_ =	shalt  }
0x56: {  	_ =	shalt  }
0x57: {  	_ =	shalt  }
0x58: {  	_ =	shalt  }
0x59: {  	_ =	shalt  }
0x5a: {  	_ =	shalt  }
0x5b: {  	_ =	shalt  }
0x5c: {  	_ =	shalt  }
0x5d: {  	_ =	shalt  }
0x5e: {  	_ =	shalt  }
0x5f: {  	_ =	shalt  }
0x60: {  	_ =	shalt  }
0x61: {  	_ =	shalt  }
0x62: {  	_ =	shalt  }
0x63: {  	_ =	shalt  }
0x64: {  	_ =	shalt  }
0x65: {  	_ =	shalt  }
0x66: {  	_ =	shalt  }
0x67: {  	_ =	shalt  }
0x68: {  	_ =	shalt  }
0x69: {  	_ =	shalt  }
0x6a: {  	_ =	shalt  }
0x6b: {  	_ =	shalt  }
0x6c: {  	_ =	shalt  }
0x6d: {  	_ =	shalt  }
0x6e: {  	_ =	shalt  }
0x6f: {  	_ =	shalt  }
0x70: {  	_ =	shalt  }
0x71: {  	_ =	shalt  }
0x72: {  	_ =	shalt  }
0x73: {  	_ =	shalt  }
0x74: {  	_ =	shalt  }
0x75: {  	_ =	shalt  }
0x76: {  	_ =	shalt  }
0x77: {  	_ =	shalt  }
0x78: {  	_ =	shalt  }
0x79: {  	_ =	shalt  }
0x7a: {  	_ =	shalt  }
0x7b: {  	_ =	shalt  }
0x7c: {  	_ =	shalt  }
0x7d: {  	_ =	shalt  }
0x7e: {  	_ =	shalt  }
0x7f: {  	_ =	shalt  }
0x80: {  	_ =	shalt  }
0x81: {  	_ =	shalt  }
0x82: {  	_ =	shalt  }
0x83: {  	_ =	shalt  }
0x84: {  	_ =	shalt  }
0x85: {  	_ =	shalt  }
0x86: {  	_ =	shalt  }
0x87: {  	_ =	shalt  }
.Lfunc_end0:
.L_simem_size_0:
called_computation.1_lowered:
.L_overlay_start_0:
0x88: {  	s2 =	sld [smem:$0x3FD9]  }
0x89: {  	s3 =	sld [smem:$0x3FFE];
	_ =	sdelay $0x1  }
0x8a: {  	s1 =	srdreg.scid  }
0x8b: {  	s0 =	sand.u32 $0x1, s1  }
0x8c: {  	s17 =	sshll.u32 s0, $0xA;
	s2 =	sadd.s32 s3, s2  }
0x8d: {  	s2 =	sadd.s32 s2, s17  }
0x8e: {  	[smem:$0x3FC0] =	sst s2  }
0x8f: {  	_ = 	snop  }
0x90: {  	s2 =	sld [smem:$0x3FD0];
	(tm) =	ssettm $0x1  }
0x91: {  	s18 =	sld [smem:$0x3FFB];
	_ =	sdelay $0x3  }
0x92: {  	_ =	strace s18  }
0x93: {  	s3 =	sld [smem:$0x3FFC];
	_ =	sdelay $0x3  }
0x94: {  	_ =	strace s3  }
0x95: {  	s3 =	sld [smem:$0x3FFD];
	_ =	sdelay $0x3  }
0x96: {  	_ =	strace s3  }
0x97: {  	_ =	strace $0x8FFFFFFF  }
0x98: {  	s19 =	sld [smem:$0x3FDB];
	_ =	sdelay $0x1  }
0x99: {  	s4 =	simm.s32 $_scs_section_size  }
0x9a: {  	s5 =	simm.s32 $_size__tile_overlayer_lowered;
	s6 =	simm.s32 $_tile_overlayer_lowered  }
0x9b: {  	s22 =	simm.s32 $0x1BFF;
	s21 =	sshll.u32 s6, $0x1;
	s3 =	sadd.s32 s4, s19  }
0x9c: {  	s7 =	simm.s32 $0x0;
	s20 =	sshll.u32 s5, $0x1;
	s5 =	sadd.s32 s21, s3  }
0x9d: {  	[timem:s7], [sflag:s22] =	dma.local [hbm:s5], s20  }
0x9e: {  	_ =	swait.ge [sflag:s22], s20  }
0x9f: {  	s4 =	ssub.s32 $0x0, s20;
	[sflag:s22] =	ssyncset.done $0x0  }
0xa0: {  	[sflag:s22] =	ssyncadd.s32 s4;
	_ =	sdelay $0x1  }
0xa1: {  	s23 =	simm.s32 $0x1B8B  }
0xa2: {  	_ =	swait.ge [sflag:s23], $0x1  }
0xa3: {  	[sflag:s23] =	ssyncset.done $0x0  }
0xa4: {  	s25 =	simm.s32 $0x1B8E;
	s24 =	sld [smem:$0x3FFE];
	[sflag:s23] =	ssyncadd.s32 $0xFFFFFFFF  }
0xa5: {  	s26 =	simm.s32 $execute0_lowered;
	[smem:$0x3FD2] =	sst s25  }
0xa6: {  	s5 =	sshll.u32 s26, $0x1;
	_ =	strace $0x80000049;
	[dreg:$0x1] =	wrdreg $0xFFFFFFFF  }
0xa7: {  	s28 =	simm.s32 $_size_execute0_lowered;
	s3 =	sadd.s32 s3, s5;
	[dreg:$0x0] =	wrdreg $0x0  }
0xa8: {  	s5 =	sshll.u32 s28, $0x1;
	[dreg:$0x2] =	wrdreg s3  }
0xa9: {  	[dreg:$0x3] =	wrdreg s5  }
0xaa: {  	[dreg:$0x4] =	wrdreg $0xC0  }
0xab: {  	_ =	task [dreg:s7], $0x5FFFF  }
0xac: {  	[dreg:$0x1] =	wrdreg $0xFFFFFFFF  }
0xad: {  	[dreg:$0x0] =	wrdreg $0x60  }
0xae: {  	[dreg:$0x2] =	wrdreg s2  }
0xaf: {  	[dreg:$0x3] =	wrdreg s24  }
0xb0: {  	[dreg:$0x4] =	wrdreg $0x6F400  }
0xb1: {  	[dreg:$0x5] =	wrdreg $0x9  }
0xb2: {  	_ =	task.clear_ibuf [dreg:s7], $0x6FFFF;
	_ =	strace $0x90000049  }
0xb3: {  	s29 =	simm.s32 $0x9;
	_ =	strace $0x8000004B  }
0xb4: {  	_ =	swait.ge [sflag:s29], $0x1  }
0xb5: {  	[sflag:s29] =	ssyncadd.s32 $0xFFFFFFFF  }
0xb6: {  	_ =	strace $0x9000004B  }
0xb7: {  	_ =	sfence  }
0xb8: {  	s30 =	sld [smem:$0x0];
	_ =	sdelay $0x2  }
0xb9: {  	s31 =	sshll.u32 s1, $0xD;
	s1 =	sshrl.u32 s1, $0x2  }
0xba: {  	s3 =	sand.u32 $0x4000, s31;
	s1 =	sadd.s32 s1, s30  }
0xbb: {  	s0 =	sor.u32 s3, s0;
	s1 =	sshll.u32 s1, $0x11  }
0xbc: {  	s0 =	sor.u32 s1, s0  }
0xbd: {  	s0 =	sadd.s32 $0x8F2B, s0  }
0xbe: {  	[sflag:s0] =	ssyncadd.remote.s32 $0x1  }
0xbf: {  	_ =	sfence.sel $0xFFFF  }
0xc0: {  	[dreg:$0x0] =	wrdreg $0xFFFFFFFF;
	(pc) =	sbr.abs _section_cstart, $3  }
0xc1: {  	[dreg:$0x1] =	wrdreg $0xFFFFFFFF  }
0xc2: {  	_ =	task.clear_ibuf [dreg:s7], $0x2FFFF;
	_ =	strace $0x9FFFFFFF  }
0xc3: {  	(tm) =	ssettm $0x7FFFFFFF  }
tec
execute0_lowered:
.L_overlay_start_1:
0x0: {  	(tag) =	ssettag $0x1  }
0x1: {  	s2 =	rddreg [dreg:$0x0]  }
0x2: {  	s0 =	rddreg [dreg:$0x1]  }
0x3: {  	s3 =	rddreg [dreg:$0x2];
	s1 =	srdreg.scid  }
0x4: {  	s8 =	stileid.u32;
	s4 =	simm.s32 $0x0;
	s15 =	simm.s32 $0x9  }
0x5: {  	s17 =	simm.s32 $0x5000;
	s18 =	simm.s32 $0x7D;
	s20 =	simm.s32 $0x57D0  }
0x6: {  	s22 =	simm.s32 $0x5FA0;
	s24 =	simm.s32 $0x6770;
	s25 =	simm.s32 $0x1  }
0x7: {  	s28 =	simm.s32 $0x3;
	s29 =	simm.s32 $0x4;
	s30 =	simm.s32 $0x5  }
0x8: {  	s31 =	simm.s32 $0x6;
	s16 =	simm.s32 $0x0;
	s1 =	sand.u32 $0x1, s1  }
0x9: {  	s7 =	smul.u32 $0x2800, s8;
	[smem:$0x7FF] =	sst s4;
	s5 =	sshll.u32 s1, $0x4  }
0xa: {  	s6 =	smul.u32 $0x28000, s1;
	_ =	strace $0x8000004A;
	s1 =	ssub.s32 $0x2, s1  }
0xb: {  	s5 =	sor.u32 s8, s5;
	s8 =	smul.u32 $0xA000, s8;
	s26 =	sshrl.u32 s1, $0x1  }
0xc: {  	s5 =	smul.u32 $0x500, s5;
	s6 =	sadd.s32 s7, s6;
	s1 =	ssub.s32 s1, s26  }
0xd: {  	s7 =	sadd.s32 s7, s3;
	s26 =	simm.s32 $0x2;
	s6 =	sshrl.u32 s6, $0x3  }
0xe: {  	s8 =	sshrl.u32 s8, $0x2;
	s14 =	smax.u32 s1, $0x1;
	s1 =	simm.s32 $0x8  }
0xf: {  	s9 =	sadd.s32 s5, s0;
	s0 =	sadd.s32 s6, s0;
	s12 =	sadd.s32 s8, s3  }
0x10: {  	s5 =	sadd.s32 $0x7BC00, s9;
	s6 =	sadd.s32 $0x71C00, s9;
	s8 =	sadd.s32 $0x7D0, s12  }
0x11: {  	s9 =	sadd.s32 $0xFA0, s12;
	s10 =	sadd.s32 $0x1770, s12;
	s11 =	sadd.s32 $0x1F40, s12  }
0x12: {  	v0 =	vimm.f32 $0.0e+00;
	s12 =	sadd.s32 $0x2710, s12;
	s13 =	sadd.s32 $0x1A00, s0;
	s0 =	simm.s32 $0x7  }
.LBB2_1:
0x13: {  	[tilespmem:s4], [sflag:$0x9] =	stream.linear.gather [hbm4b:s5+s4], $0x2800, $0x38;
	[tilespmem:$0x9740] =	vst v63  }
0x14: {  	_ =	swait.ge [sflag:s15], $0x2800  }
0x15: {  	[sflag:s15] =	ssyncset.done $0x0  }
0x16: {  	s19 =	simm.s32 $0x2800;
	[sflag:s15] =	ssyncadd.s32 $0xFFFFD800  }
0x17: {  	[tilespmem:s19], [sflag:$0x9] =	stream.linear.gather [hbm4b:s6+s4], $0x2800, $0x38;
	[tilespmem:$0x9740] =	vst v63  }
0x18: {  	_ =	swait.ge [sflag:s15], $0x2800  }
0x19: {  	[sflag:s15] =	ssyncset.done $0x0  }
0x1a: {  	s21 =	simm.s32 $0x0;
	s19 =	simm.s32 $0x40;
	[sflag:s15] =	ssyncadd.s32 $0xFFFFD800  }
.LBB2_2:
0x1b: {  	p0 =	sne.s32 s19, $0x1F00;
	[tilespmem:s21+$0x5000] =	vst v0;
	s21 =	smov.u32 s19;
	s19 =	sadd.s32 $0x40, s19  }
.Ltmp0:
0x1c: {  	(pc) =	sbr.rel @p0 .LBB2_2-.Ltmp0, $2  }
0x1d: {  	_ =	sdelay $0x2  }
0x1e: {  	s21 =	sshra.s32 s21, $0x2  }
0x1f: {  	[tilespmem:s21+$0x5000] =	vst v0  }
0x20: {  	[spmem:s7] =	stream.linear.scatter [tilespmem:s17], [sflag:$0x9], $0x7D0, $0x38;
	[tilespmem:$0x9740] =	vst v63  }
0x21: {  	_ =	swait.ge [sflag:s15], $0x7D0  }
0x22: {  	[sflag:s15] =	ssyncset.done $0x0  }
0x23: {  	[sflag:s15] =	ssyncadd.s32 $0xFFFFF830  }
0x24: {  	[spmem:s8] =	stream.linear.scatter [tilespmem:s17], [sflag:$0x9], $0x7D0, $0x38;
	[tilespmem:$0x9740] =	vst v63  }
0x25: {  	_ =	swait.ge [sflag:s15], $0x7D0  }
0x26: {  	[sflag:s15] =	ssyncset.done $0x0  }
0x27: {  	[sflag:s15] =	ssyncadd.s32 $0xFFFFF830  }
0x28: {  	[spmem:s9] =	stream.linear.scatter [tilespmem:s17], [sflag:$0x9], $0x7D0, $0x38;
	[tilespmem:$0x9740] =	vst v63  }
0x29: {  	_ =	swait.ge [sflag:s15], $0x7D0  }
0x2a: {  	[sflag:s15] =	ssyncset.done $0x0  }
0x2b: {  	[sflag:s15] =	ssyncadd.s32 $0xFFFFF830  }
0x2c: {  	[spmem:s10] =	stream.linear.scatter [tilespmem:s17], [sflag:$0x9], $0x7D0, $0x38;
	[tilespmem:$0x9740] =	vst v63  }
0x2d: {  	_ =	swait.ge [sflag:s15], $0x7D0  }
0x2e: {  	[sflag:s15] =	ssyncset.done $0x0  }
0x2f: {  	[sflag:s15] =	ssyncadd.s32 $0xFFFFF830  }
0x30: {  	[spmem:s11] =	stream.linear.scatter [tilespmem:s17], [sflag:$0x9], $0x7D0, $0x38;
	[tilespmem:$0x9740] =	vst v63  }
0x31: {  	_ =	swait.ge [sflag:s15], $0x7D0  }
0x32: {  	[sflag:s15] =	ssyncset.done $0x0  }
0x33: {  	[sflag:s15] =	ssyncadd.s32 $0xFFFFF830  }
0x34: {  	[spmem:s12] =	stream.linear.scatter [tilespmem:s17], [sflag:$0x9], $0xF0, $0x38;
	[tilespmem:$0x9740] =	vst v63  }
0x35: {  	_ =	swait.ge [sflag:s15], $0xF0  }
0x36: {  	[sflag:s15] =	ssyncset.done $0x0  }
0x37: {  	[sflag:s15] =	ssyncadd.s32 $0xFFFFFF10  }
0x38: {  	s19 =	simm.s32 $0x0;
	[bflag:$0x0] =	sbarrier.arrive $0xFFFF  }
0x39: {  	[tilespmem:s17], [sflag:$0x1] =	stream.indirect.gather [hbm4b:s2+s18], $0x10, s19, s18, $0xb8;
	[tilespmem:$0x9740] =	vst v63  }
0x3a: {  	s21 =	simm.s32 $0x80  }
0x3b: {  	[tilespmem:s20], [sflag:$0x2] =	stream.indirect.gather [hbm4b:s2+s18], $0x10, s21, s18, $0xb8;
	[tilespmem:$0x9740] =	vst v63  }
0x3c: {  	s23 =	simm.s32 $0x100  }
0x3d: {  	[tilespmem:s22], [sflag:$0x3] =	stream.indirect.gather [hbm4b:s2+s18], $0x10, s23, s18, $0xb8;
	[tilespmem:$0x9740] =	vst v63  }
0x3e: {  	s21 =	simm.s32 $0x180  }
0x3f: {  	[tilespmem:s24], [sflag:$0x4] =	stream.indirect.gather [hbm4b:s2+s18], $0x10, s21, s18, $0xb8;
	[tilespmem:$0x9740] =	vst v63  }
0x40: {  	_ =	swait.ge [sflag:s25], $0x7D0  }
0x41: {  	[sflag:s25] =	ssyncset.done $0x0  }
0x42: {  	s23 =	simm.s32 $0x2800;
	[sflag:s25] =	ssyncadd.s32 $0xFFFFF830  }
0x43: {  	[spmem:s3] =	stream.indirect.scatter.add.f32 [tilespmem:s17], [sflag:$0x5], $0x10, s23, s18, $0xb8;
	[tilespmem:$0x9740] =	vst v63  }
0x44: {  	_ =	swait.ge [sflag:s26], $0x7D0  }
0x45: {  	[sflag:s26] =	ssyncset.done $0x0  }
0x46: {  	s21 =	simm.s32 $0x2880;
	[sflag:s26] =	ssyncadd.s32 $0xFFFFF830  }
0x47: {  	[spmem:s3] =	stream.indirect.scatter.add.f32 [tilespmem:s20], [sflag:$0x6], $0x10, s21, s18, $0xb8;
	[tilespmem:$0x9740] =	vst v63  }
0x48: {  	_ =	swait.ge [sflag:s28], $0x7D0  }
0x49: {  	[sflag:s28] =	ssyncset.done $0x0  }
0x4a: {  	s23 =	simm.s32 $0x2900;
	[sflag:s28] =	ssyncadd.s32 $0xFFFFF830  }
0x4b: {  	[spmem:s3] =	stream.indirect.scatter.add.f32 [tilespmem:s22], [sflag:$0x7], $0x10, s23, s18, $0xb8;
	[tilespmem:$0x9740] =	vst v63  }
0x4c: {  	_ =	swait.ge [sflag:s29], $0x7D0  }
0x4d: {  	[sflag:s29] =	ssyncset.done $0x0  }
0x4e: {  	s21 =	simm.s32 $0x2980;
	[sflag:s29] =	ssyncadd.s32 $0xFFFFF830  }
0x4f: {  	[spmem:s3] =	stream.indirect.scatter.add.f32 [tilespmem:s24], [sflag:$0x8], $0x10, s21, s18, $0xb8;
	[tilespmem:$0x9740] =	vst v63  }
0x50: {  	_ =	swait.ge [sflag:s30], $0x7D0  }
0x51: {  	[sflag:s30] =	ssyncset.done $0x0  }
0x52: {  	s23 =	simm.s32 $0x200;
	[sflag:s30] =	ssyncadd.s32 $0xFFFFF830  }
0x53: {  	[tilespmem:s17], [sflag:$0x1] =	stream.indirect.gather [hbm4b:s2+s18], $0x10, s23, s18, $0xb8;
	[tilespmem:$0x9740] =	vst v63  }
0x54: {  	_ =	swait.ge [sflag:s31], $0x7D0  }
0x55: {  	[sflag:s31] =	ssyncset.done $0x0  }
0x56: {  	s21 =	simm.s32 $0x280;
	[sflag:s31] =	ssyncadd.s32 $0xFFFFF830  }
0x57: {  	[tilespmem:s20], [sflag:$0x2] =	stream.indirect.gather [hbm4b:s2+s18], $0x10, s21, s18, $0xb8;
	[tilespmem:$0x9740] =	vst v63  }
0x58: {  	_ =	swait.ge [sflag:s0], $0x7D0  }
0x59: {  	[sflag:s0] =	ssyncset.done $0x0  }
0x5a: {  	s23 =	simm.s32 $0x300;
	[sflag:s0] =	ssyncadd.s32 $0xFFFFF830  }
0x5b: {  	[tilespmem:s22], [sflag:$0x3] =	stream.indirect.gather [hbm4b:s2+s18], $0x10, s23, s18, $0xb8;
	[tilespmem:$0x9740] =	vst v63  }
0x5c: {  	_ =	swait.ge [sflag:s1], $0x7D0  }
0x5d: {  	[sflag:s1] =	ssyncset.done $0x0  }
0x5e: {  	s19 =	simm.s32 $0x800;
	s21 =	simm.s32 $0x380;
	[sflag:s1] =	ssyncadd.s32 $0xFFFFF830  }
.LBB2_4:
0x5f: {  	[tilespmem:s24], [sflag:$0x4] =	stream.indirect.gather [hbm4b:s2+s18], $0x10, s21, s18, $0xb8;
	[tilespmem:$0x9740] =	vst v63  }
0x60: {  	s21 =	smov.u32 s19  }
0x61: {  	p0 =	sne.s32 s19, $0x9000;
	s19 =	sadd.s32 $0x800, s19;
	_ =	swait.ge [sflag:s25], $0x7D0  }
0x62: {  	s21 =	sshra.s32 s21, $0x2;
	[sflag:s25] =	ssyncset.done $0x0  }
0x63: {  	s23 =	sadd.s32 $0x2800, s21;
	[sflag:s25] =	ssyncadd.s32 $0xFFFFF830  }
0x64: {  	[spmem:s3] =	stream.indirect.scatter.add.f32 [tilespmem:s17], [sflag:$0x5], $0x10, s23, s18, $0xb8;
	[tilespmem:$0x9740] =	vst v63  }
0x65: {  	_ =	swait.ge [sflag:s26], $0x7D0  }
0x66: {  	[sflag:s26] =	ssyncset.done $0x0  }
0x67: {  	s23 =	sadd.s32 $0x2880, s21;
	[sflag:s26] =	ssyncadd.s32 $0xFFFFF830  }
0x68: {  	[spmem:s3] =	stream.indirect.scatter.add.f32 [tilespmem:s20], [sflag:$0x6], $0x10, s23, s18, $0xb8;
	[tilespmem:$0x9740] =	vst v63  }
0x69: {  	_ =	swait.ge [sflag:s28], $0x7D0  }
0x6a: {  	[sflag:s28] =	ssyncset.done $0x0  }
0x6b: {  	s23 =	sadd.s32 $0x2900, s21;
	[sflag:s28] =	ssyncadd.s32 $0xFFFFF830  }
0x6c: {  	[spmem:s3] =	stream.indirect.scatter.add.f32 [tilespmem:s22], [sflag:$0x7], $0x10, s23, s18, $0xb8;
	[tilespmem:$0x9740] =	vst v63  }
0x6d: {  	_ =	swait.ge [sflag:s29], $0x7D0  }
0x6e: {  	[sflag:s29] =	ssyncset.done $0x0  }
0x6f: {  	s23 =	sadd.s32 $0x2980, s21;
	[sflag:s29] =	ssyncadd.s32 $0xFFFFF830  }
0x70: {  	[spmem:s3] =	stream.indirect.scatter.add.f32 [tilespmem:s24], [sflag:$0x8], $0x10, s23, s18, $0xb8;
	[tilespmem:$0x9740] =	vst v63  }
0x71: {  	_ =	swait.ge [sflag:s30], $0x7D0  }
0x72: {  	[sflag:s30] =	ssyncset.done $0x0  }
0x73: {  	s23 =	sadd.s32 $0x200, s21;
	[sflag:s30] =	ssyncadd.s32 $0xFFFFF830  }
0x74: {  	[tilespmem:s17], [sflag:$0x1] =	stream.indirect.gather [hbm4b:s2+s18], $0x10, s23, s18, $0xb8;
	[tilespmem:$0x9740] =	vst v63  }
0x75: {  	_ =	swait.ge [sflag:s31], $0x7D0  }
0x76: {  	[sflag:s31] =	ssyncset.done $0x0  }
0x77: {  	s23 =	sadd.s32 $0x280, s21;
	[sflag:s31] =	ssyncadd.s32 $0xFFFFF830  }
0x78: {  	[tilespmem:s20], [sflag:$0x2] =	stream.indirect.gather [hbm4b:s2+s18], $0x10, s23, s18, $0xb8;
	[tilespmem:$0x9740] =	vst v63  }
0x79: {  	_ =	swait.ge [sflag:s0], $0x7D0  }
0x7a: {  	[sflag:s0] =	ssyncset.done $0x0  }
.Ltmp1:
0x7b: {  	s23 =	sadd.s32 $0x300, s21;
	[sflag:s0] =	ssyncadd.s32 $0xFFFFF830;
	(pc) =	sbr.rel @p0 .LBB2_4-.Ltmp1, $4  }
0x7c: {  	[tilespmem:s22], [sflag:$0x3] =	stream.indirect.gather [hbm4b:s2+s18], $0x10, s23, s18, $0xb8;
	[tilespmem:$0x9740] =	vst v63  }
0x7d: {  	_ =	swait.ge [sflag:s1], $0x7D0  }
0x7e: {  	[sflag:s1] =	ssyncset.done $0x0  }
0x7f: {  	s21 =	sadd.s32 $0x380, s21;
	[sflag:s1] =	ssyncadd.s32 $0xFFFFF830  }
0x80: {  	[tilespmem:s24], [sflag:$0x4] =	stream.indirect.gather [hbm4b:s2+s18], $0x10, s21, s18, $0xb8;
	[tilespmem:$0x9740] =	vst v63  }
0x81: {  	_ =	swait.ge [sflag:s25], $0x7D0  }
0x82: {  	[sflag:s25] =	ssyncset.done $0x0  }
0x83: {  	s19 =	simm.s32 $0x4E00;
	[sflag:s25] =	ssyncadd.s32 $0xFFFFF830  }
0x84: {  	[spmem:s3] =	stream.indirect.scatter.add.f32 [tilespmem:s17], [sflag:$0x5], $0x10, s19, s18, $0xb8;
	[tilespmem:$0x9740] =	vst v63  }
0x85: {  	_ =	swait.ge [sflag:s26], $0x7D0  }
0x86: {  	[sflag:s26] =	ssyncset.done $0x0  }
0x87: {  	s23 =	simm.s32 $0x4E80;
	[sflag:s26] =	ssyncadd.s32 $0xFFFFF830  }
0x88: {  	[spmem:s3] =	stream.indirect.scatter.add.f32 [tilespmem:s20], [sflag:$0x6], $0x10, s23, s18, $0xb8;
	[tilespmem:$0x9740] =	vst v63  }
0x89: {  	_ =	swait.ge [sflag:s28], $0x7D0  }
0x8a: {  	[sflag:s28] =	ssyncset.done $0x0  }
0x8b: {  	s21 =	simm.s32 $0x4F00;
	[sflag:s28] =	ssyncadd.s32 $0xFFFFF830  }
0x8c: {  	[spmem:s3] =	stream.indirect.scatter.add.f32 [tilespmem:s22], [sflag:$0x7], $0x10, s21, s18, $0xb8;
	[tilespmem:$0x9740] =	vst v63  }
0x8d: {  	_ =	swait.ge [sflag:s29], $0x7D0  }
0x8e: {  	[sflag:s29] =	ssyncset.done $0x0  }
0x8f: {  	s23 =	simm.s32 $0x4F80;
	[sflag:s29] =	ssyncadd.s32 $0xFFFFF830  }
0x90: {  	[spmem:s3] =	stream.indirect.scatter.add.f32 [tilespmem:s24], [sflag:$0x8], $0x10, s23, s18, $0xb8;
	[tilespmem:$0x9740] =	vst v63  }
0x91: {  	_ =	swait.ge [sflag:s30], $0x7D0  }
0x92: {  	[sflag:s30] =	ssyncset.done $0x0  }
0x93: {  	[sflag:s30] =	ssyncadd.s32 $0xFFFFF830  }
0x94: {  	_ =	swait.ge [sflag:s31], $0x7D0  }
0x95: {  	[sflag:s31] =	ssyncset.done $0x0  }
0x96: {  	[sflag:s31] =	ssyncadd.s32 $0xFFFFF830  }
0x97: {  	_ =	swait.ge [sflag:s0], $0x7D0  }
0x98: {  	[sflag:s0] =	ssyncset.done $0x0  }
0x99: {  	[sflag:s0] =	ssyncadd.s32 $0xFFFFF830  }
0x9a: {  	s21 =	stileid.u32;
	_ =	swait.ge [sflag:s1], $0x7D0  }
0x9b: {  	s16 =	sadd.s32 $0x1, s16;
	s19 =	sshll.u32 s21, $0x6;
	[sflag:s1] =	ssyncset.done $0x0  }
0x9c: {  	p0 =	sne.s32 s16, s14;
	s19 =	sor.u32 $0x1C09, s19;
	[sflag:s1] =	ssyncadd.s32 $0xFFFFF830  }
.Ltmp2:
0x9d: {  	s23 =	sshrl.u32 s7, $0x3;
	[bflag:$0x0] =	sbarrier.arrive $0xFFFF;
	(pc) =	sbr.rel @p0 .LBB2_1-.Ltmp2, $4  }
0x9e: {  	[hbm:s13], [sflag:s19] =	dma.local [spmem:s23], $0x500  }
0x9f: {  	_ =	swait.ge [sflag:s15], $0x500  }
0xa0: {  	[sflag:s15] =	ssyncset.done $0x0  }
0xa1: {  	[sflag:s15] =	ssyncadd.s32 $0xFFFFFB00  }
0xa2: {  	_ =	sfence.sel $0x180000  }
0xa3: {  	[bflag:$0x0] =	sbarrier.arrive $0xFFFF  }
0xa4: {  	_ =	strace $0x9000004A  }
0xa5: {  	s0 =	stileid.u32;
	[bflag:$0x2] =	sbarrier.arrive $0xFFFF  }
0xa6: {  	p0 =	sne.s32 s0, $0x0;
	s0 =	rddreg [dreg:$0x3]  }
0xa7: {  	s0 =	sadd.s32 @!p0 $0x100000, s0  }
0xa8: {  	[sflag:s0] =	ssyncadd.tile.s32 @!p0 $0x1;
	_ =	shalt  }
.Lfunc_end2:
_tile_overlayer_lowered:
.L_overlay_start_2:
0xa9: {  	(tag) =	ssettag $0x2  }
0xaa: {  	s0 =	rddreg [dreg:$0x0];
	s2 =	stileid.u32  }
0xab: {  	s1 =	rddreg [dreg:$0x1];
	p0 =	sne.s32 s2, $0x0  }
0xac: {  	s3 =	rddreg [dreg:$0x2];
	[bflag:$0x3] =	sbarrier.arrive $0xFFFF;
	s2 =	simm.s32 @!p0 $0x1C09  }
0xad: {  	[timem:s3], [sflag:s2] =	dma.local @!p0 [hbm:s0], s1  }
0xae: {  	s0 =	simm.s32 @!p0 $0x9  }
0xaf: {  	_ =	swait.ge @!p0 [sflag:s0], s1  }
0xb0: {  	s1 =	ssub.s32 @!p0 $0x0, s1;
	[sflag:s0] =	ssyncset.done @!p0 $0x0  }
0xb1: {  	[sflag:s0] =	ssyncadd.s32 @!p0 s1  }
0xb2: {  	[bflag:$0x3] =	sbarrier.arrive $0xFFFF  }
0xb3: {  	_ =	shalt  }

</sc_bundles>
